<compile_context>
chip_gen: v7x
topology: tpu7x:2x2x1
jax: 0.10.2.dev20260603
libtpu: 0.0.44.dev20260713+nightly
codegen_flags: <defaults>
</compile_context>

<pallas_src>
import functools

import jax
import jax.numpy as jnp
from jax import lax
from jax.experimental import pallas as pl
from jax.experimental.pallas import tpu as pltpu
from jax.experimental.pallas import tpu_sc as plsc

N = 10000
E = 320000
DIN = 128
DE = 16
H = 4
HID = 32
F = H * HID
DOUT = 128
NS = 0.1
EPS = 1e-5

NW = 32
CHUNK = 128
CPW = 80
EP = NW * CPW * CHUNK
NCH = EP // CHUNK
NACC = 10240
RPS = NACC // 16
DROWS = NACC // 32

_mesh = plsc.VectorSubcoreMesh(core_axis_name="c", subcore_axis_name="s")


def _leaky(x):
    return jnp.where(x >= 0, x, NS * x)


def _hsel():
    c = lax.broadcasted_iota(jnp.int32, (F, H), 0)
    h = lax.broadcasted_iota(jnp.int32, (F, H), 1)
    return (c // HID == h).astype(jnp.float32)


def _hselT():
    c = lax.broadcasted_iota(jnp.int32, (H, F), 1)
    h = lax.broadcasted_iota(jnp.int32, (H, F), 0)
    return (c // HID == h).astype(jnp.float32)


def _hmod():
    c = lax.broadcasted_iota(jnp.int32, (H, F), 1)
    h = lax.broadcasted_iota(jnp.int32, (H, F), 0)
    return (c % H == h).astype(jnp.float32)


def _hmean():
    r = lax.broadcasted_iota(jnp.int32, (F, HID), 0)
    c = lax.broadcasted_iota(jnp.int32, (F, HID), 1)
    return jnp.where(r % HID == c, 1.0 / H, 0.0).astype(jnp.float32)



def _dense1_body(x_ref, win_ref, scale_ref, shift_ref, wl_ref, bl_ref,
                 wr_ref, br_ref, xl_ref, xr_ref):
    e0 = jnp.dot(x_ref[...], win_ref[...], preferred_element_type=jnp.float32)
    e0 = _leaky(e0 * scale_ref[...] + shift_ref[...])
    xl_ref[...] = jnp.dot(e0, wl_ref[...], preferred_element_type=jnp.float32) + bl_ref[...]
    xr_ref[...] = jnp.dot(e0, wr_ref[...], preferred_element_type=jnp.float32) + br_ref[...]


def _dense1(x, W_in, scale, shift, Wl, bl, Wr, br):
    return pl.pallas_call(
        _dense1_body,
        out_shape=(jax.ShapeDtypeStruct((N, F), jnp.float32),
                   jax.ShapeDtypeStruct((N, F), jnp.float32)),
    )(x, W_in, scale, shift, Wl, bl, Wr, br)


B2 = 2048


def _edge_body(xj_ref, xi_ref, ea_ref, we_ref, att_ref, dst_ref,
               msg_ref, wrow_ref):
    pid = pl.program_id(0)
    xj = xj_ref[...]
    ee = jnp.dot(ea_ref[...], we_ref[...], preferred_element_type=jnp.float32)
    t = _leaky(xj + xi_ref[...] + ee) * att_ref[...]
    logits = jnp.dot(t, _hsel(), preferred_element_type=jnp.float32)
    w = jnp.exp(jnp.minimum(logits, 60.0))
    row = pid * B2 + lax.broadcasted_iota(jnp.int32, (B2, H), 0)
    w = jnp.where(row < E, w, 0.0)
    wexp = jnp.dot(w, _hselT(), preferred_element_type=jnp.float32)
    msg_ref[...] = xj * wexp
    wsel = jnp.dot(w, _hmod(), preferred_element_type=jnp.float32)
    lanes = lax.broadcasted_iota(jnp.int32, (B2, F), 1)
    dstm = lax.rem(dst_ref[...], 32).reshape(B2, 1)
    wrow_ref[...] = jnp.where(lanes // H == dstm, wsel, 0.0)


def _edge(xj, xi, eap, We, att, dstp):
    grid = (EP // B2,)
    return pl.pallas_call(
        _edge_body,
        grid=grid,
        in_specs=[
            pl.BlockSpec((B2, F), lambda i: (i, 0)),
            pl.BlockSpec((B2, F), lambda i: (i, 0)),
            pl.BlockSpec((B2, DE), lambda i: (i, 0)),
            pl.BlockSpec((DE, F), lambda i: (0, 0)),
            pl.BlockSpec((1, F), lambda i: (0, 0)),
            pl.BlockSpec((B2, 1), lambda i: (i, 0)),
        ],
        out_specs=(pl.BlockSpec((B2, F), lambda i: (i, 0)),
                   pl.BlockSpec((B2, F), lambda i: (i, 0))),
        out_shape=(jax.ShapeDtypeStruct((EP, F), jnp.float32),
                   jax.ShapeDtypeStruct((EP, F), jnp.float32)),
    )(xj, xi, eap, We, att, dstp)


def _normalize(a0, a1, d0, d1, bias):
    denx = jnp.dot(d0 + d1, _hselT(), preferred_element_type=jnp.float32)
    msgn = (a0 + a1) / (denx + 1e-16)
    return jnp.dot(msgn, _hmean(), preferred_element_type=jnp.float32) + bias


def _combine_body(a0_ref, a1_ref, d0_ref, d1_ref, bias_ref, wl_ref, bl_ref,
                  wr_ref, br_ref, xl_ref, xr_ref):
    h1 = _normalize(a0_ref[...], a1_ref[...], d0_ref[...], d1_ref[...],
                    bias_ref[...])
    xl_ref[...] = jnp.dot(h1, wl_ref[...], preferred_element_type=jnp.float32) + bl_ref[...]
    xr_ref[...] = jnp.dot(h1, wr_ref[...], preferred_element_type=jnp.float32) + br_ref[...]


def _combine(a0, a1, d0, d1, bias, Wl, bl, Wr, br):
    return pl.pallas_call(
        _combine_body,
        out_shape=(jax.ShapeDtypeStruct((N, F), jnp.float32),
                   jax.ShapeDtypeStruct((N, F), jnp.float32)),
    )(a0, a1, d0, d1, bias, Wl, bl, Wr, br)


def _final_body(a0_ref, a1_ref, d0_ref, d1_ref, bias_ref, wo_ref, bo_ref,
                out_ref):
    h2 = _normalize(a0_ref[...], a1_ref[...], d0_ref[...], d1_ref[...],
                    bias_ref[...])
    out_ref[...] = _leaky(
        jnp.dot(h2, wo_ref[...], preferred_element_type=jnp.float32) + bo_ref[...])


def _final(a0, a1, d0, d1, bias, W_out, b_out):
    return pl.pallas_call(
        _final_body,
        out_shape=jax.ShapeDtypeStruct((N, DOUT), jnp.float32),
    )(a0, a1, d0, d1, bias, W_out, b_out)



@functools.partial(
    pl.kernel,
    out_type=(jax.ShapeDtypeStruct((EP, F), jnp.float32),
              jax.ShapeDtypeStruct((EP, F), jnp.float32)),
    mesh=_mesh,
    scratch_types=[
        pltpu.VMEM((CPW, CHUNK), jnp.int32),
        pltpu.VMEM((CPW, CHUNK), jnp.int32),
        pltpu.VMEM((CHUNK, F), jnp.float32),
        pltpu.VMEM((CHUNK, F), jnp.float32),
        pltpu.VMEM((CHUNK, F), jnp.float32),
        pltpu.VMEM((CHUNK, F), jnp.float32),
        pltpu.SemaphoreType.DMA,
        pltpu.SemaphoreType.DMA,
        pltpu.SemaphoreType.DMA,
        pltpu.SemaphoreType.DMA,
    ],
)
def _gather(xl, xr, src2, dst2, xj, xi, sidx, didx,
            jb0, jb1, ib0, ib1, sj0, sj1, si0, si1):
    wid = lax.axis_index("s") * 2 + lax.axis_index("c")
    base = wid * CPW
    pltpu.sync_copy(src2.at[pl.ds(base, CPW)], sidx)
    pltpu.sync_copy(dst2.at[pl.ds(base, CPW)], didx)

    def start(k, jb, ib, sj, si):
        pltpu.make_async_copy(xl.at[sidx.at[k]], jb, sj).start()
        pltpu.make_async_copy(xr.at[didx.at[k]], ib, si).start()

    def drain(k, jb, ib, sj, si):
        off = (base + k) * CHUNK
        pltpu.make_async_copy(xl.at[sidx.at[k]], jb, sj).wait()
        pltpu.sync_copy(jb, xj.at[pl.ds(off, CHUNK)])
        pltpu.make_async_copy(xr.at[didx.at[k]], ib, si).wait()
        pltpu.sync_copy(ib, xi.at[pl.ds(off, CHUNK)])

    start(0, jb0, ib0, sj0, si0)
    start(1, jb1, ib1, sj1, si1)

    def body(kk, carry):
        k0 = 2 * kk
        drain(k0, jb0, ib0, sj0, si0)

        @pl.when(k0 + 2 < CPW)
        def _():
            start(k0 + 2, jb0, ib0, sj0, si0)

        drain(k0 + 1, jb1, ib1, sj1, si1)

        @pl.when(k0 + 3 < CPW)
        def _():
            start(k0 + 3, jb1, ib1, sj1, si1)

        return carry

    lax.fori_loop(0, CPW // 2, body, 0)


@functools.partial(
    pl.kernel,
    out_type=(jax.ShapeDtypeStruct((2 * NACC, F), jnp.float32),
              jax.ShapeDtypeStruct((2 * DROWS, F), jnp.float32)),
    mesh=_mesh,
    scratch_types=[
        pltpu.VMEM((CPW, CHUNK), jnp.int32),
        pltpu.VMEM((CPW, CHUNK), jnp.int32),
        pltpu.VMEM((CHUNK, F), jnp.float32),
        pltpu.VMEM_SHARED((NACC, F), jnp.float32),
        pltpu.VMEM_SHARED((DROWS, F), jnp.float32),
    ],
)
def _scatter(msg, wrow, dst2, dst32, accp, denp,
             didx, didx32, mbuf, acc, dacc):
    cid = lax.axis_index("c")
    sid = lax.axis_index("s")
    wid = sid * 2 + cid
    base = wid * CPW
    pltpu.sync_copy(dst2.at[pl.ds(base, CPW)], didx)
    pltpu.sync_copy(dst32.at[pl.ds(base, CPW)], didx32)

    def zrow(i, carry):
        for j in range(F // 16):
            mbuf[i, pl.ds(j * 16, 16)] = jnp.zeros((16,), jnp.float32)
        return carry

    lax.fori_loop(0, CHUNK, zrow, 0)
    zb = sid * RPS
    for t in range(RPS // CHUNK):
        pltpu.sync_copy(mbuf, acc.at[pl.ds(zb + t * CHUNK, CHUNK)])

    @pl.when(sid < 10)
    def _():
        pltpu.sync_copy(mbuf.at[pl.ds(0, 32)], dacc.at[pl.ds(sid * 32, 32)])

    plsc.subcore_barrier()

    def body(k, carry):
        pltpu.sync_copy(msg.at[pl.ds((base + k) * CHUNK, CHUNK)], mbuf)
        pltpu.sync_copy(mbuf, acc.at[didx.at[k]], add=True)
        pltpu.sync_copy(wrow.at[pl.ds((base + k) * CHUNK, CHUNK)], mbuf)
        pltpu.sync_copy(mbuf, dacc.at[didx32.at[k]], add=True)
        return carry

    lax.fori_loop(0, CPW, body, 0)
    plsc.subcore_barrier()

    def wb(t, carry):
        pltpu.sync_copy(acc.at[pl.ds(zb + t * CHUNK, CHUNK)], mbuf)
        pltpu.sync_copy(mbuf, accp.at[pl.ds(cid * NACC + zb + t * CHUNK, CHUNK)])
        return carry

    lax.fori_loop(0, RPS // CHUNK, wb, 0)

    @pl.when(sid < 10)
    def _():
        pltpu.sync_copy(dacc.at[pl.ds(sid * 32, 32)], mbuf.at[pl.ds(0, 32)])
        pltpu.sync_copy(mbuf.at[pl.ds(0, 32)],
                        denp.at[pl.ds(cid * DROWS + sid * 32, 32)])



def kernel(x, edge_index, edge_attr, W_in, b_in, bn_g, bn_b, bn_m, bn_v,
           l1_Wl, l1_bl, l1_Wr, l1_br, l1_We, l1_att, l1_bias,
           l2_Wl, l2_bl, l2_Wr, l2_br, l2_We, l2_att, l2_bias,
           W_out, b_out):
    pad = EP - E
    srcp = jnp.pad(edge_index[0], (0, pad))
    dstp = jnp.pad(edge_index[1], (0, pad))
    src2 = srcp.reshape(NCH, CHUNK)
    dst2 = dstp.reshape(NCH, CHUNK)
    dst32 = (dstp // 32).reshape(NCH, CHUNK)
    dstp1 = dstp.reshape(EP, 1)
    eap = jnp.pad(edge_attr, ((0, pad), (0, 0)))

    scale = bn_g * lax.rsqrt(bn_v + EPS)
    shift = b_in * scale + bn_b - bn_m * scale
    att1 = l1_att.reshape(1, F)
    att2 = l2_att.reshape(1, F)

    def unpack_den(denp):
        return denp.reshape(NACC, H)[:N]

    xl1, xr1 = _dense1(x, W_in, scale.reshape(1, HID), shift.reshape(1, HID),
                       l1_Wl, l1_bl.reshape(1, F), l1_Wr, l1_br.reshape(1, F))
    xj1, xi1 = _gather(xl1, xr1, src2, dst2)
    msg1, wrow1 = _edge(xj1, xi1, eap, l1_We, att1, dstp1)
    accp1, denp1 = _scatter(msg1, wrow1, dst2, dst32)
    xl2, xr2 = _combine(accp1[:N], accp1[NACC:NACC + N],
                        unpack_den(denp1[:DROWS]), unpack_den(denp1[DROWS:]),
                        l1_bias.reshape(1, HID),
                        l2_Wl, l2_bl.reshape(1, F), l2_Wr, l2_br.reshape(1, F))
    xj2, xi2 = _gather(xl2, xr2, src2, dst2)
    msg2, wrow2 = _edge(xj2, xi2, eap, l2_We, att2, dstp1)
    accp2, denp2 = _scatter(msg2, wrow2, dst2, dst32)
    return _final(accp2[:N], accp2[NACC:NACC + N],
                  unpack_den(denp2[:DROWS]), unpack_den(denp2[DROWS:]),
                  l2_bias.reshape(1, HID), W_out, b_out.reshape(1, DOUT))

# --- scband reference (transcript-rebuilt; emitter-appended) ---
"""Pipeline reference for scband-graph-attention-block-6227702579617 (READ-ONLY COPY).

The authoritative reference and input builder live on the scoring server;
editing this copy changes nothing except your own understanding.
"""

import jax, jax.numpy as jnp
import numpy as np

N = 10000; E = 320000; DIN = 128; DE = 16; H = 4; HID = 32; DOUT = 128; NS = 0.1; EPS = 1e-5


def _leaky(x):
    return jnp.where(x >= 0, x, NS * x)


def _gatv2(h, edge_attr, src, dst, Wl, bl, Wr, br, We, att, bias):
    # GATv2Conv, concat=False, dropout inactive (eval mode)
    xl = (h @ Wl + bl).reshape(N, H, HID)
    xr = (h @ Wr + br).reshape(N, H, HID)
    xj = xl[src]                     # source node features per edge [E,H,C]
    xi = xr[dst]                     # target node features per edge [E,H,C]
    ee = (edge_attr @ We).reshape(E, H, HID)
    e = _leaky(xj + xi + ee)
    alpha = (e * att[None, :, :]).sum(-1)           # [E,H]
    m = jax.ops.segment_max(alpha, dst, num_segments=N)
    alpha = jnp.exp(alpha - m[dst])
    den = jax.ops.segment_sum(alpha, dst, num_segments=N)
    alpha = alpha / (den[dst] + 1e-16)
    msg = xj * alpha[:, :, None]
    out = jax.ops.segment_sum(msg, dst, num_segments=N)  # [N,H,C]
    return out.mean(axis=1) + bias


def setup_inputs(seed: int = 0) -> dict:
    key = jax.random.key(seed)
    ks = jax.random.split(key, 32)
    inp = {}
    inp["x"] = jax.random.normal(ks[0], (N, DIN), dtype=jnp.float32)
    inp["edge_index"] = jax.random.randint(ks[1], (2, E), 0, N, dtype=jnp.int32)
    inp["edge_attr"] = jax.random.normal(ks[2], (E, DE), dtype=jnp.float32)
    # input embed layer: Linear(128->32) + BatchNorm1d(32) (eval stats) + LeakyReLU
    inp["W_in"] = jax.random.normal(ks[3], (DIN, HID), dtype=jnp.float32) / np.sqrt(DIN)
    inp["b_in"] = jnp.zeros((HID,), jnp.float32)
    inp["bn_g"] = jnp.ones((HID,), jnp.float32)
    inp["bn_b"] = jnp.zeros((HID,), jnp.float32)
    inp["bn_m"] = jnp.zeros((HID,), jnp.float32)
    inp["bn_v"] = jnp.ones((HID,), jnp.float32)
    # two GATv2Conv layers
    for li, base in [(1, 8), (2, 16)]:
        inp[f"l{li}_Wl"] = jax.random.normal(ks[base + 0], (HID, H * HID), dtype=jnp.float32) / np.sqrt(HID)
        inp[f"l{li}_bl"] = jnp.zeros((H * HID,), jnp.float32)
        inp[f"l{li}_Wr"] = jax.random.normal(ks[base + 1], (HID, H * HID), dtype=jnp.float32) / np.sqrt(HID)
        inp[f"l{li}_br"] = jnp.zeros((H * HID,), jnp.float32)
        inp[f"l{li}_We"] = jax.random.normal(ks[base + 2], (DE, H * HID), dtype=jnp.float32) / np.sqrt(DE)
        inp[f"l{li}_att"] = jax.random.normal(ks[base + 3], (H, HID), dtype=jnp.float32) / np.sqrt(HID)
        inp[f"l{li}_bias"] = jnp.zeros((HID,), jnp.float32)
    inp["W_out"] = jax.random.normal(ks[30], (HID, DOUT), dtype=jnp.float32) / np.sqrt(HID)
    inp["b_out"] = jnp.zeros((DOUT,), jnp.float32)
    return inp


def reference(x, edge_index, edge_attr, W_in, b_in, bn_g, bn_b, bn_m, bn_v,
              l1_Wl, l1_bl, l1_Wr, l1_br, l1_We, l1_att, l1_bias,
              l2_Wl, l2_bl, l2_Wr, l2_br, l2_We, l2_att, l2_bias,
              W_out, b_out):
    src = edge_index[0]
    dst = edge_index[1]
    e0 = x @ W_in + b_in
    e0 = (e0 - bn_m) / jnp.sqrt(bn_v + EPS) * bn_g + bn_b
    e0 = _leaky(e0)
    h = _gatv2(e0, edge_attr, src, dst, l1_Wl, l1_bl, l1_Wr, l1_br, l1_We, l1_att, l1_bias)
    h = _gatv2(h, edge_attr, src, dst, l2_Wl, l2_bl, l2_Wr, l2_br, l2_We, l2_att, l2_bias)
    out = _leaky(h @ W_out + b_out)
    return out

if __name__ == "__main__":
    import jax
    _d = setup_inputs()
    print(jax.jit(kernel)(*tuple(_d.values())))

</pallas_src>

<mosaic_0001>
#map = affine_map<(d0, d1) -> (0, 0)>
module attributes {stable_mosaic.version = 14 : i64} {
  func.func @_scatter(%arg0: i32, %arg1: i32, %arg2: memref<327680x128xf32, #tpu.memory_space<hbm>>, %arg3: memref<327680x128xf32, #tpu.memory_space<hbm>>, %arg4: memref<2560x128xi32, #tpu.memory_space<hbm>>, %arg5: memref<2560x128xi32, #tpu.memory_space<hbm>>, %arg6: memref<20480x128xf32, #tpu.memory_space<hbm>>, %arg7: memref<640x128xf32, #tpu.memory_space<hbm>>, %arg8: memref<80x128xi32, #tpu.memory_space<vmem>>, %arg9: memref<80x128xi32, #tpu.memory_space<vmem>>, %arg10: memref<128x128xf32, #tpu.memory_space<vmem>>, %arg11: memref<10240x128xf32, #tpu.memory_space<vmem_shared>>, %arg12: memref<320x128xf32, #tpu.memory_space<vmem_shared>>) attributes {dimension_semantics = [#tpu.dimension_semantics<core_parallel>, #tpu.dimension_semantics<subcore_parallel>], iteration_bounds = array<i64: 2, 16>, scalar_prefetch = 0 : i64, scratch_operands = 5 : i64, tpu.core_type = #tpu.core_type<sc_vector_subcore>, window_params = [{transform_indices = #map}, {transform_indices = #map}, {transform_indices = #map}, {transform_indices = #map}, {transform_indices = #map}, {transform_indices = #map}]} {
    %mul3A = arith.constant 2 : i32
    %mul3A_0 = arith.muli %arg1, %mul3A : i32
    %add3A = arith.addi %mul3A_0, %arg0 : i32
    %mul3A_1 = arith.constant 80 : i32
    %mul3A_2 = arith.muli %add3A, %mul3A_1 : i32
    "tpu.region"() ({
      %run_scoped3A = tpu.sem_alloc : memref<!tpu.dma_semaphore, #tpu.memory_space<semaphore_mem>>
      %dma_start3A = arith.constant 0 : i32
      %dma_start3A_40 = tpu.memref_slice %arg4[%mul3A_2, %dma_start3A] : memref<2560x128xi32, #tpu.memory_space<hbm>> -> memref<80x128xi32, #tpu.memory_space<hbm>>
      %dma_start3A_41 = arith.constant 0 : i32
      %dma_start3A_42 = tpu.memref_slice %arg4[%mul3A_2, %dma_start3A_41] : memref<2560x128xi32, #tpu.memory_space<hbm>> -> memref<80x128xi32, #tpu.memory_space<hbm>>
      tpu.enqueue_dma source(%dma_start3A_42 : memref<80x128xi32, #tpu.memory_space<hbm>>) target(%arg8 : memref<80x128xi32, #tpu.memory_space<vmem>>) target_semaphore(%run_scoped3A : memref<!tpu.dma_semaphore, #tpu.memory_space<semaphore_mem>>)
      %dma_wait3A = arith.constant 0 : i32
      %dma_wait3A_43 = tpu.memref_slice %arg4[%mul3A_2, %dma_wait3A] : memref<2560x128xi32, #tpu.memory_space<hbm>> -> memref<80x128xi32, #tpu.memory_space<hbm>>
      %dma_wait3A_44 = arith.constant 0 : i32
      %dma_wait3A_45 = tpu.memref_slice %arg4[%mul3A_2, %dma_wait3A_44] : memref<2560x128xi32, #tpu.memory_space<hbm>> -> memref<80x128xi32, #tpu.memory_space<hbm>>
      tpu.wait_dma2 semaphore(%run_scoped3A : memref<!tpu.dma_semaphore, #tpu.memory_space<semaphore_mem>>) src(%dma_wait3A_45 : memref<80x128xi32, #tpu.memory_space<hbm>>) dst(%arg8 : memref<80x128xi32, #tpu.memory_space<vmem>>)
      tpu.yield
    }) : () -> ()
    "tpu.region"() ({
      %run_scoped3A = tpu.sem_alloc : memref<!tpu.dma_semaphore, #tpu.memory_space<semaphore_mem>>
      %dma_start3A = arith.constant 0 : i32
      %dma_start3A_40 = tpu.memref_slice %arg5[%mul3A_2, %dma_start3A] : memref<2560x128xi32, #tpu.memory_space<hbm>> -> memref<80x128xi32, #tpu.memory_space<hbm>>
      %dma_start3A_41 = arith.constant 0 : i32
      %dma_start3A_42 = tpu.memref_slice %arg5[%mul3A_2, %dma_start3A_41] : memref<2560x128xi32, #tpu.memory_space<hbm>> -> memref<80x128xi32, #tpu.memory_space<hbm>>
      tpu.enqueue_dma source(%dma_start3A_42 : memref<80x128xi32, #tpu.memory_space<hbm>>) target(%arg9 : memref<80x128xi32, #tpu.memory_space<vmem>>) target_semaphore(%run_scoped3A : memref<!tpu.dma_semaphore, #tpu.memory_space<semaphore_mem>>)
      %dma_wait3A = arith.constant 0 : i32
      %dma_wait3A_43 = tpu.memref_slice %arg5[%mul3A_2, %dma_wait3A] : memref<2560x128xi32, #tpu.memory_space<hbm>> -> memref<80x128xi32, #tpu.memory_space<hbm>>
      %dma_wait3A_44 = arith.constant 0 : i32
      %dma_wait3A_45 = tpu.memref_slice %arg5[%mul3A_2, %dma_wait3A_44] : memref<2560x128xi32, #tpu.memory_space<hbm>> -> memref<80x128xi32, #tpu.memory_space<hbm>>
      tpu.wait_dma2 semaphore(%run_scoped3A : memref<!tpu.dma_semaphore, #tpu.memory_space<semaphore_mem>>) src(%dma_wait3A_45 : memref<80x128xi32, #tpu.memory_space<hbm>>) dst(%arg9 : memref<80x128xi32, #tpu.memory_space<vmem>>)
      tpu.yield
    }) : () -> ()
    %scan3A = arith.constant 0 : i32
    %scan3A_3 = arith.constant 0 : i32
    %scan3A_4 = arith.constant 128 : i32
    %scan3A_5 = arith.addi %scan3A_3, %scan3A_4 : i32
    %scan3A_6 = arith.constant 1 : i32
    scf.for %scan3A_40 = %scan3A_3 to %scan3A_5 step %scan3A_6  : i32 {
      %broadcast_in_dim3A = arith.constant 0.000000e+00 : f32
      %broadcast_in_dim3A_41 = vector.broadcast %broadcast_in_dim3A : f32 to vector<16xf32>
      %swap3A = arith.index_cast %scan3A_40 : i32 to index
      %swap3A_42 = arith.constant 0 : index
      %swap3A_43 = tpu.vector_load %arg10[%swap3A, %swap3A_42] {strides = array<i32>} : memref<128x128xf32, #tpu.memory_space<vmem>>, vector<1x16xf32>,
      %swap3A_44 = vector.shape_cast %swap3A_43 : vector<1x16xf32> to vector<16xf32>
      %swap3A_45 = vector.shape_cast %broadcast_in_dim3A_41 : vector<16xf32> to vector<1x16xf32>
      tpu.vector_store %arg10[%swap3A, %swap3A_42], %swap3A_45 {strides = array<i32>} : memref<128x128xf32, #tpu.memory_space<vmem>>, vector<1x16xf32>,
      %broadcast_in_dim3A_46 = arith.constant 0.000000e+00 : f32
      %broadcast_in_dim3A_47 = vector.broadcast %broadcast_in_dim3A_46 : f32 to vector<16xf32>
      %swap3A_48 = arith.index_cast %scan3A_40 : i32 to index
      %swap3A_49 = arith.constant 16 : index
      %swap3A_50 = tpu.vector_load %arg10[%swap3A_48, %swap3A_49] {strides = array<i32>} : memref<128x128xf32, #tpu.memory_space<vmem>>, vector<1x16xf32>,
      %swap3A_51 = vector.shape_cast %swap3A_50 : vector<1x16xf32> to vector<16xf32>
      %swap3A_52 = vector.shape_cast %broadcast_in_dim3A_47 : vector<16xf32> to vector<1x16xf32>
      tpu.vector_store %arg10[%swap3A_48, %swap3A_49], %swap3A_52 {strides = array<i32>} : memref<128x128xf32, #tpu.memory_space<vmem>>, vector<1x16xf32>,
      %broadcast_in_dim3A_53 = arith.constant 0.000000e+00 : f32
      %broadcast_in_dim3A_54 = vector.broadcast %broadcast_in_dim3A_53 : f32 to vector<16xf32>
      %swap3A_55 = arith.index_cast %scan3A_40 : i32 to index
      %swap3A_56 = arith.constant 32 : index
      %swap3A_57 = tpu.vector_load %arg10[%swap3A_55, %swap3A_56] {strides = array<i32>} : memref<128x128xf32, #tpu.memory_space<vmem>>, vector<1x16xf32>,
      %swap3A_58 = vector.shape_cast %swap3A_57 : vector<1x16xf32> to vector<16xf32>
      %swap3A_59 = vector.shape_cast %broadcast_in_dim3A_54 : vector<16xf32> to vector<1x16xf32>
      tpu.vector_store %arg10[%swap3A_55, %swap3A_56], %swap3A_59 {strides = array<i32>} : memref<128x128xf32, #tpu.memory_space<vmem>>, vector<1x16xf32>,
      %broadcast_in_dim3A_60 = arith.constant 0.000000e+00 : f32
      %broadcast_in_dim3A_61 = vector.broadcast %broadcast_in_dim3A_60 : f32 to vector<16xf32>
      %swap3A_62 = arith.index_cast %scan3A_40 : i32 to index
      %swap3A_63 = arith.constant 48 : index
      %swap3A_64 = tpu.vector_load %arg10[%swap3A_62, %swap3A_63] {strides = array<i32>} : memref<128x128xf32, #tpu.memory_space<vmem>>, vector<1x16xf32>,
      %swap3A_65 = vector.shape_cast %swap3A_64 : vector<1x16xf32> to vector<16xf32>
      %swap3A_66 = vector.shape_cast %broadcast_in_dim3A_61 : vector<16xf32> to vector<1x16xf32>
      tpu.vector_store %arg10[%swap3A_62, %swap3A_63], %swap3A_66 {strides = array<i32>} : memref<128x128xf32, #tpu.memory_space<vmem>>, vector<1x16xf32>,
      %broadcast_in_dim3A_67 = arith.constant 0.000000e+00 : f32
      %broadcast_in_dim3A_68 = vector.broadcast %broadcast_in_dim3A_67 : f32 to vector<16xf32>
      %swap3A_69 = arith.index_cast %scan3A_40 : i32 to index
      %swap3A_70 = arith.constant 64 : index
      %swap3A_71 = tpu.vector_load %arg10[%swap3A_69, %swap3A_70] {strides = array<i32>} : memref<128x128xf32, #tpu.memory_space<vmem>>, vector<1x16xf32>,
      %swap3A_72 = vector.shape_cast %swap3A_71 : vector<1x16xf32> to vector<16xf32>
      %swap3A_73 = vector.shape_cast %broadcast_in_dim3A_68 : vector<16xf32> to vector<1x16xf32>
      tpu.vector_store %arg10[%swap3A_69, %swap3A_70], %swap3A_73 {strides = array<i32>} : memref<128x128xf32, #tpu.memory_space<vmem>>, vector<1x16xf32>,
      %broadcast_in_dim3A_74 = arith.constant 0.000000e+00 : f32
      %broadcast_in_dim3A_75 = vector.broadcast %broadcast_in_dim3A_74 : f32 to vector<16xf32>
      %swap3A_76 = arith.index_cast %scan3A_40 : i32 to index
      %swap3A_77 = arith.constant 80 : index
      %swap3A_78 = tpu.vector_load %arg10[%swap3A_76, %swap3A_77] {strides = array<i32>} : memref<128x128xf32, #tpu.memory_space<vmem>>, vector<1x16xf32>,
      %swap3A_79 = vector.shape_cast %swap3A_78 : vector<1x16xf32> to vector<16xf32>
      %swap3A_80 = vector.shape_cast %broadcast_in_dim3A_75 : vector<16xf32> to vector<1x16xf32>
      tpu.vector_store %arg10[%swap3A_76, %swap3A_77], %swap3A_80 {strides = array<i32>} : memref<128x128xf32, #tpu.memory_space<vmem>>, vector<1x16xf32>,
      %broadcast_in_dim3A_81 = arith.constant 0.000000e+00 : f32
      %broadcast_in_dim3A_82 = vector.broadcast %broadcast_in_dim3A_81 : f32 to vector<16xf32>
      %swap3A_83 = arith.index_cast %scan3A_40 : i32 to index
      %swap3A_84 = arith.constant 96 : index
      %swap3A_85 = tpu.vector_load %arg10[%swap3A_83, %swap3A_84] {strides = array<i32>} : memref<128x128xf32, #tpu.memory_space<vmem>>, vector<1x16xf32>,
      %swap3A_86 = vector.shape_cast %swap3A_85 : vector<1x16xf32> to vector<16xf32>
      %swap3A_87 = vector.shape_cast %broadcast_in_dim3A_82 : vector<16xf32> to vector<1x16xf32>
      tpu.vector_store %arg10[%swap3A_83, %swap3A_84], %swap3A_87 {strides = array<i32>} : memref<128x128xf32, #tpu.memory_space<vmem>>, vector<1x16xf32>,
      %broadcast_in_dim3A_88 = arith.constant 0.000000e+00 : f32
      %broadcast_in_dim3A_89 = vector.broadcast %broadcast_in_dim3A_88 : f32 to vector<16xf32>
      %swap3A_90 = arith.index_cast %scan3A_40 : i32 to index
      %swap3A_91 = arith.constant 112 : index
      %swap3A_92 = tpu.vector_load %arg10[%swap3A_90, %swap3A_91] {strides = array<i32>} : memref<128x128xf32, #tpu.memory_space<vmem>>, vector<1x16xf32>,
      %swap3A_93 = vector.shape_cast %swap3A_92 : vector<1x16xf32> to vector<16xf32>
      %swap3A_94 = vector.shape_cast %broadcast_in_dim3A_89 : vector<16xf32> to vector<1x16xf32>
      tpu.vector_store %arg10[%swap3A_90, %swap3A_91], %swap3A_94 {strides = array<i32>} : memref<128x128xf32, #tpu.memory_space<vmem>>, vector<1x16xf32>,
    }
    %scan3A_7 = arith.constant 128 : i32
    %mul3A_8 = arith.constant 640 : i32
    %mul3A_9 = arith.muli %arg1, %mul3A_8 : i32
    %add3A_10 = arith.constant 0 : i32
    %add3A_11 = arith.addi %mul3A_9, %add3A_10 : i32
    "tpu.region"() ({
      %run_scoped3A = tpu.sem_alloc : memref<!tpu.dma_semaphore, #tpu.memory_space<semaphore_mem>>
      %dma_start3A = arith.constant 0 : i32
      %dma_start3A_40 = tpu.memref_slice %arg11[%add3A_11, %dma_start3A] : memref<10240x128xf32, #tpu.memory_space<vmem_shared>> -> memref<128x128xf32, #tpu.memory_space<vmem_shared>>
      %dma_start3A_41 = arith.constant 0 : i32
      %dma_start3A_42 = tpu.memref_slice %arg11[%add3A_11, %dma_start3A_41] : memref<10240x128xf32, #tpu.memory_space<vmem_shared>> -> memref<128x128xf32, #tpu.memory_space<vmem_shared>>
      tpu.enqueue_dma source(%arg10 : memref<128x128xf32, #tpu.memory_space<vmem>>) target(%dma_start3A_42 : memref<128x128xf32, #tpu.memory_space<vmem_shared>>) target_semaphore(%run_scoped3A : memref<!tpu.dma_semaphore, #tpu.memory_space<semaphore_mem>>)
      %dma_wait3A = arith.constant 0 : i32
      %dma_wait3A_43 = tpu.memref_slice %arg11[%add3A_11, %dma_wait3A] : memref<10240x128xf32, #tpu.memory_space<vmem_shared>> -> memref<128x128xf32, #tpu.memory_space<vmem_shared>>
      %dma_wait3A_44 = arith.constant 0 : i32
      %dma_wait3A_45 = tpu.memref_slice %arg11[%add3A_11, %dma_wait3A_44] : memref<10240x128xf32, #tpu.memory_space<vmem_shared>> -> memref<128x128xf32, #tpu.memory_space<vmem_shared>>
      tpu.wait_dma2 semaphore(%run_scoped3A : memref<!tpu.dma_semaphore, #tpu.memory_space<semaphore_mem>>) src(%arg10 : memref<128x128xf32, #tpu.memory_space<vmem>>) dst(%dma_wait3A_45 : memref<128x128xf32, #tpu.memory_space<vmem_shared>>)
      tpu.yield
    }) : () -> ()
    %add3A_12 = arith.constant 128 : i32
    %add3A_13 = arith.addi %mul3A_9, %add3A_12 : i32
    "tpu.region"() ({
      %run_scoped3A = tpu.sem_alloc : memref<!tpu.dma_semaphore, #tpu.memory_space<semaphore_mem>>
      %dma_start3A = arith.constant 0 : i32
      %dma_start3A_40 = tpu.memref_slice %arg11[%add3A_13, %dma_start3A] : memref<10240x128xf32, #tpu.memory_space<vmem_shared>> -> memref<128x128xf32, #tpu.memory_space<vmem_shared>>
      %dma_start3A_41 = arith.constant 0 : i32
      %dma_start3A_42 = tpu.memref_slice %arg11[%add3A_13, %dma_start3A_41] : memref<10240x128xf32, #tpu.memory_space<vmem_shared>> -> memref<128x128xf32, #tpu.memory_space<vmem_shared>>
      tpu.enqueue_dma source(%arg10 : memref<128x128xf32, #tpu.memory_space<vmem>>) target(%dma_start3A_42 : memref<128x128xf32, #tpu.memory_space<vmem_shared>>) target_semaphore(%run_scoped3A : memref<!tpu.dma_semaphore, #tpu.memory_space<semaphore_mem>>)
      %dma_wait3A = arith.constant 0 : i32
      %dma_wait3A_43 = tpu.memref_slice %arg11[%add3A_13, %dma_wait3A] : memref<10240x128xf32, #tpu.memory_space<vmem_shared>> -> memref<128x128xf32, #tpu.memory_space<vmem_shared>>
      %dma_wait3A_44 = arith.constant 0 : i32
      %dma_wait3A_45 = tpu.memref_slice %arg11[%add3A_13, %dma_wait3A_44] : memref<10240x128xf32, #tpu.memory_space<vmem_shared>> -> memref<128x128xf32, #tpu.memory_space<vmem_shared>>
      tpu.wait_dma2 semaphore(%run_scoped3A : memref<!tpu.dma_semaphore, #tpu.memory_space<semaphore_mem>>) src(%arg10 : memref<128x128xf32, #tpu.memory_space<vmem>>) dst(%dma_wait3A_45 : memref<128x128xf32, #tpu.memory_space<vmem_shared>>)
      tpu.yield
    }) : () -> ()
    %add3A_14 = arith.constant 256 : i32
    %add3A_15 = arith.addi %mul3A_9, %add3A_14 : i32
    "tpu.region"() ({
      %run_scoped3A = tpu.sem_alloc : memref<!tpu.dma_semaphore, #tpu.memory_space<semaphore_mem>>
      %dma_start3A = arith.constant 0 : i32
      %dma_start3A_40 = tpu.memref_slice %arg11[%add3A_15, %dma_start3A] : memref<10240x128xf32, #tpu.memory_space<vmem_shared>> -> memref<128x128xf32, #tpu.memory_space<vmem_shared>>
      %dma_start3A_41 = arith.constant 0 : i32
      %dma_start3A_42 = tpu.memref_slice %arg11[%add3A_15, %dma_start3A_41] : memref<10240x128xf32, #tpu.memory_space<vmem_shared>> -> memref<128x128xf32, #tpu.memory_space<vmem_shared>>
      tpu.enqueue_dma source(%arg10 : memref<128x128xf32, #tpu.memory_space<vmem>>) target(%dma_start3A_42 : memref<128x128xf32, #tpu.memory_space<vmem_shared>>) target_semaphore(%run_scoped3A : memref<!tpu.dma_semaphore, #tpu.memory_space<semaphore_mem>>)
      %dma_wait3A = arith.constant 0 : i32
      %dma_wait3A_43 = tpu.memref_slice %arg11[%add3A_15, %dma_wait3A] : memref<10240x128xf32, #tpu.memory_space<vmem_shared>> -> memref<128x128xf32, #tpu.memory_space<vmem_shared>>
      %dma_wait3A_44 = arith.constant 0 : i32
      %dma_wait3A_45 = tpu.memref_slice %arg11[%add3A_15, %dma_wait3A_44] : memref<10240x128xf32, #tpu.memory_space<vmem_shared>> -> memref<128x128xf32, #tpu.memory_space<vmem_shared>>
      tpu.wait_dma2 semaphore(%run_scoped3A : memref<!tpu.dma_semaphore, #tpu.memory_space<semaphore_mem>>) src(%arg10 : memref<128x128xf32, #tpu.memory_space<vmem>>) dst(%dma_wait3A_45 : memref<128x128xf32, #tpu.memory_space<vmem_shared>>)
      tpu.yield
    }) : () -> ()
    %add3A_16 = arith.constant 384 : i32
    %add3A_17 = arith.addi %mul3A_9, %add3A_16 : i32
    "tpu.region"() ({
      %run_scoped3A = tpu.sem_alloc : memref<!tpu.dma_semaphore, #tpu.memory_space<semaphore_mem>>
      %dma_start3A = arith.constant 0 : i32
      %dma_start3A_40 = tpu.memref_slice %arg11[%add3A_17, %dma_start3A] : memref<10240x128xf32, #tpu.memory_space<vmem_shared>> -> memref<128x128xf32, #tpu.memory_space<vmem_shared>>
      %dma_start3A_41 = arith.constant 0 : i32
      %dma_start3A_42 = tpu.memref_slice %arg11[%add3A_17, %dma_start3A_41] : memref<10240x128xf32, #tpu.memory_space<vmem_shared>> -> memref<128x128xf32, #tpu.memory_space<vmem_shared>>
      tpu.enqueue_dma source(%arg10 : memref<128x128xf32, #tpu.memory_space<vmem>>) target(%dma_start3A_42 : memref<128x128xf32, #tpu.memory_space<vmem_shared>>) target_semaphore(%run_scoped3A : memref<!tpu.dma_semaphore, #tpu.memory_space<semaphore_mem>>)
      %dma_wait3A = arith.constant 0 : i32
      %dma_wait3A_43 = tpu.memref_slice %arg11[%add3A_17, %dma_wait3A] : memref<10240x128xf32, #tpu.memory_space<vmem_shared>> -> memref<128x128xf32, #tpu.memory_space<vmem_shared>>
      %dma_wait3A_44 = arith.constant 0 : i32
      %dma_wait3A_45 = tpu.memref_slice %arg11[%add3A_17, %dma_wait3A_44] : memref<10240x128xf32, #tpu.memory_space<vmem_shared>> -> memref<128x128xf32, #tpu.memory_space<vmem_shared>>
      tpu.wait_dma2 semaphore(%run_scoped3A : memref<!tpu.dma_semaphore, #tpu.memory_space<semaphore_mem>>) src(%arg10 : memref<128x128xf32, #tpu.memory_space<vmem>>) dst(%dma_wait3A_45 : memref<128x128xf32, #tpu.memory_space<vmem_shared>>)
      tpu.yield
    }) : () -> ()
    %add3A_18 = arith.constant 512 : i32
    %add3A_19 = arith.addi %mul3A_9, %add3A_18 : i32
    "tpu.region"() ({
      %run_scoped3A = tpu.sem_alloc : memref<!tpu.dma_semaphore, #tpu.memory_space<semaphore_mem>>
      %dma_start3A = arith.constant 0 : i32
      %dma_start3A_40 = tpu.memref_slice %arg11[%add3A_19, %dma_start3A] : memref<10240x128xf32, #tpu.memory_space<vmem_shared>> -> memref<128x128xf32, #tpu.memory_space<vmem_shared>>
      %dma_start3A_41 = arith.constant 0 : i32
      %dma_start3A_42 = tpu.memref_slice %arg11[%add3A_19, %dma_start3A_41] : memref<10240x128xf32, #tpu.memory_space<vmem_shared>> -> memref<128x128xf32, #tpu.memory_space<vmem_shared>>
      tpu.enqueue_dma source(%arg10 : memref<128x128xf32, #tpu.memory_space<vmem>>) target(%dma_start3A_42 : memref<128x128xf32, #tpu.memory_space<vmem_shared>>) target_semaphore(%run_scoped3A : memref<!tpu.dma_semaphore, #tpu.memory_space<semaphore_mem>>)
      %dma_wait3A = arith.constant 0 : i32
      %dma_wait3A_43 = tpu.memref_slice %arg11[%add3A_19, %dma_wait3A] : memref<10240x128xf32, #tpu.memory_space<vmem_shared>> -> memref<128x128xf32, #tpu.memory_space<vmem_shared>>
      %dma_wait3A_44 = arith.constant 0 : i32
      %dma_wait3A_45 = tpu.memref_slice %arg11[%add3A_19, %dma_wait3A_44] : memref<10240x128xf32, #tpu.memory_space<vmem_shared>> -> memref<128x128xf32, #tpu.memory_space<vmem_shared>>
      tpu.wait_dma2 semaphore(%run_scoped3A : memref<!tpu.dma_semaphore, #tpu.memory_space<semaphore_mem>>) src(%arg10 : memref<128x128xf32, #tpu.memory_space<vmem>>) dst(%dma_wait3A_45 : memref<128x128xf32, #tpu.memory_space<vmem_shared>>)
      tpu.yield
    }) : () -> ()
    %lt3A = arith.constant 10 : i32
    %lt3A_20 = arith.cmpi slt, %arg1, %lt3A : i32
    %convert_element_type3A = arith.extui %lt3A_20 : i1 to i32
    %cond3A = arith.constant 0 : i32
    %cond3A_21 = arith.cmpi ne, %convert_element_type3A, %cond3A : i32
    scf.if %cond3A_21 {
      %mul3A_40 = arith.constant 32 : i32
      %mul3A_41 = arith.muli %arg1, %mul3A_40 : i32
      "tpu.region"() ({
        %run_scoped3A = tpu.sem_alloc : memref<!tpu.dma_semaphore, #tpu.memory_space<semaphore_mem>>
        %dma_start3A = arith.constant 0 : i32
        %dma_start3A_42 = arith.constant 0 : i32
        %dma_start3A_43 = tpu.memref_slice %arg10[%dma_start3A, %dma_start3A_42] : memref<128x128xf32, #tpu.memory_space<vmem>> -> memref<32x128xf32, #tpu.memory_space<vmem>>
        %dma_start3A_44 = arith.constant 0 : i32
        %dma_start3A_45 = tpu.memref_slice %arg12[%mul3A_41, %dma_start3A_44] : memref<320x128xf32, #tpu.memory_space<vmem_shared>> -> memref<32x128xf32, #tpu.memory_space<vmem_shared>>
        %dma_start3A_46 = arith.constant 0 : i32
        %dma_start3A_47 = tpu.memref_slice %arg12[%mul3A_41, %dma_start3A_46] : memref<320x128xf32, #tpu.memory_space<vmem_shared>> -> memref<32x128xf32, #tpu.memory_space<vmem_shared>>
        %dma_start3A_48 = arith.constant 0 : i32
        %dma_start3A_49 = arith.constant 0 : i32
        %dma_start3A_50 = tpu.memref_slice %arg10[%dma_start3A_48, %dma_start3A_49] : memref<128x128xf32, #tpu.memory_space<vmem>> -> memref<32x128xf32, #tpu.memory_space<vmem>>
        tpu.enqueue_dma source(%dma_start3A_50 : memref<32x128xf32, #tpu.memory_space<vmem>>) target(%dma_start3A_47 : memref<32x128xf32, #tpu.memory_space<vmem_shared>>) target_semaphore(%run_scoped3A : memref<!tpu.dma_semaphore, #tpu.memory_space<semaphore_mem>>)
        %dma_wait3A = arith.constant 0 : i32
        %dma_wait3A_51 = arith.constant 0 : i32
        %dma_wait3A_52 = tpu.memref_slice %arg10[%dma_wait3A, %dma_wait3A_51] : memref<128x128xf32, #tpu.memory_space<vmem>> -> memref<32x128xf32, #tpu.memory_space<vmem>>
        %dma_wait3A_53 = arith.constant 0 : i32
        %dma_wait3A_54 = tpu.memref_slice %arg12[%mul3A_41, %dma_wait3A_53] : memref<320x128xf32, #tpu.memory_space<vmem_shared>> -> memref<32x128xf32, #tpu.memory_space<vmem_shared>>
        %dma_wait3A_55 = arith.constant 0 : i32
        %dma_wait3A_56 = tpu.memref_slice %arg12[%mul3A_41, %dma_wait3A_55] : memref<320x128xf32, #tpu.memory_space<vmem_shared>> -> memref<32x128xf32, #tpu.memory_space<vmem_shared>>
        %dma_wait3A_57 = arith.constant 0 : i32
        %dma_wait3A_58 = arith.constant 0 : i32
        %dma_wait3A_59 = tpu.memref_slice %arg10[%dma_wait3A_57, %dma_wait3A_58] : memref<128x128xf32, #tpu.memory_space<vmem>> -> memref<32x128xf32, #tpu.memory_space<vmem>>
        tpu.wait_dma2 semaphore(%run_scoped3A : memref<!tpu.dma_semaphore, #tpu.memory_space<semaphore_mem>>) src(%dma_wait3A_59 : memref<32x128xf32, #tpu.memory_space<vmem>>) dst(%dma_wait3A_56 : memref<32x128xf32, #tpu.memory_space<vmem_shared>>)
        tpu.yield
      }) : () -> ()
    } else {
    }
    %barrier3A = arith.constant 0 : index
    tpu.barrier barrier_id(%barrier3A)
    %scan3A_22 = arith.constant 0 : i32
    %scan3A_23 = arith.constant 0 : i32
    %scan3A_24 = arith.constant 80 : i32
    %scan3A_25 = arith.addi %scan3A_23, %scan3A_24 : i32
    %scan3A_26 = arith.constant 1 : i32
    scf.for %scan3A_40 = %scan3A_23 to %scan3A_25 step %scan3A_26  : i32 {
      %add3A_41 = arith.addi %mul3A_2, %scan3A_40 : i32
      %mul3A_42 = arith.constant 128 : i32
      %mul3A_43 = arith.muli %add3A_41, %mul3A_42 : i32
      "tpu.region"() ({
        %run_scoped3A = tpu.sem_alloc : memref<!tpu.dma_semaphore, #tpu.memory_space<semaphore_mem>>
        %dma_start3A = arith.constant 0 : i32
        %dma_start3A_47 = tpu.memref_slice %arg2[%mul3A_43, %dma_start3A] : memref<327680x128xf32, #tpu.memory_space<hbm>> -> memref<128x128xf32, #tpu.memory_space<hbm>>
        %dma_start3A_48 = arith.constant 0 : i32
        %dma_start3A_49 = tpu.memref_slice %arg2[%mul3A_43, %dma_start3A_48] : memref<327680x128xf32, #tpu.memory_space<hbm>> -> memref<128x128xf32, #tpu.memory_space<hbm>>
        tpu.enqueue_dma source(%dma_start3A_49 : memref<128x128xf32, #tpu.memory_space<hbm>>) target(%arg10 : memref<128x128xf32, #tpu.memory_space<vmem>>) target_semaphore(%run_scoped3A : memref<!tpu.dma_semaphore, #tpu.memory_space<semaphore_mem>>)
        %dma_wait3A = arith.constant 0 : i32
        %dma_wait3A_50 = tpu.memref_slice %arg2[%mul3A_43, %dma_wait3A] : memref<327680x128xf32, #tpu.memory_space<hbm>> -> memref<128x128xf32, #tpu.memory_space<hbm>>
        %dma_wait3A_51 = arith.constant 0 : i32
        %dma_wait3A_52 = tpu.memref_slice %arg2[%mul3A_43, %dma_wait3A_51] : memref<327680x128xf32, #tpu.memory_space<hbm>> -> memref<128x128xf32, #tpu.memory_space<hbm>>
        tpu.wait_dma2 semaphore(%run_scoped3A : memref<!tpu.dma_semaphore, #tpu.memory_space<semaphore_mem>>) src(%dma_wait3A_52 : memref<128x128xf32, #tpu.memory_space<hbm>>) dst(%arg10 : memref<128x128xf32, #tpu.memory_space<vmem>>)
        tpu.yield
      }) : () -> ()
      "tpu.region"() ({
        %run_scoped3A = tpu.sem_alloc : memref<!tpu.dma_semaphore, #tpu.memory_space<semaphore_mem>>
        %dma_start3A = arith.constant 0 : i32
        %dma_start3A_47 = tpu.memref_slice %arg8[%scan3A_40, %dma_start3A] : memref<80x128xi32, #tpu.memory_space<vmem>> -> memref<1x128xi32, #tpu.memory_space<vmem>>
        %dma_start3A_48 = tpu.memref_squeeze %dma_start3A_47 : memref<1x128xi32, #tpu.memory_space<vmem>> -> memref<128xi32, #tpu.memory_space<vmem>>
        %dma_start3A_49 = arith.constant 0 : i32
        %dma_start3A_50 = arith.constant 0 : i32
        %dma_start3A_51 = tpu.memref_slice %arg11[%dma_start3A_49, %dma_start3A_50] : memref<10240x128xf32, #tpu.memory_space<vmem_shared>> -> memref<10240x128xf32, #tpu.memory_space<vmem_shared>>
        tpu.enqueue_indirect_dma source(%arg10 : memref<128x128xf32, #tpu.memory_space<vmem>>) target(%dma_start3A_51 : memref<10240x128xf32, #tpu.memory_space<vmem_shared>>) offsets(%dma_start3A_48 : memref<128xi32, #tpu.memory_space<vmem>>) semaphore(%run_scoped3A : memref<!tpu.dma_semaphore, #tpu.memory_space<semaphore_mem>>) {add = true}
        %dma_wait3A = arith.constant 0 : i32
        %dma_wait3A_52 = tpu.memref_slice %arg8[%scan3A_40, %dma_wait3A] : memref<80x128xi32, #tpu.memory_space<vmem>> -> memref<1x128xi32, #tpu.memory_space<vmem>>
        %dma_wait3A_53 = tpu.memref_squeeze %dma_wait3A_52 : memref<1x128xi32, #tpu.memory_space<vmem>> -> memref<128xi32, #tpu.memory_space<vmem>>
        %dma_wait3A_54 = arith.constant 0 : i32
        %dma_wait3A_55 = arith.constant 0 : i32
        %dma_wait3A_56 = tpu.memref_slice %arg11[%dma_wait3A_54, %dma_wait3A_55] : memref<10240x128xf32, #tpu.memory_space<vmem_shared>> -> memref<10240x128xf32, #tpu.memory_space<vmem_shared>>
        tpu.wait_indirect_dma semaphore(%run_scoped3A : memref<!tpu.dma_semaphore, #tpu.memory_space<semaphore_mem>>) src(%arg10 : memref<128x128xf32, #tpu.memory_space<vmem>>) dst(%dma_wait3A_56 : memref<10240x128xf32, #tpu.memory_space<vmem_shared>>)
        tpu.yield
      }) : () -> ()
      %add3A_44 = arith.addi %mul3A_2, %scan3A_40 : i32
      %mul3A_45 = arith.constant 128 : i32
      %mul3A_46 = arith.muli %add3A_44, %mul3A_45 : i32
      "tpu.region"() ({
        %run_scoped3A = tpu.sem_alloc : memref<!tpu.dma_semaphore, #tpu.memory_space<semaphore_mem>>
        %dma_start3A = arith.constant 0 : i32
        %dma_start3A_47 = tpu.memref_slice %arg3[%mul3A_46, %dma_start3A] : memref<327680x128xf32, #tpu.memory_space<hbm>> -> memref<128x128xf32, #tpu.memory_space<hbm>>
        %dma_start3A_48 = arith.constant 0 : i32
        %dma_start3A_49 = tpu.memref_slice %arg3[%mul3A_46, %dma_start3A_48] : memref<327680x128xf32, #tpu.memory_space<hbm>> -> memref<128x128xf32, #tpu.memory_space<hbm>>
        tpu.enqueue_dma source(%dma_start3A_49 : memref<128x128xf32, #tpu.memory_space<hbm>>) target(%arg10 : memref<128x128xf32, #tpu.memory_space<vmem>>) target_semaphore(%run_scoped3A : memref<!tpu.dma_semaphore, #tpu.memory_space<semaphore_mem>>)
        %dma_wait3A = arith.constant 0 : i32
        %dma_wait3A_50 = tpu.memref_slice %arg3[%mul3A_46, %dma_wait3A] : memref<327680x128xf32, #tpu.memory_space<hbm>> -> memref<128x128xf32, #tpu.memory_space<hbm>>
        %dma_wait3A_51 = arith.constant 0 : i32
        %dma_wait3A_52 = tpu.memref_slice %arg3[%mul3A_46, %dma_wait3A_51] : memref<327680x128xf32, #tpu.memory_space<hbm>> -> memref<128x128xf32, #tpu.memory_space<hbm>>
        tpu.wait_dma2 semaphore(%run_scoped3A : memref<!tpu.dma_semaphore, #tpu.memory_space<semaphore_mem>>) src(%dma_wait3A_52 : memref<128x128xf32, #tpu.memory_space<hbm>>) dst(%arg10 : memref<128x128xf32, #tpu.memory_space<vmem>>)
        tpu.yield
      }) : () -> ()
      "tpu.region"() ({
        %run_scoped3A = tpu.sem_alloc : memref<!tpu.dma_semaphore, #tpu.memory_space<semaphore_mem>>
        %dma_start3A = arith.constant 0 : i32
        %dma_start3A_47 = tpu.memref_slice %arg9[%scan3A_40, %dma_start3A] : memref<80x128xi32, #tpu.memory_space<vmem>> -> memref<1x128xi32, #tpu.memory_space<vmem>>
        %dma_start3A_48 = tpu.memref_squeeze %dma_start3A_47 : memref<1x128xi32, #tpu.memory_space<vmem>> -> memref<128xi32, #tpu.memory_space<vmem>>
        %dma_start3A_49 = arith.constant 0 : i32
        %dma_start3A_50 = arith.constant 0 : i32
        %dma_start3A_51 = tpu.memref_slice %arg12[%dma_start3A_49, %dma_start3A_50] : memref<320x128xf32, #tpu.memory_space<vmem_shared>> -> memref<320x128xf32, #tpu.memory_space<vmem_shared>>
        tpu.enqueue_indirect_dma source(%arg10 : memref<128x128xf32, #tpu.memory_space<vmem>>) target(%dma_start3A_51 : memref<320x128xf32, #tpu.memory_space<vmem_shared>>) offsets(%dma_start3A_48 : memref<128xi32, #tpu.memory_space<vmem>>) semaphore(%run_scoped3A : memref<!tpu.dma_semaphore, #tpu.memory_space<semaphore_mem>>) {add = true}
        %dma_wait3A = arith.constant 0 : i32
        %dma_wait3A_52 = tpu.memref_slice %arg9[%scan3A_40, %dma_wait3A] : memref<80x128xi32, #tpu.memory_space<vmem>> -> memref<1x128xi32, #tpu.memory_space<vmem>>
        %dma_wait3A_53 = tpu.memref_squeeze %dma_wait3A_52 : memref<1x128xi32, #tpu.memory_space<vmem>> -> memref<128xi32, #tpu.memory_space<vmem>>
        %dma_wait3A_54 = arith.constant 0 : i32
        %dma_wait3A_55 = arith.constant 0 : i32
        %dma_wait3A_56 = tpu.memref_slice %arg12[%dma_wait3A_54, %dma_wait3A_55] : memref<320x128xf32, #tpu.memory_space<vmem_shared>> -> memref<320x128xf32, #tpu.memory_space<vmem_shared>>
        tpu.wait_indirect_dma semaphore(%run_scoped3A : memref<!tpu.dma_semaphore, #tpu.memory_space<semaphore_mem>>) src(%arg10 : memref<128x128xf32, #tpu.memory_space<vmem>>) dst(%dma_wait3A_56 : memref<320x128xf32, #tpu.memory_space<vmem_shared>>)
        tpu.yield
      }) : () -> ()
    }
    %scan3A_27 = arith.constant 80 : i32
    %barrier3A_28 = arith.constant 0 : index
    tpu.barrier barrier_id(%barrier3A_28)
    %scan3A_29 = arith.constant 0 : i32
    %scan3A_30 = arith.constant 0 : i32
    %scan3A_31 = arith.constant 5 : i32
    %scan3A_32 = arith.addi %scan3A_30, %scan3A_31 : i32
    %scan3A_33 = arith.constant 1 : i32
    scf.for %scan3A_40 = %scan3A_30 to %scan3A_32 step %scan3A_33  : i32 {
      %mul3A_41 = arith.constant 128 : i32
      %mul3A_42 = arith.muli %scan3A_40, %mul3A_41 : i32
      %add3A_43 = arith.addi %mul3A_9, %mul3A_42 : i32
      "tpu.region"() ({
        %run_scoped3A = tpu.sem_alloc : memref<!tpu.dma_semaphore, #tpu.memory_space<semaphore_mem>>
        %dma_start3A = arith.constant 0 : i32
        %dma_start3A_50 = tpu.memref_slice %arg11[%add3A_43, %dma_start3A] : memref<10240x128xf32, #tpu.memory_space<vmem_shared>> -> memref<128x128xf32, #tpu.memory_space<vmem_shared>>
        %dma_start3A_51 = arith.constant 0 : i32
        %dma_start3A_52 = tpu.memref_slice %arg11[%add3A_43, %dma_start3A_51] : memref<10240x128xf32, #tpu.memory_space<vmem_shared>> -> memref<128x128xf32, #tpu.memory_space<vmem_shared>>
        tpu.enqueue_dma source(%dma_start3A_52 : memref<128x128xf32, #tpu.memory_space<vmem_shared>>) target(%arg10 : memref<128x128xf32, #tpu.memory_space<vmem>>) target_semaphore(%run_scoped3A : memref<!tpu.dma_semaphore, #tpu.memory_space<semaphore_mem>>)
        %dma_wait3A = arith.constant 0 : i32
        %dma_wait3A_53 = tpu.memref_slice %arg11[%add3A_43, %dma_wait3A] : memref<10240x128xf32, #tpu.memory_space<vmem_shared>> -> memref<128x128xf32, #tpu.memory_space<vmem_shared>>
        %dma_wait3A_54 = arith.constant 0 : i32
        %dma_wait3A_55 = tpu.memref_slice %arg11[%add3A_43, %dma_wait3A_54] : memref<10240x128xf32, #tpu.memory_space<vmem_shared>> -> memref<128x128xf32, #tpu.memory_space<vmem_shared>>
        tpu.wait_dma2 semaphore(%run_scoped3A : memref<!tpu.dma_semaphore, #tpu.memory_space<semaphore_mem>>) src(%dma_wait3A_55 : memref<128x128xf32, #tpu.memory_space<vmem_shared>>) dst(%arg10 : memref<128x128xf32, #tpu.memory_space<vmem>>)
        tpu.yield
      }) : () -> ()
      %mul3A_44 = arith.constant 10240 : i32
      %mul3A_45 = arith.muli %arg0, %mul3A_44 : i32
      %add3A_46 = arith.addi %mul3A_45, %mul3A_9 : i32
      %mul3A_47 = arith.constant 128 : i32
      %mul3A_48 = arith.muli %scan3A_40, %mul3A_47 : i32
      %add3A_49 = arith.addi %add3A_46, %mul3A_48 : i32
      "tpu.region"() ({
        %run_scoped3A = tpu.sem_alloc : memref<!tpu.dma_semaphore, #tpu.memory_space<semaphore_mem>>
        %dma_start3A = arith.constant 0 : i32
        %dma_start3A_50 = tpu.memref_slice %arg6[%add3A_49, %dma_start3A] : memref<20480x128xf32, #tpu.memory_space<hbm>> -> memref<128x128xf32, #tpu.memory_space<hbm>>
        %dma_start3A_51 = arith.constant 0 : i32
        %dma_start3A_52 = tpu.memref_slice %arg6[%add3A_49, %dma_start3A_51] : memref<20480x128xf32, #tpu.memory_space<hbm>> -> memref<128x128xf32, #tpu.memory_space<hbm>>
        tpu.enqueue_dma source(%arg10 : memref<128x128xf32, #tpu.memory_space<vmem>>) target(%dma_start3A_52 : memref<128x128xf32, #tpu.memory_space<hbm>>) target_semaphore(%run_scoped3A : memref<!tpu.dma_semaphore, #tpu.memory_space<semaphore_mem>>)
        %dma_wait3A = arith.constant 0 : i32
        %dma_wait3A_53 = tpu.memref_slice %arg6[%add3A_49, %dma_wait3A] : memref<20480x128xf32, #tpu.memory_space<hbm>> -> memref<128x128xf32, #tpu.memory_space<hbm>>
        %dma_wait3A_54 = arith.constant 0 : i32
        %dma_wait3A_55 = tpu.memref_slice %arg6[%add3A_49, %dma_wait3A_54] : memref<20480x128xf32, #tpu.memory_space<hbm>> -> memref<128x128xf32, #tpu.memory_space<hbm>>
        tpu.wait_dma2 semaphore(%run_scoped3A : memref<!tpu.dma_semaphore, #tpu.memory_space<semaphore_mem>>) src(%arg10 : memref<128x128xf32, #tpu.memory_space<vmem>>) dst(%dma_wait3A_55 : memref<128x128xf32, #tpu.memory_space<hbm>>)
        tpu.yield
      }) : () -> ()
    }
    %scan3A_34 = arith.constant 5 : i32
    %lt3A_35 = arith.constant 10 : i32
    %lt3A_36 = arith.cmpi slt, %arg1, %lt3A_35 : i32
    %convert_element_type3A_37 = arith.extui %lt3A_36 : i1 to i32
    %cond3A_38 = arith.constant 0 : i32
    %cond3A_39 = arith.cmpi ne, %convert_element_type3A_37, %cond3A_38 : i32
    scf.if %cond3A_39 {
      %mul3A_40 = arith.constant 32 : i32
      %mul3A_41 = arith.muli %arg1, %mul3A_40 : i32
      "tpu.region"() ({
        %run_scoped3A = tpu.sem_alloc : memref<!tpu.dma_semaphore, #tpu.memory_space<semaphore_mem>>
        %dma_start3A = arith.constant 0 : i32
        %dma_start3A_47 = arith.constant 0 : i32
        %dma_start3A_48 = tpu.memref_slice %arg10[%dma_start3A, %dma_start3A_47] : memref<128x128xf32, #tpu.memory_space<vmem>> -> memref<32x128xf32, #tpu.memory_space<vmem>>
        %dma_start3A_49 = arith.constant 0 : i32
        %dma_start3A_50 = tpu.memref_slice %arg12[%mul3A_41, %dma_start3A_49] : memref<320x128xf32, #tpu.memory_space<vmem_shared>> -> memref<32x128xf32, #tpu.memory_space<vmem_shared>>
        %dma_start3A_51 = arith.constant 0 : i32
        %dma_start3A_52 = arith.constant 0 : i32
        %dma_start3A_53 = tpu.memref_slice %arg10[%dma_start3A_51, %dma_start3A_52] : memref<128x128xf32, #tpu.memory_space<vmem>> -> memref<32x128xf32, #tpu.memory_space<vmem>>
        %dma_start3A_54 = arith.constant 0 : i32
        %dma_start3A_55 = tpu.memref_slice %arg12[%mul3A_41, %dma_start3A_54] : memref<320x128xf32, #tpu.memory_space<vmem_shared>> -> memref<32x128xf32, #tpu.memory_space<vmem_shared>>
        tpu.enqueue_dma source(%dma_start3A_55 : memref<32x128xf32, #tpu.memory_space<vmem_shared>>) target(%dma_start3A_53 : memref<32x128xf32, #tpu.memory_space<vmem>>) target_semaphore(%run_scoped3A : memref<!tpu.dma_semaphore, #tpu.memory_space<semaphore_mem>>)
        %dma_wait3A = arith.constant 0 : i32
        %dma_wait3A_56 = arith.constant 0 : i32
        %dma_wait3A_57 = tpu.memref_slice %arg10[%dma_wait3A, %dma_wait3A_56] : memref<128x128xf32, #tpu.memory_space<vmem>> -> memref<32x128xf32, #tpu.memory_space<vmem>>
        %dma_wait3A_58 = arith.constant 0 : i32
        %dma_wait3A_59 = tpu.memref_slice %arg12[%mul3A_41, %dma_wait3A_58] : memref<320x128xf32, #tpu.memory_space<vmem_shared>> -> memref<32x128xf32, #tpu.memory_space<vmem_shared>>
        %dma_wait3A_60 = arith.constant 0 : i32
        %dma_wait3A_61 = arith.constant 0 : i32
        %dma_wait3A_62 = tpu.memref_slice %arg10[%dma_wait3A_60, %dma_wait3A_61] : memref<128x128xf32, #tpu.memory_space<vmem>> -> memref<32x128xf32, #tpu.memory_space<vmem>>
        %dma_wait3A_63 = arith.constant 0 : i32
        %dma_wait3A_64 = tpu.memref_slice %arg12[%mul3A_41, %dma_wait3A_63] : memref<320x128xf32, #tpu.memory_space<vmem_shared>> -> memref<32x128xf32, #tpu.memory_space<vmem_shared>>
        tpu.wait_dma2 semaphore(%run_scoped3A : memref<!tpu.dma_semaphore, #tpu.memory_space<semaphore_mem>>) src(%dma_wait3A_64 : memref<32x128xf32, #tpu.memory_space<vmem_shared>>) dst(%dma_wait3A_62 : memref<32x128xf32, #tpu.memory_space<vmem>>)
        tpu.yield
      }) : () -> ()
      %mul3A_42 = arith.constant 320 : i32
      %mul3A_43 = arith.muli %arg0, %mul3A_42 : i32
      %mul3A_44 = arith.constant 32 : i32
      %mul3A_45 = arith.muli %arg1, %mul3A_44 : i32
      %add3A_46 = arith.addi %mul3A_43, %mul3A_45 : i32
      "tpu.region"() ({
        %run_scoped3A = tpu.sem_alloc : memref<!tpu.dma_semaphore, #tpu.memory_space<semaphore_mem>>
        %dma_start3A = arith.constant 0 : i32
        %dma_start3A_47 = arith.constant 0 : i32
        %dma_start3A_48 = tpu.memref_slice %arg10[%dma_start3A, %dma_start3A_47] : memref<128x128xf32, #tpu.memory_space<vmem>> -> memref<32x128xf32, #tpu.memory_space<vmem>>
        %dma_start3A_49 = arith.constant 0 : i32
        %dma_start3A_50 = tpu.memref_slice %arg7[%add3A_46, %dma_start3A_49] : memref<640x128xf32, #tpu.memory_space<hbm>> -> memref<32x128xf32, #tpu.memory_space<hbm>>
        %dma_start3A_51 = arith.constant 0 : i32
        %dma_start3A_52 = tpu.memref_slice %arg7[%add3A_46, %dma_start3A_51] : memref<640x128xf32, #tpu.memory_space<hbm>> -> memref<32x128xf32, #tpu.memory_space<hbm>>
        %dma_start3A_53 = arith.constant 0 : i32
        %dma_start3A_54 = arith.constant 0 : i32
        %dma_start3A_55 = tpu.memref_slice %arg10[%dma_start3A_53, %dma_start3A_54] : memref<128x128xf32, #tpu.memory_space<vmem>> -> memref<32x128xf32, #tpu.memory_space<vmem>>
        tpu.enqueue_dma source(%dma_start3A_55 : memref<32x128xf32, #tpu.memory_space<vmem>>) target(%dma_start3A_52 : memref<32x128xf32, #tpu.memory_space<hbm>>) target_semaphore(%run_scoped3A : memref<!tpu.dma_semaphore, #tpu.memory_space<semaphore_mem>>)
        %dma_wait3A = arith.constant 0 : i32
        %dma_wait3A_56 = arith.constant 0 : i32
        %dma_wait3A_57 = tpu.memref_slice %arg10[%dma_wait3A, %dma_wait3A_56] : memref<128x128xf32, #tpu.memory_space<vmem>> -> memref<32x128xf32, #tpu.memory_space<vmem>>
        %dma_wait3A_58 = arith.constant 0 : i32
        %dma_wait3A_59 = tpu.memref_slice %arg7[%add3A_46, %dma_wait3A_58] : memref<640x128xf32, #tpu.memory_space<hbm>> -> memref<32x128xf32, #tpu.memory_space<hbm>>
        %dma_wait3A_60 = arith.constant 0 : i32
        %dma_wait3A_61 = tpu.memref_slice %arg7[%add3A_46, %dma_wait3A_60] : memref<640x128xf32, #tpu.memory_space<hbm>> -> memref<32x128xf32, #tpu.memory_space<hbm>>
        %dma_wait3A_62 = arith.constant 0 : i32
        %dma_wait3A_63 = arith.constant 0 : i32
        %dma_wait3A_64 = tpu.memref_slice %arg10[%dma_wait3A_62, %dma_wait3A_63] : memref<128x128xf32, #tpu.memory_space<vmem>> -> memref<32x128xf32, #tpu.memory_space<vmem>>
        tpu.wait_dma2 semaphore(%run_scoped3A : memref<!tpu.dma_semaphore, #tpu.memory_space<semaphore_mem>>) src(%dma_wait3A_64 : memref<32x128xf32, #tpu.memory_space<vmem>>) dst(%dma_wait3A_61 : memref<32x128xf32, #tpu.memory_space<hbm>>)
        tpu.yield
      }) : () -> ()
    } else {
    }
    return
  }
}

#map = affine_map<(d0, d1) -> (0, 0)>
module attributes {stable_mosaic.version = 14 : i64} {
  func.func @_gather(%arg0: i32, %arg1: i32, %arg2: memref<10000x128xf32, #tpu.memory_space<hbm>>, %arg3: memref<10000x128xf32, #tpu.memory_space<hbm>>, %arg4: memref<2560x128xi32, #tpu.memory_space<hbm>>, %arg5: memref<2560x128xi32, #tpu.memory_space<hbm>>, %arg6: memref<327680x128xf32, #tpu.memory_space<hbm>>, %arg7: memref<327680x128xf32, #tpu.memory_space<hbm>>, %arg8: memref<80x128xi32, #tpu.memory_space<vmem>>, %arg9: memref<80x128xi32, #tpu.memory_space<vmem>>, %arg10: memref<128x128xf32, #tpu.memory_space<vmem>>, %arg11: memref<128x128xf32, #tpu.memory_space<vmem>>, %arg12: memref<128x128xf32, #tpu.memory_space<vmem>>, %arg13: memref<128x128xf32, #tpu.memory_space<vmem>>, %arg14: memref<!tpu.dma_semaphore, #tpu.memory_space<semaphore_mem>>, %arg15: memref<!tpu.dma_semaphore, #tpu.memory_space<semaphore_mem>>, %arg16: memref<!tpu.dma_semaphore, #tpu.memory_space<semaphore_mem>>, %arg17: memref<!tpu.dma_semaphore, #tpu.memory_space<semaphore_mem>>) attributes {dimension_semantics = [#tpu.dimension_semantics<core_parallel>, #tpu.dimension_semantics<subcore_parallel>], iteration_bounds = array<i64: 2, 16>, scalar_prefetch = 0 : i64, scratch_operands = 10 : i64, tpu.core_type = #tpu.core_type<sc_vector_subcore>, window_params = [{transform_indices = #map}, {transform_indices = #map}, {transform_indices = #map}, {transform_indices = #map}, {transform_indices = #map}, {transform_indices = #map}]} {
    %mul3A = arith.constant 2 : i32
    %mul3A_0 = arith.muli %arg1, %mul3A : i32
    %add3A = arith.addi %mul3A_0, %arg0 : i32
    %mul3A_1 = arith.constant 80 : i32
    %mul3A_2 = arith.muli %add3A, %mul3A_1 : i32
    "tpu.region"() ({
      %run_scoped3A = tpu.sem_alloc : memref<!tpu.dma_semaphore, #tpu.memory_space<semaphore_mem>>
      %dma_start3A_35 = arith.constant 0 : i32
      %dma_start3A_36 = tpu.memref_slice %arg4[%mul3A_2, %dma_start3A_35] : memref<2560x128xi32, #tpu.memory_space<hbm>> -> memref<80x128xi32, #tpu.memory_space<hbm>>
      %dma_start3A_37 = arith.constant 0 : i32
      %dma_start3A_38 = tpu.memref_slice %arg4[%mul3A_2, %dma_start3A_37] : memref<2560x128xi32, #tpu.memory_space<hbm>> -> memref<80x128xi32, #tpu.memory_space<hbm>>
      tpu.enqueue_dma source(%dma_start3A_38 : memref<80x128xi32, #tpu.memory_space<hbm>>) target(%arg8 : memref<80x128xi32, #tpu.memory_space<vmem>>) target_semaphore(%run_scoped3A : memref<!tpu.dma_semaphore, #tpu.memory_space<semaphore_mem>>)
      %dma_wait3A = arith.constant 0 : i32
      %dma_wait3A_39 = tpu.memref_slice %arg4[%mul3A_2, %dma_wait3A] : memref<2560x128xi32, #tpu.memory_space<hbm>> -> memref<80x128xi32, #tpu.memory_space<hbm>>
      %dma_wait3A_40 = arith.constant 0 : i32
      %dma_wait3A_41 = tpu.memref_slice %arg4[%mul3A_2, %dma_wait3A_40] : memref<2560x128xi32, #tpu.memory_space<hbm>> -> memref<80x128xi32, #tpu.memory_space<hbm>>
      tpu.wait_dma2 semaphore(%run_scoped3A : memref<!tpu.dma_semaphore, #tpu.memory_space<semaphore_mem>>) src(%dma_wait3A_41 : memref<80x128xi32, #tpu.memory_space<hbm>>) dst(%arg8 : memref<80x128xi32, #tpu.memory_space<vmem>>)
      tpu.yield
    }) : () -> ()
    "tpu.region"() ({
      %run_scoped3A = tpu.sem_alloc : memref<!tpu.dma_semaphore, #tpu.memory_space<semaphore_mem>>
      %dma_start3A_35 = arith.constant 0 : i32
      %dma_start3A_36 = tpu.memref_slice %arg5[%mul3A_2, %dma_start3A_35] : memref<2560x128xi32, #tpu.memory_space<hbm>> -> memref<80x128xi32, #tpu.memory_space<hbm>>
      %dma_start3A_37 = arith.constant 0 : i32
      %dma_start3A_38 = tpu.memref_slice %arg5[%mul3A_2, %dma_start3A_37] : memref<2560x128xi32, #tpu.memory_space<hbm>> -> memref<80x128xi32, #tpu.memory_space<hbm>>
      tpu.enqueue_dma source(%dma_start3A_38 : memref<80x128xi32, #tpu.memory_space<hbm>>) target(%arg9 : memref<80x128xi32, #tpu.memory_space<vmem>>) target_semaphore(%run_scoped3A : memref<!tpu.dma_semaphore, #tpu.memory_space<semaphore_mem>>)
      %dma_wait3A = arith.constant 0 : i32
      %dma_wait3A_39 = tpu.memref_slice %arg5[%mul3A_2, %dma_wait3A] : memref<2560x128xi32, #tpu.memory_space<hbm>> -> memref<80x128xi32, #tpu.memory_space<hbm>>
      %dma_wait3A_40 = arith.constant 0 : i32
      %dma_wait3A_41 = tpu.memref_slice %arg5[%mul3A_2, %dma_wait3A_40] : memref<2560x128xi32, #tpu.memory_space<hbm>> -> memref<80x128xi32, #tpu.memory_space<hbm>>
      tpu.wait_dma2 semaphore(%run_scoped3A : memref<!tpu.dma_semaphore, #tpu.memory_space<semaphore_mem>>) src(%dma_wait3A_41 : memref<80x128xi32, #tpu.memory_space<hbm>>) dst(%arg9 : memref<80x128xi32, #tpu.memory_space<vmem>>)
      tpu.yield
    }) : () -> ()
    %dma_start3A = arith.constant 0 : i32
    %dma_start3A_3 = arith.constant 0 : i32
    %dma_start3A_4 = tpu.memref_slice %arg8[%dma_start3A, %dma_start3A_3] : memref<80x128xi32, #tpu.memory_space<vmem>> -> memref<1x128xi32, #tpu.memory_space<vmem>>
    %dma_start3A_5 = tpu.memref_squeeze %dma_start3A_4 : memref<1x128xi32, #tpu.memory_space<vmem>> -> memref<128xi32, #tpu.memory_space<vmem>>
    %dma_start3A_6 = arith.constant 0 : i32
    %dma_start3A_7 = arith.constant 0 : i32
    %dma_start3A_8 = tpu.memref_slice %arg2[%dma_start3A_6, %dma_start3A_7] : memref<10000x128xf32, #tpu.memory_space<hbm>> -> memref<10000x128xf32, #tpu.memory_space<hbm>>
    tpu.enqueue_indirect_dma source(%dma_start3A_8 : memref<10000x128xf32, #tpu.memory_space<hbm>>) target(%arg10 : memref<128x128xf32, #tpu.memory_space<vmem>>) offsets(%dma_start3A_5 : memref<128xi32, #tpu.memory_space<vmem>>) semaphore(%arg14 : memref<!tpu.dma_semaphore, #tpu.memory_space<semaphore_mem>>)
    %dma_start3A_9 = arith.constant 0 : i32
    %dma_start3A_10 = arith.constant 0 : i32
    %dma_start3A_11 = tpu.memref_slice %arg9[%dma_start3A_9, %dma_start3A_10] : memref<80x128xi32, #tpu.memory_space<vmem>> -> memref<1x128xi32, #tpu.memory_space<vmem>>
    %dma_start3A_12 = tpu.memref_squeeze %dma_start3A_11 : memref<1x128xi32, #tpu.memory_space<vmem>> -> memref<128xi32, #tpu.memory_space<vmem>>
    %dma_start3A_13 = arith.constant 0 : i32
    %dma_start3A_14 = arith.constant 0 : i32
    %dma_start3A_15 = tpu.memref_slice %arg3[%dma_start3A_13, %dma_start3A_14] : memref<10000x128xf32, #tpu.memory_space<hbm>> -> memref<10000x128xf32, #tpu.memory_space<hbm>>
    tpu.enqueue_indirect_dma source(%dma_start3A_15 : memref<10000x128xf32, #tpu.memory_space<hbm>>) target(%arg12 : memref<128x128xf32, #tpu.memory_space<vmem>>) offsets(%dma_start3A_12 : memref<128xi32, #tpu.memory_space<vmem>>) semaphore(%arg16 : memref<!tpu.dma_semaphore, #tpu.memory_space<semaphore_mem>>)
    %dma_start3A_16 = arith.constant 1 : i32
    %dma_start3A_17 = arith.constant 0 : i32
    %dma_start3A_18 = tpu.memref_slice %arg8[%dma_start3A_16, %dma_start3A_17] : memref<80x128xi32, #tpu.memory_space<vmem>> -> memref<1x128xi32, #tpu.memory_space<vmem>>
    %dma_start3A_19 = tpu.memref_squeeze %dma_start3A_18 : memref<1x128xi32, #tpu.memory_space<vmem>> -> memref<128xi32, #tpu.memory_space<vmem>>
    %dma_start3A_20 = arith.constant 0 : i32
    %dma_start3A_21 = arith.constant 0 : i32
    %dma_start3A_22 = tpu.memref_slice %arg2[%dma_start3A_20, %dma_start3A_21] : memref<10000x128xf32, #tpu.memory_space<hbm>> -> memref<10000x128xf32, #tpu.memory_space<hbm>>
    tpu.enqueue_indirect_dma source(%dma_start3A_22 : memref<10000x128xf32, #tpu.memory_space<hbm>>) target(%arg11 : memref<128x128xf32, #tpu.memory_space<vmem>>) offsets(%dma_start3A_19 : memref<128xi32, #tpu.memory_space<vmem>>) semaphore(%arg15 : memref<!tpu.dma_semaphore, #tpu.memory_space<semaphore_mem>>)
    %dma_start3A_23 = arith.constant 1 : i32
    %dma_start3A_24 = arith.constant 0 : i32
    %dma_start3A_25 = tpu.memref_slice %arg9[%dma_start3A_23, %dma_start3A_24] : memref<80x128xi32, #tpu.memory_space<vmem>> -> memref<1x128xi32, #tpu.memory_space<vmem>>
    %dma_start3A_26 = tpu.memref_squeeze %dma_start3A_25 : memref<1x128xi32, #tpu.memory_space<vmem>> -> memref<128xi32, #tpu.memory_space<vmem>>
    %dma_start3A_27 = arith.constant 0 : i32
    %dma_start3A_28 = arith.constant 0 : i32
    %dma_start3A_29 = tpu.memref_slice %arg3[%dma_start3A_27, %dma_start3A_28] : memref<10000x128xf32, #tpu.memory_space<hbm>> -> memref<10000x128xf32, #tpu.memory_space<hbm>>
    tpu.enqueue_indirect_dma source(%dma_start3A_29 : memref<10000x128xf32, #tpu.memory_space<hbm>>) target(%arg13 : memref<128x128xf32, #tpu.memory_space<vmem>>) offsets(%dma_start3A_26 : memref<128xi32, #tpu.memory_space<vmem>>) semaphore(%arg17 : memref<!tpu.dma_semaphore, #tpu.memory_space<semaphore_mem>>)
    %scan3A = arith.constant 0 : i32
    %scan3A_30 = arith.constant 0 : i32
    %scan3A_31 = arith.constant 40 : i32
    %scan3A_32 = arith.addi %scan3A_30, %scan3A_31 : i32
    %scan3A_33 = arith.constant 1 : i32
    scf.for %scan3A_35 = %scan3A_30 to %scan3A_32 step %scan3A_33  : i32 {
      %mul3A_36 = arith.constant 2 : i32
      %mul3A_37 = arith.muli %mul3A_36, %scan3A_35 : i32
      %add3A_38 = arith.addi %mul3A_2, %mul3A_37 : i32
      %mul3A_39 = arith.constant 128 : i32
      %mul3A_40 = arith.muli %add3A_38, %mul3A_39 : i32
      %dma_wait3A = arith.constant 0 : i32
      %dma_wait3A_41 = tpu.memref_slice %arg8[%mul3A_37, %dma_wait3A] : memref<80x128xi32, #tpu.memory_space<vmem>> -> memref<1x128xi32, #tpu.memory_space<vmem>>
      %dma_wait3A_42 = tpu.memref_squeeze %dma_wait3A_41 : memref<1x128xi32, #tpu.memory_space<vmem>> -> memref<128xi32, #tpu.memory_space<vmem>>
      %dma_wait3A_43 = arith.constant 0 : i32
      %dma_wait3A_44 = arith.constant 0 : i32
      %dma_wait3A_45 = tpu.memref_slice %arg2[%dma_wait3A_43, %dma_wait3A_44] : memref<10000x128xf32, #tpu.memory_space<hbm>> -> memref<10000x128xf32, #tpu.memory_space<hbm>>
      tpu.wait_indirect_dma semaphore(%arg14 : memref<!tpu.dma_semaphore, #tpu.memory_space<semaphore_mem>>) src(%dma_wait3A_45 : memref<10000x128xf32, #tpu.memory_space<hbm>>) dst(%arg10 : memref<128x128xf32, #tpu.memory_space<vmem>>)
      "tpu.region"() ({
        %run_scoped3A = tpu.sem_alloc : memref<!tpu.dma_semaphore, #tpu.memory_space<semaphore_mem>>
        %dma_start3A_80 = arith.constant 0 : i32
        %dma_start3A_81 = tpu.memref_slice %arg6[%mul3A_40, %dma_start3A_80] : memref<327680x128xf32, #tpu.memory_space<hbm>> -> memref<128x128xf32, #tpu.memory_space<hbm>>
        %dma_start3A_82 = arith.constant 0 : i32
        %dma_start3A_83 = tpu.memref_slice %arg6[%mul3A_40, %dma_start3A_82] : memref<327680x128xf32, #tpu.memory_space<hbm>> -> memref<128x128xf32, #tpu.memory_space<hbm>>
        tpu.enqueue_dma source(%arg10 : memref<128x128xf32, #tpu.memory_space<vmem>>) target(%dma_start3A_83 : memref<128x128xf32, #tpu.memory_space<hbm>>) target_semaphore(%run_scoped3A : memref<!tpu.dma_semaphore, #tpu.memory_space<semaphore_mem>>)
        %dma_wait3A_84 = arith.constant 0 : i32
        %dma_wait3A_85 = tpu.memref_slice %arg6[%mul3A_40, %dma_wait3A_84] : memref<327680x128xf32, #tpu.memory_space<hbm>> -> memref<128x128xf32, #tpu.memory_space<hbm>>
        %dma_wait3A_86 = arith.constant 0 : i32
        %dma_wait3A_87 = tpu.memref_slice %arg6[%mul3A_40, %dma_wait3A_86] : memref<327680x128xf32, #tpu.memory_space<hbm>> -> memref<128x128xf32, #tpu.memory_space<hbm>>
        tpu.wait_dma2 semaphore(%run_scoped3A : memref<!tpu.dma_semaphore, #tpu.memory_space<semaphore_mem>>) src(%arg10 : memref<128x128xf32, #tpu.memory_space<vmem>>) dst(%dma_wait3A_87 : memref<128x128xf32, #tpu.memory_space<hbm>>)
        tpu.yield
      }) : () -> ()
      %dma_wait3A_46 = arith.constant 0 : i32
      %dma_wait3A_47 = tpu.memref_slice %arg9[%mul3A_37, %dma_wait3A_46] : memref<80x128xi32, #tpu.memory_space<vmem>> -> memref<1x128xi32, #tpu.memory_space<vmem>>
      %dma_wait3A_48 = tpu.memref_squeeze %dma_wait3A_47 : memref<1x128xi32, #tpu.memory_space<vmem>> -> memref<128xi32, #tpu.memory_space<vmem>>
      %dma_wait3A_49 = arith.constant 0 : i32
      %dma_wait3A_50 = arith.constant 0 : i32
      %dma_wait3A_51 = tpu.memref_slice %arg3[%dma_wait3A_49, %dma_wait3A_50] : memref<10000x128xf32, #tpu.memory_space<hbm>> -> memref<10000x128xf32, #tpu.memory_space<hbm>>
      tpu.wait_indirect_dma semaphore(%arg16 : memref<!tpu.dma_semaphore, #tpu.memory_space<semaphore_mem>>) src(%dma_wait3A_51 : memref<10000x128xf32, #tpu.memory_space<hbm>>) dst(%arg12 : memref<128x128xf32, #tpu.memory_space<vmem>>)
      "tpu.region"() ({
        %run_scoped3A = tpu.sem_alloc : memref<!tpu.dma_semaphore, #tpu.memory_space<semaphore_mem>>
        %dma_start3A_80 = arith.constant 0 : i32
        %dma_start3A_81 = tpu.memref_slice %arg7[%mul3A_40, %dma_start3A_80] : memref<327680x128xf32, #tpu.memory_space<hbm>> -> memref<128x128xf32, #tpu.memory_space<hbm>>
        %dma_start3A_82 = arith.constant 0 : i32
        %dma_start3A_83 = tpu.memref_slice %arg7[%mul3A_40, %dma_start3A_82] : memref<327680x128xf32, #tpu.memory_space<hbm>> -> memref<128x128xf32, #tpu.memory_space<hbm>>
        tpu.enqueue_dma source(%arg12 : memref<128x128xf32, #tpu.memory_space<vmem>>) target(%dma_start3A_83 : memref<128x128xf32, #tpu.memory_space<hbm>>) target_semaphore(%run_scoped3A : memref<!tpu.dma_semaphore, #tpu.memory_space<semaphore_mem>>)
        %dma_wait3A_84 = arith.constant 0 : i32
        %dma_wait3A_85 = tpu.memref_slice %arg7[%mul3A_40, %dma_wait3A_84] : memref<327680x128xf32, #tpu.memory_space<hbm>> -> memref<128x128xf32, #tpu.memory_space<hbm>>
        %dma_wait3A_86 = arith.constant 0 : i32
        %dma_wait3A_87 = tpu.memref_slice %arg7[%mul3A_40, %dma_wait3A_86] : memref<327680x128xf32, #tpu.memory_space<hbm>> -> memref<128x128xf32, #tpu.memory_space<hbm>>
        tpu.wait_dma2 semaphore(%run_scoped3A : memref<!tpu.dma_semaphore, #tpu.memory_space<semaphore_mem>>) src(%arg12 : memref<128x128xf32, #tpu.memory_space<vmem>>) dst(%dma_wait3A_87 : memref<128x128xf32, #tpu.memory_space<hbm>>)
        tpu.yield
      }) : () -> ()
      %add3A_52 = arith.constant 2 : i32
      %add3A_53 = arith.addi %mul3A_37, %add3A_52 : i32
      %lt3A = arith.constant 80 : i32
      %lt3A_54 = arith.cmpi slt, %add3A_53, %lt3A : i32
      %convert_element_type3A = arith.extui %lt3A_54 : i1 to i32
      %cond3A = arith.constant 0 : i32
      %cond3A_55 = arith.cmpi ne, %convert_element_type3A, %cond3A : i32
      scf.if %cond3A_55 {
        %add3A_80 = arith.constant 2 : i32
        %add3A_81 = arith.addi %mul3A_37, %add3A_80 : i32
        %dma_start3A_82 = arith.constant 0 : i32
        %dma_start3A_83 = tpu.memref_slice %arg8[%add3A_81, %dma_start3A_82] : memref<80x128xi32, #tpu.memory_space<vmem>> -> memref<1x128xi32, #tpu.memory_space<vmem>>
        %dma_start3A_84 = tpu.memref_squeeze %dma_start3A_83 : memref<1x128xi32, #tpu.memory_space<vmem>> -> memref<128xi32, #tpu.memory_space<vmem>>
        %dma_start3A_85 = arith.constant 0 : i32
        %dma_start3A_86 = arith.constant 0 : i32
        %dma_start3A_87 = tpu.memref_slice %arg2[%dma_start3A_85, %dma_start3A_86] : memref<10000x128xf32, #tpu.memory_space<hbm>> -> memref<10000x128xf32, #tpu.memory_space<hbm>>
        tpu.enqueue_indirect_dma source(%dma_start3A_87 : memref<10000x128xf32, #tpu.memory_space<hbm>>) target(%arg10 : memref<128x128xf32, #tpu.memory_space<vmem>>) offsets(%dma_start3A_84 : memref<128xi32, #tpu.memory_space<vmem>>) semaphore(%arg14 : memref<!tpu.dma_semaphore, #tpu.memory_space<semaphore_mem>>)
        %dma_start3A_88 = arith.constant 0 : i32
        %dma_start3A_89 = tpu.memref_slice %arg9[%add3A_81, %dma_start3A_88] : memref<80x128xi32, #tpu.memory_space<vmem>> -> memref<1x128xi32, #tpu.memory_space<vmem>>
        %dma_start3A_90 = tpu.memref_squeeze %dma_start3A_89 : memref<1x128xi32, #tpu.memory_space<vmem>> -> memref<128xi32, #tpu.memory_space<vmem>>
        %dma_start3A_91 = arith.constant 0 : i32
        %dma_start3A_92 = arith.constant 0 : i32
        %dma_start3A_93 = tpu.memref_slice %arg3[%dma_start3A_91, %dma_start3A_92] : memref<10000x128xf32, #tpu.memory_space<hbm>> -> memref<10000x128xf32, #tpu.memory_space<hbm>>
        tpu.enqueue_indirect_dma source(%dma_start3A_93 : memref<10000x128xf32, #tpu.memory_space<hbm>>) target(%arg12 : memref<128x128xf32, #tpu.memory_space<vmem>>) offsets(%dma_start3A_90 : memref<128xi32, #tpu.memory_space<vmem>>) semaphore(%arg16 : memref<!tpu.dma_semaphore, #tpu.memory_space<semaphore_mem>>)
      } else {
      }
      %add3A_56 = arith.constant 1 : i32
      %add3A_57 = arith.addi %mul3A_37, %add3A_56 : i32
      %add3A_58 = arith.addi %mul3A_2, %add3A_57 : i32
      %mul3A_59 = arith.constant 128 : i32
      %mul3A_60 = arith.muli %add3A_58, %mul3A_59 : i32
      %dma_wait3A_61 = arith.constant 0 : i32
      %dma_wait3A_62 = tpu.memref_slice %arg8[%add3A_57, %dma_wait3A_61] : memref<80x128xi32, #tpu.memory_space<vmem>> -> memref<1x128xi32, #tpu.memory_space<vmem>>
      %dma_wait3A_63 = tpu.memref_squeeze %dma_wait3A_62 : memref<1x128xi32, #tpu.memory_space<vmem>> -> memref<128xi32, #tpu.memory_space<vmem>>
      %dma_wait3A_64 = arith.constant 0 : i32
      %dma_wait3A_65 = arith.constant 0 : i32
      %dma_wait3A_66 = tpu.memref_slice %arg2[%dma_wait3A_64, %dma_wait3A_65] : memref<10000x128xf32, #tpu.memory_space<hbm>> -> memref<10000x128xf32, #tpu.memory_space<hbm>>
      tpu.wait_indirect_dma semaphore(%arg15 : memref<!tpu.dma_semaphore, #tpu.memory_space<semaphore_mem>>) src(%dma_wait3A_66 : memref<10000x128xf32, #tpu.memory_space<hbm>>) dst(%arg11 : memref<128x128xf32, #tpu.memory_space<vmem>>)
      "tpu.region"() ({
        %run_scoped3A = tpu.sem_alloc : memref<!tpu.dma_semaphore, #tpu.memory_space<semaphore_mem>>
        %dma_start3A_80 = arith.constant 0 : i32
        %dma_start3A_81 = tpu.memref_slice %arg6[%mul3A_60, %dma_start3A_80] : memref<327680x128xf32, #tpu.memory_space<hbm>> -> memref<128x128xf32, #tpu.memory_space<hbm>>
        %dma_start3A_82 = arith.constant 0 : i32
        %dma_start3A_83 = tpu.memref_slice %arg6[%mul3A_60, %dma_start3A_82] : memref<327680x128xf32, #tpu.memory_space<hbm>> -> memref<128x128xf32, #tpu.memory_space<hbm>>
        tpu.enqueue_dma source(%arg11 : memref<128x128xf32, #tpu.memory_space<vmem>>) target(%dma_start3A_83 : memref<128x128xf32, #tpu.memory_space<hbm>>) target_semaphore(%run_scoped3A : memref<!tpu.dma_semaphore, #tpu.memory_space<semaphore_mem>>)
        %dma_wait3A_84 = arith.constant 0 : i32
        %dma_wait3A_85 = tpu.memref_slice %arg6[%mul3A_60, %dma_wait3A_84] : memref<327680x128xf32, #tpu.memory_space<hbm>> -> memref<128x128xf32, #tpu.memory_space<hbm>>
        %dma_wait3A_86 = arith.constant 0 : i32
        %dma_wait3A_87 = tpu.memref_slice %arg6[%mul3A_60, %dma_wait3A_86] : memref<327680x128xf32, #tpu.memory_space<hbm>> -> memref<128x128xf32, #tpu.memory_space<hbm>>
        tpu.wait_dma2 semaphore(%run_scoped3A : memref<!tpu.dma_semaphore, #tpu.memory_space<semaphore_mem>>) src(%arg11 : memref<128x128xf32, #tpu.memory_space<vmem>>) dst(%dma_wait3A_87 : memref<128x128xf32, #tpu.memory_space<hbm>>)
        tpu.yield
      }) : () -> ()
      %dma_wait3A_67 = arith.constant 0 : i32
      %dma_wait3A_68 = tpu.memref_slice %arg9[%add3A_57, %dma_wait3A_67] : memref<80x128xi32, #tpu.memory_space<vmem>> -> memref<1x128xi32, #tpu.memory_space<vmem>>
      %dma_wait3A_69 = tpu.memref_squeeze %dma_wait3A_68 : memref<1x128xi32, #tpu.memory_space<vmem>> -> memref<128xi32, #tpu.memory_space<vmem>>
      %dma_wait3A_70 = arith.constant 0 : i32
      %dma_wait3A_71 = arith.constant 0 : i32
      %dma_wait3A_72 = tpu.memref_slice %arg3[%dma_wait3A_70, %dma_wait3A_71] : memref<10000x128xf32, #tpu.memory_space<hbm>> -> memref<10000x128xf32, #tpu.memory_space<hbm>>
      tpu.wait_indirect_dma semaphore(%arg17 : memref<!tpu.dma_semaphore, #tpu.memory_space<semaphore_mem>>) src(%dma_wait3A_72 : memref<10000x128xf32, #tpu.memory_space<hbm>>) dst(%arg13 : memref<128x128xf32, #tpu.memory_space<vmem>>)
      "tpu.region"() ({
        %run_scoped3A = tpu.sem_alloc : memref<!tpu.dma_semaphore, #tpu.memory_space<semaphore_mem>>
        %dma_start3A_80 = arith.constant 0 : i32
        %dma_start3A_81 = tpu.memref_slice %arg7[%mul3A_60, %dma_start3A_80] : memref<327680x128xf32, #tpu.memory_space<hbm>> -> memref<128x128xf32, #tpu.memory_space<hbm>>
        %dma_start3A_82 = arith.constant 0 : i32
        %dma_start3A_83 = tpu.memref_slice %arg7[%mul3A_60, %dma_start3A_82] : memref<327680x128xf32, #tpu.memory_space<hbm>> -> memref<128x128xf32, #tpu.memory_space<hbm>>
        tpu.enqueue_dma source(%arg13 : memref<128x128xf32, #tpu.memory_space<vmem>>) target(%dma_start3A_83 : memref<128x128xf32, #tpu.memory_space<hbm>>) target_semaphore(%run_scoped3A : memref<!tpu.dma_semaphore, #tpu.memory_space<semaphore_mem>>)
        %dma_wait3A_84 = arith.constant 0 : i32
        %dma_wait3A_85 = tpu.memref_slice %arg7[%mul3A_60, %dma_wait3A_84] : memref<327680x128xf32, #tpu.memory_space<hbm>> -> memref<128x128xf32, #tpu.memory_space<hbm>>
        %dma_wait3A_86 = arith.constant 0 : i32
        %dma_wait3A_87 = tpu.memref_slice %arg7[%mul3A_60, %dma_wait3A_86] : memref<327680x128xf32, #tpu.memory_space<hbm>> -> memref<128x128xf32, #tpu.memory_space<hbm>>
        tpu.wait_dma2 semaphore(%run_scoped3A : memref<!tpu.dma_semaphore, #tpu.memory_space<semaphore_mem>>) src(%arg13 : memref<128x128xf32, #tpu.memory_space<vmem>>) dst(%dma_wait3A_87 : memref<128x128xf32, #tpu.memory_space<hbm>>)
        tpu.yield
      }) : () -> ()
      %add3A_73 = arith.constant 3 : i32
      %add3A_74 = arith.addi %mul3A_37, %add3A_73 : i32
      %lt3A_75 = arith.constant 80 : i32
      %lt3A_76 = arith.cmpi slt, %add3A_74, %lt3A_75 : i32
      %convert_element_type3A_77 = arith.extui %lt3A_76 : i1 to i32
      %cond3A_78 = arith.constant 0 : i32
      %cond3A_79 = arith.cmpi ne, %convert_element_type3A_77, %cond3A_78 : i32
      scf.if %cond3A_79 {
        %add3A_80 = arith.constant 3 : i32
        %add3A_81 = arith.addi %mul3A_37, %add3A_80 : i32
        %dma_start3A_82 = arith.constant 0 : i32
        %dma_start3A_83 = tpu.memref_slice %arg8[%add3A_81, %dma_start3A_82] : memref<80x128xi32, #tpu.memory_space<vmem>> -> memref<1x128xi32, #tpu.memory_space<vmem>>
        %dma_start3A_84 = tpu.memref_squeeze %dma_start3A_83 : memref<1x128xi32, #tpu.memory_space<vmem>> -> memref<128xi32, #tpu.memory_space<vmem>>
        %dma_start3A_85 = arith.constant 0 : i32
        %dma_start3A_86 = arith.constant 0 : i32
        %dma_start3A_87 = tpu.memref_slice %arg2[%dma_start3A_85, %dma_start3A_86] : memref<10000x128xf32, #tpu.memory_space<hbm>> -> memref<10000x128xf32, #tpu.memory_space<hbm>>
        tpu.enqueue_indirect_dma source(%dma_start3A_87 : memref<10000x128xf32, #tpu.memory_space<hbm>>) target(%arg11 : memref<128x128xf32, #tpu.memory_space<vmem>>) offsets(%dma_start3A_84 : memref<128xi32, #tpu.memory_space<vmem>>) semaphore(%arg15 : memref<!tpu.dma_semaphore, #tpu.memory_space<semaphore_mem>>)
        %dma_start3A_88 = arith.constant 0 : i32
        %dma_start3A_89 = tpu.memref_slice %arg9[%add3A_81, %dma_start3A_88] : memref<80x128xi32, #tpu.memory_space<vmem>> -> memref<1x128xi32, #tpu.memory_space<vmem>>
        %dma_start3A_90 = tpu.memref_squeeze %dma_start3A_89 : memref<1x128xi32, #tpu.memory_space<vmem>> -> memref<128xi32, #tpu.memory_space<vmem>>
        %dma_start3A_91 = arith.constant 0 : i32
        %dma_start3A_92 = arith.constant 0 : i32
        %dma_start3A_93 = tpu.memref_slice %arg3[%dma_start3A_91, %dma_start3A_92] : memref<10000x128xf32, #tpu.memory_space<hbm>> -> memref<10000x128xf32, #tpu.memory_space<hbm>>
        tpu.enqueue_indirect_dma source(%dma_start3A_93 : memref<10000x128xf32, #tpu.memory_space<hbm>>) target(%arg13 : memref<128x128xf32, #tpu.memory_space<vmem>>) offsets(%dma_start3A_90 : memref<128xi32, #tpu.memory_space<vmem>>) semaphore(%arg17 : memref<!tpu.dma_semaphore, #tpu.memory_space<semaphore_mem>>)
      } else {
      }
    }
    %scan3A_34 = arith.constant 40 : i32
    return
  }
}

#map = affine_map<(d0, d1) -> (0, 0)>
module attributes {stable_mosaic.version = 14 : i64} {
  func.func @_gather(%arg0: i32, %arg1: i32, %arg2: memref<10000x128xf32, #tpu.memory_space<hbm>>, %arg3: memref<10000x128xf32, #tpu.memory_space<hbm>>, %arg4: memref<2560x128xi32, #tpu.memory_space<hbm>>, %arg5: memref<2560x128xi32, #tpu.memory_space<hbm>>, %arg6: memref<327680x128xf32, #tpu.memory_space<hbm>>, %arg7: memref<327680x128xf32, #tpu.memory_space<hbm>>, %arg8: memref<80x128xi32, #tpu.memory_space<vmem>>, %arg9: memref<80x128xi32, #tpu.memory_space<vmem>>, %arg10: memref<128x128xf32, #tpu.memory_space<vmem>>, %arg11: memref<128x128xf32, #tpu.memory_space<vmem>>, %arg12: memref<128x128xf32, #tpu.memory_space<vmem>>, %arg13: memref<128x128xf32, #tpu.memory_space<vmem>>, %arg14: memref<!tpu.dma_semaphore, #tpu.memory_space<semaphore_mem>>, %arg15: memref<!tpu.dma_semaphore, #tpu.memory_space<semaphore_mem>>, %arg16: memref<!tpu.dma_semaphore, #tpu.memory_space<semaphore_mem>>, %arg17: memref<!tpu.dma_semaphore, #tpu.memory_space<semaphore_mem>>) attributes {dimension_semantics = [#tpu.dimension_semantics<core_parallel>, #tpu.dimension_semantics<subcore_parallel>], iteration_bounds = array<i64: 2, 16>, scalar_prefetch = 0 : i64, scratch_operands = 10 : i64, tpu.core_type = #tpu.core_type<sc_vector_subcore>, window_params = [{transform_indices = #map}, {transform_indices = #map}, {transform_indices = #map}, {transform_indices = #map}, {transform_indices = #map}, {transform_indices = #map}]} {
    %mul3A = arith.constant 2 : i32
    %mul3A_0 = arith.muli %arg1, %mul3A : i32
    %add3A = arith.addi %mul3A_0, %arg0 : i32
    %mul3A_1 = arith.constant 80 : i32
    %mul3A_2 = arith.muli %add3A, %mul3A_1 : i32
    "tpu.region"() ({
      %run_scoped3A = tpu.sem_alloc : memref<!tpu.dma_semaphore, #tpu.memory_space<semaphore_mem>>
      %dma_start3A_35 = arith.constant 0 : i32
      %dma_start3A_36 = tpu.memref_slice %arg4[%mul3A_2, %dma_start3A_35] : memref<2560x128xi32, #tpu.memory_space<hbm>> -> memref<80x128xi32, #tpu.memory_space<hbm>>
      %dma_start3A_37 = arith.constant 0 : i32
      %dma_start3A_38 = tpu.memref_slice %arg4[%mul3A_2, %dma_start3A_37] : memref<2560x128xi32, #tpu.memory_space<hbm>> -> memref<80x128xi32, #tpu.memory_space<hbm>>
      tpu.enqueue_dma source(%dma_start3A_38 : memref<80x128xi32, #tpu.memory_space<hbm>>) target(%arg8 : memref<80x128xi32, #tpu.memory_space<vmem>>) target_semaphore(%run_scoped3A : memref<!tpu.dma_semaphore, #tpu.memory_space<semaphore_mem>>)
      %dma_wait3A = arith.constant 0 : i32
      %dma_wait3A_39 = tpu.memref_slice %arg4[%mul3A_2, %dma_wait3A] : memref<2560x128xi32, #tpu.memory_space<hbm>> -> memref<80x128xi32, #tpu.memory_space<hbm>>
      %dma_wait3A_40 = arith.constant 0 : i32
      %dma_wait3A_41 = tpu.memref_slice %arg4[%mul3A_2, %dma_wait3A_40] : memref<2560x128xi32, #tpu.memory_space<hbm>> -> memref<80x128xi32, #tpu.memory_space<hbm>>
      tpu.wait_dma2 semaphore(%run_scoped3A : memref<!tpu.dma_semaphore, #tpu.memory_space<semaphore_mem>>) src(%dma_wait3A_41 : memref<80x128xi32, #tpu.memory_space<hbm>>) dst(%arg8 : memref<80x128xi32, #tpu.memory_space<vmem>>)
      tpu.yield
    }) : () -> ()
    "tpu.region"() ({
      %run_scoped3A = tpu.sem_alloc : memref<!tpu.dma_semaphore, #tpu.memory_space<semaphore_mem>>
      %dma_start3A_35 = arith.constant 0 : i32
      %dma_start3A_36 = tpu.memref_slice %arg5[%mul3A_2, %dma_start3A_35] : memref<2560x128xi32, #tpu.memory_space<hbm>> -> memref<80x128xi32, #tpu.memory_space<hbm>>
      %dma_start3A_37 = arith.constant 0 : i32
      %dma_start3A_38 = tpu.memref_slice %arg5[%mul3A_2, %dma_start3A_37] : memref<2560x128xi32, #tpu.memory_space<hbm>> -> memref<80x128xi32, #tpu.memory_space<hbm>>
      tpu.enqueue_dma source(%dma_start3A_38 : memref<80x128xi32, #tpu.memory_space<hbm>>) target(%arg9 : memref<80x128xi32, #tpu.memory_space<vmem>>) target_semaphore(%run_scoped3A : memref<!tpu.dma_semaphore, #tpu.memory_space<semaphore_mem>>)
      %dma_wait3A = arith.constant 0 : i32
      %dma_wait3A_39 = tpu.memref_slice %arg5[%mul3A_2, %dma_wait3A] : memref<2560x128xi32, #tpu.memory_space<hbm>> -> memref<80x128xi32, #tpu.memory_space<hbm>>
      %dma_wait3A_40 = arith.constant 0 : i32
      %dma_wait3A_41 = tpu.memref_slice %arg5[%mul3A_2, %dma_wait3A_40] : memref<2560x128xi32, #tpu.memory_space<hbm>> -> memref<80x128xi32, #tpu.memory_space<hbm>>
      tpu.wait_dma2 semaphore(%run_scoped3A : memref<!tpu.dma_semaphore, #tpu.memory_space<semaphore_mem>>) src(%dma_wait3A_41 : memref<80x128xi32, #tpu.memory_space<hbm>>) dst(%arg9 : memref<80x128xi32, #tpu.memory_space<vmem>>)
      tpu.yield
    }) : () -> ()
    %dma_start3A = arith.constant 0 : i32
    %dma_start3A_3 = arith.constant 0 : i32
    %dma_start3A_4 = tpu.memref_slice %arg8[%dma_start3A, %dma_start3A_3] : memref<80x128xi32, #tpu.memory_space<vmem>> -> memref<1x128xi32, #tpu.memory_space<vmem>>
    %dma_start3A_5 = tpu.memref_squeeze %dma_start3A_4 : memref<1x128xi32, #tpu.memory_space<vmem>> -> memref<128xi32, #tpu.memory_space<vmem>>
    %dma_start3A_6 = arith.constant 0 : i32
    %dma_start3A_7 = arith.constant 0 : i32
    %dma_start3A_8 = tpu.memref_slice %arg2[%dma_start3A_6, %dma_start3A_7] : memref<10000x128xf32, #tpu.memory_space<hbm>> -> memref<10000x128xf32, #tpu.memory_space<hbm>>
    tpu.enqueue_indirect_dma source(%dma_start3A_8 : memref<10000x128xf32, #tpu.memory_space<hbm>>) target(%arg10 : memref<128x128xf32, #tpu.memory_space<vmem>>) offsets(%dma_start3A_5 : memref<128xi32, #tpu.memory_space<vmem>>) semaphore(%arg14 : memref<!tpu.dma_semaphore, #tpu.memory_space<semaphore_mem>>)
    %dma_start3A_9 = arith.constant 0 : i32
    %dma_start3A_10 = arith.constant 0 : i32
    %dma_start3A_11 = tpu.memref_slice %arg9[%dma_start3A_9, %dma_start3A_10] : memref<80x128xi32, #tpu.memory_space<vmem>> -> memref<1x128xi32, #tpu.memory_space<vmem>>
    %dma_start3A_12 = tpu.memref_squeeze %dma_start3A_11 : memref<1x128xi32, #tpu.memory_space<vmem>> -> memref<128xi32, #tpu.memory_space<vmem>>
    %dma_start3A_13 = arith.constant 0 : i32
    %dma_start3A_14 = arith.constant 0 : i32
    %dma_start3A_15 = tpu.memref_slice %arg3[%dma_start3A_13, %dma_start3A_14] : memref<10000x128xf32, #tpu.memory_space<hbm>> -> memref<10000x128xf32, #tpu.memory_space<hbm>>
    tpu.enqueue_indirect_dma source(%dma_start3A_15 : memref<10000x128xf32, #tpu.memory_space<hbm>>) target(%arg12 : memref<128x128xf32, #tpu.memory_space<vmem>>) offsets(%dma_start3A_12 : memref<128xi32, #tpu.memory_space<vmem>>) semaphore(%arg16 : memref<!tpu.dma_semaphore, #tpu.memory_space<semaphore_mem>>)
    %dma_start3A_16 = arith.constant 1 : i32
    %dma_start3A_17 = arith.constant 0 : i32
    %dma_start3A_18 = tpu.memref_slice %arg8[%dma_start3A_16, %dma_start3A_17] : memref<80x128xi32, #tpu.memory_space<vmem>> -> memref<1x128xi32, #tpu.memory_space<vmem>>
    %dma_start3A_19 = tpu.memref_squeeze %dma_start3A_18 : memref<1x128xi32, #tpu.memory_space<vmem>> -> memref<128xi32, #tpu.memory_space<vmem>>
    %dma_start3A_20 = arith.constant 0 : i32
    %dma_start3A_21 = arith.constant 0 : i32
    %dma_start3A_22 = tpu.memref_slice %arg2[%dma_start3A_20, %dma_start3A_21] : memref<10000x128xf32, #tpu.memory_space<hbm>> -> memref<10000x128xf32, #tpu.memory_space<hbm>>
    tpu.enqueue_indirect_dma source(%dma_start3A_22 : memref<10000x128xf32, #tpu.memory_space<hbm>>) target(%arg11 : memref<128x128xf32, #tpu.memory_space<vmem>>) offsets(%dma_start3A_19 : memref<128xi32, #tpu.memory_space<vmem>>) semaphore(%arg15 : memref<!tpu.dma_semaphore, #tpu.memory_space<semaphore_mem>>)
    %dma_start3A_23 = arith.constant 1 : i32
    %dma_start3A_24 = arith.constant 0 : i32
    %dma_start3A_25 = tpu.memref_slice %arg9[%dma_start3A_23, %dma_start3A_24] : memref<80x128xi32, #tpu.memory_space<vmem>> -> memref<1x128xi32, #tpu.memory_space<vmem>>
    %dma_start3A_26 = tpu.memref_squeeze %dma_start3A_25 : memref<1x128xi32, #tpu.memory_space<vmem>> -> memref<128xi32, #tpu.memory_space<vmem>>
    %dma_start3A_27 = arith.constant 0 : i32
    %dma_start3A_28 = arith.constant 0 : i32
    %dma_start3A_29 = tpu.memref_slice %arg3[%dma_start3A_27, %dma_start3A_28] : memref<10000x128xf32, #tpu.memory_space<hbm>> -> memref<10000x128xf32, #tpu.memory_space<hbm>>
    tpu.enqueue_indirect_dma source(%dma_start3A_29 : memref<10000x128xf32, #tpu.memory_space<hbm>>) target(%arg13 : memref<128x128xf32, #tpu.memory_space<vmem>>) offsets(%dma_start3A_26 : memref<128xi32, #tpu.memory_space<vmem>>) semaphore(%arg17 : memref<!tpu.dma_semaphore, #tpu.memory_space<semaphore_mem>>)
    %scan3A = arith.constant 0 : i32
    %scan3A_30 = arith.constant 0 : i32
    %scan3A_31 = arith.constant 40 : i32
    %scan3A_32 = arith.addi %scan3A_30, %scan3A_31 : i32
    %scan3A_33 = arith.constant 1 : i32
    scf.for %scan3A_35 = %scan3A_30 to %scan3A_32 step %scan3A_33  : i32 {
      %mul3A_36 = arith.constant 2 : i32
      %mul3A_37 = arith.muli %mul3A_36, %scan3A_35 : i32
      %add3A_38 = arith.addi %mul3A_2, %mul3A_37 : i32
      %mul3A_39 = arith.constant 128 : i32
      %mul3A_40 = arith.muli %add3A_38, %mul3A_39 : i32
      %dma_wait3A = arith.constant 0 : i32
      %dma_wait3A_41 = tpu.memref_slice %arg8[%mul3A_37, %dma_wait3A] : memref<80x128xi32, #tpu.memory_space<vmem>> -> memref<1x128xi32, #tpu.memory_space<vmem>>
      %dma_wait3A_42 = tpu.memref_squeeze %dma_wait3A_41 : memref<1x128xi32, #tpu.memory_space<vmem>> -> memref<128xi32, #tpu.memory_space<vmem>>
      %dma_wait3A_43 = arith.constant 0 : i32
      %dma_wait3A_44 = arith.constant 0 : i32
      %dma_wait3A_45 = tpu.memref_slice %arg2[%dma_wait3A_43, %dma_wait3A_44] : memref<10000x128xf32, #tpu.memory_space<hbm>> -> memref<10000x128xf32, #tpu.memory_space<hbm>>
      tpu.wait_indirect_dma semaphore(%arg14 : memref<!tpu.dma_semaphore, #tpu.memory_space<semaphore_mem>>) src(%dma_wait3A_45 : memref<10000x128xf32, #tpu.memory_space<hbm>>) dst(%arg10 : memref<128x128xf32, #tpu.memory_space<vmem>>)
      "tpu.region"() ({
        %run_scoped3A = tpu.sem_alloc : memref<!tpu.dma_semaphore, #tpu.memory_space<semaphore_mem>>
        %dma_start3A_80 = arith.constant 0 : i32
        %dma_start3A_81 = tpu.memref_slice %arg6[%mul3A_40, %dma_start3A_80] : memref<327680x128xf32, #tpu.memory_space<hbm>> -> memref<128x128xf32, #tpu.memory_space<hbm>>
        %dma_start3A_82 = arith.constant 0 : i32
        %dma_start3A_83 = tpu.memref_slice %arg6[%mul3A_40, %dma_start3A_82] : memref<327680x128xf32, #tpu.memory_space<hbm>> -> memref<128x128xf32, #tpu.memory_space<hbm>>
        tpu.enqueue_dma source(%arg10 : memref<128x128xf32, #tpu.memory_space<vmem>>) target(%dma_start3A_83 : memref<128x128xf32, #tpu.memory_space<hbm>>) target_semaphore(%run_scoped3A : memref<!tpu.dma_semaphore, #tpu.memory_space<semaphore_mem>>)
        %dma_wait3A_84 = arith.constant 0 : i32
        %dma_wait3A_85 = tpu.memref_slice %arg6[%mul3A_40, %dma_wait3A_84] : memref<327680x128xf32, #tpu.memory_space<hbm>> -> memref<128x128xf32, #tpu.memory_space<hbm>>
        %dma_wait3A_86 = arith.constant 0 : i32
        %dma_wait3A_87 = tpu.memref_slice %arg6[%mul3A_40, %dma_wait3A_86] : memref<327680x128xf32, #tpu.memory_space<hbm>> -> memref<128x128xf32, #tpu.memory_space<hbm>>
        tpu.wait_dma2 semaphore(%run_scoped3A : memref<!tpu.dma_semaphore, #tpu.memory_space<semaphore_mem>>) src(%arg10 : memref<128x128xf32, #tpu.memory_space<vmem>>) dst(%dma_wait3A_87 : memref<128x128xf32, #tpu.memory_space<hbm>>)
        tpu.yield
      }) : () -> ()
      %dma_wait3A_46 = arith.constant 0 : i32
      %dma_wait3A_47 = tpu.memref_slice %arg9[%mul3A_37, %dma_wait3A_46] : memref<80x128xi32, #tpu.memory_space<vmem>> -> memref<1x128xi32, #tpu.memory_space<vmem>>
      %dma_wait3A_48 = tpu.memref_squeeze %dma_wait3A_47 : memref<1x128xi32, #tpu.memory_space<vmem>> -> memref<128xi32, #tpu.memory_space<vmem>>
      %dma_wait3A_49 = arith.constant 0 : i32
      %dma_wait3A_50 = arith.constant 0 : i32
      %dma_wait3A_51 = tpu.memref_slice %arg3[%dma_wait3A_49, %dma_wait3A_50] : memref<10000x128xf32, #tpu.memory_space<hbm>> -> memref<10000x128xf32, #tpu.memory_space<hbm>>
      tpu.wait_indirect_dma semaphore(%arg16 : memref<!tpu.dma_semaphore, #tpu.memory_space<semaphore_mem>>) src(%dma_wait3A_51 : memref<10000x128xf32, #tpu.memory_space<hbm>>) dst(%arg12 : memref<128x128xf32, #tpu.memory_space<vmem>>)
      "tpu.region"() ({
        %run_scoped3A = tpu.sem_alloc : memref<!tpu.dma_semaphore, #tpu.memory_space<semaphore_mem>>
        %dma_start3A_80 = arith.constant 0 : i32
        %dma_start3A_81 = tpu.memref_slice %arg7[%mul3A_40, %dma_start3A_80] : memref<327680x128xf32, #tpu.memory_space<hbm>> -> memref<128x128xf32, #tpu.memory_space<hbm>>
        %dma_start3A_82 = arith.constant 0 : i32
        %dma_start3A_83 = tpu.memref_slice %arg7[%mul3A_40, %dma_start3A_82] : memref<327680x128xf32, #tpu.memory_space<hbm>> -> memref<128x128xf32, #tpu.memory_space<hbm>>
        tpu.enqueue_dma source(%arg12 : memref<128x128xf32, #tpu.memory_space<vmem>>) target(%dma_start3A_83 : memref<128x128xf32, #tpu.memory_space<hbm>>) target_semaphore(%run_scoped3A : memref<!tpu.dma_semaphore, #tpu.memory_space<semaphore_mem>>)
        %dma_wait3A_84 = arith.constant 0 : i32
        %dma_wait3A_85 = tpu.memref_slice %arg7[%mul3A_40, %dma_wait3A_84] : memref<327680x128xf32, #tpu.memory_space<hbm>> -> memref<128x128xf32, #tpu.memory_space<hbm>>
        %dma_wait3A_86 = arith.constant 0 : i32
        %dma_wait3A_87 = tpu.memref_slice %arg7[%mul3A_40, %dma_wait3A_86] : memref<327680x128xf32, #tpu.memory_space<hbm>> -> memref<128x128xf32, #tpu.memory_space<hbm>>
        tpu.wait_dma2 semaphore(%run_scoped3A : memref<!tpu.dma_semaphore, #tpu.memory_space<semaphore_mem>>) src(%arg12 : memref<128x128xf32, #tpu.memory_space<vmem>>) dst(%dma_wait3A_87 : memref<128x128xf32, #tpu.memory_space<hbm>>)
        tpu.yield
      }) : () -> ()
      %add3A_52 = arith.constant 2 : i32
      %add3A_53 = arith.addi %mul3A_37, %add3A_52 : i32
      %lt3A = arith.constant 80 : i32
      %lt3A_54 = arith.cmpi slt, %add3A_53, %lt3A : i32
      %convert_element_type3A = arith.extui %lt3A_54 : i1 to i32
      %cond3A = arith.constant 0 : i32
      %cond3A_55 = arith.cmpi ne, %convert_element_type3A, %cond3A : i32
      scf.if %cond3A_55 {
        %add3A_80 = arith.constant 2 : i32
        %add3A_81 = arith.addi %mul3A_37, %add3A_80 : i32
        %dma_start3A_82 = arith.constant 0 : i32
        %dma_start3A_83 = tpu.memref_slice %arg8[%add3A_81, %dma_start3A_82] : memref<80x128xi32, #tpu.memory_space<vmem>> -> memref<1x128xi32, #tpu.memory_space<vmem>>
        %dma_start3A_84 = tpu.memref_squeeze %dma_start3A_83 : memref<1x128xi32, #tpu.memory_space<vmem>> -> memref<128xi32, #tpu.memory_space<vmem>>
        %dma_start3A_85 = arith.constant 0 : i32
        %dma_start3A_86 = arith.constant 0 : i32
        %dma_start3A_87 = tpu.memref_slice %arg2[%dma_start3A_85, %dma_start3A_86] : memref<10000x128xf32, #tpu.memory_space<hbm>> -> memref<10000x128xf32, #tpu.memory_space<hbm>>
        tpu.enqueue_indirect_dma source(%dma_start3A_87 : memref<10000x128xf32, #tpu.memory_space<hbm>>) target(%arg10 : memref<128x128xf32, #tpu.memory_space<vmem>>) offsets(%dma_start3A_84 : memref<128xi32, #tpu.memory_space<vmem>>) semaphore(%arg14 : memref<!tpu.dma_semaphore, #tpu.memory_space<semaphore_mem>>)
        %dma_start3A_88 = arith.constant 0 : i32
        %dma_start3A_89 = tpu.memref_slice %arg9[%add3A_81, %dma_start3A_88] : memref<80x128xi32, #tpu.memory_space<vmem>> -> memref<1x128xi32, #tpu.memory_space<vmem>>
        %dma_start3A_90 = tpu.memref_squeeze %dma_start3A_89 : memref<1x128xi32, #tpu.memory_space<vmem>> -> memref<128xi32, #tpu.memory_space<vmem>>
        %dma_start3A_91 = arith.constant 0 : i32
        %dma_start3A_92 = arith.constant 0 : i32
        %dma_start3A_93 = tpu.memref_slice %arg3[%dma_start3A_91, %dma_start3A_92] : memref<10000x128xf32, #tpu.memory_space<hbm>> -> memref<10000x128xf32, #tpu.memory_space<hbm>>
        tpu.enqueue_indirect_dma source(%dma_start3A_93 : memref<10000x128xf32, #tpu.memory_space<hbm>>) target(%arg12 : memref<128x128xf32, #tpu.memory_space<vmem>>) offsets(%dma_start3A_90 : memref<128xi32, #tpu.memory_space<vmem>>) semaphore(%arg16 : memref<!tpu.dma_semaphore, #tpu.memory_space<semaphore_mem>>)
      } else {
      }
      %add3A_56 = arith.constant 1 : i32
      %add3A_57 = arith.addi %mul3A_37, %add3A_56 : i32
      %add3A_58 = arith.addi %mul3A_2, %add3A_57 : i32
      %mul3A_59 = arith.constant 128 : i32
      %mul3A_60 = arith.muli %add3A_58, %mul3A_59 : i32
      %dma_wait3A_61 = arith.constant 0 : i32
      %dma_wait3A_62 = tpu.memref_slice %arg8[%add3A_57, %dma_wait3A_61] : memref<80x128xi32, #tpu.memory_space<vmem>> -> memref<1x128xi32, #tpu.memory_space<vmem>>
      %dma_wait3A_63 = tpu.memref_squeeze %dma_wait3A_62 : memref<1x128xi32, #tpu.memory_space<vmem>> -> memref<128xi32, #tpu.memory_space<vmem>>
      %dma_wait3A_64 = arith.constant 0 : i32
      %dma_wait3A_65 = arith.constant 0 : i32
      %dma_wait3A_66 = tpu.memref_slice %arg2[%dma_wait3A_64, %dma_wait3A_65] : memref<10000x128xf32, #tpu.memory_space<hbm>> -> memref<10000x128xf32, #tpu.memory_space<hbm>>
      tpu.wait_indirect_dma semaphore(%arg15 : memref<!tpu.dma_semaphore, #tpu.memory_space<semaphore_mem>>) src(%dma_wait3A_66 : memref<10000x128xf32, #tpu.memory_space<hbm>>) dst(%arg11 : memref<128x128xf32, #tpu.memory_space<vmem>>)
      "tpu.region"() ({
        %run_scoped3A = tpu.sem_alloc : memref<!tpu.dma_semaphore, #tpu.memory_space<semaphore_mem>>
        %dma_start3A_80 = arith.constant 0 : i32
        %dma_start3A_81 = tpu.memref_slice %arg6[%mul3A_60, %dma_start3A_80] : memref<327680x128xf32, #tpu.memory_space<hbm>> -> memref<128x128xf32, #tpu.memory_space<hbm>>
        %dma_start3A_82 = arith.constant 0 : i32
        %dma_start3A_83 = tpu.memref_slice %arg6[%mul3A_60, %dma_start3A_82] : memref<327680x128xf32, #tpu.memory_space<hbm>> -> memref<128x128xf32, #tpu.memory_space<hbm>>
        tpu.enqueue_dma source(%arg11 : memref<128x128xf32, #tpu.memory_space<vmem>>) target(%dma_start3A_83 : memref<128x128xf32, #tpu.memory_space<hbm>>) target_semaphore(%run_scoped3A : memref<!tpu.dma_semaphore, #tpu.memory_space<semaphore_mem>>)
        %dma_wait3A_84 = arith.constant 0 : i32
        %dma_wait3A_85 = tpu.memref_slice %arg6[%mul3A_60, %dma_wait3A_84] : memref<327680x128xf32, #tpu.memory_space<hbm>> -> memref<128x128xf32, #tpu.memory_space<hbm>>
        %dma_wait3A_86 = arith.constant 0 : i32
        %dma_wait3A_87 = tpu.memref_slice %arg6[%mul3A_60, %dma_wait3A_86] : memref<327680x128xf32, #tpu.memory_space<hbm>> -> memref<128x128xf32, #tpu.memory_space<hbm>>
        tpu.wait_dma2 semaphore(%run_scoped3A : memref<!tpu.dma_semaphore, #tpu.memory_space<semaphore_mem>>) src(%arg11 : memref<128x128xf32, #tpu.memory_space<vmem>>) dst(%dma_wait3A_87 : memref<128x128xf32, #tpu.memory_space<hbm>>)
        tpu.yield
      }) : () -> ()
      %dma_wait3A_67 = arith.constant 0 : i32
      %dma_wait3A_68 = tpu.memref_slice %arg9[%add3A_57, %dma_wait3A_67] : memref<80x128xi32, #tpu.memory_space<vmem>> -> memref<1x128xi32, #tpu.memory_space<vmem>>
      %dma_wait3A_69 = tpu.memref_squeeze %dma_wait3A_68 : memref<1x128xi32, #tpu.memory_space<vmem>> -> memref<128xi32, #tpu.memory_space<vmem>>
      %dma_wait3A_70 = arith.constant 0 : i32
      %dma_wait3A_71 = arith.constant 0 : i32
      %dma_wait3A_72 = tpu.memref_slice %arg3[%dma_wait3A_70, %dma_wait3A_71] : memref<10000x128xf32, #tpu.memory_space<hbm>> -> memref<10000x128xf32, #tpu.memory_space<hbm>>
      tpu.wait_indirect_dma semaphore(%arg17 : memref<!tpu.dma_semaphore, #tpu.memory_space<semaphore_mem>>) src(%dma_wait3A_72 : memref<10000x128xf32, #tpu.memory_space<hbm>>) dst(%arg13 : memref<128x128xf32, #tpu.memory_space<vmem>>)
      "tpu.region"() ({
        %run_scoped3A = tpu.sem_alloc : memref<!tpu.dma_semaphore, #tpu.memory_space<semaphore_mem>>
        %dma_start3A_80 = arith.constant 0 : i32
        %dma_start3A_81 = tpu.memref_slice %arg7[%mul3A_60, %dma_start3A_80] : memref<327680x128xf32, #tpu.memory_space<hbm>> -> memref<128x128xf32, #tpu.memory_space<hbm>>
        %dma_start3A_82 = arith.constant 0 : i32
        %dma_start3A_83 = tpu.memref_slice %arg7[%mul3A_60, %dma_start3A_82] : memref<327680x128xf32, #tpu.memory_space<hbm>> -> memref<128x128xf32, #tpu.memory_space<hbm>>
        tpu.enqueue_dma source(%arg13 : memref<128x128xf32, #tpu.memory_space<vmem>>) target(%dma_start3A_83 : memref<128x128xf32, #tpu.memory_space<hbm>>) target_semaphore(%run_scoped3A : memref<!tpu.dma_semaphore, #tpu.memory_space<semaphore_mem>>)
        %dma_wait3A_84 = arith.constant 0 : i32
        %dma_wait3A_85 = tpu.memref_slice %arg7[%mul3A_60, %dma_wait3A_84] : memref<327680x128xf32, #tpu.memory_space<hbm>> -> memref<128x128xf32, #tpu.memory_space<hbm>>
        %dma_wait3A_86 = arith.constant 0 : i32
        %dma_wait3A_87 = tpu.memref_slice %arg7[%mul3A_60, %dma_wait3A_86] : memref<327680x128xf32, #tpu.memory_space<hbm>> -> memref<128x128xf32, #tpu.memory_space<hbm>>
        tpu.wait_dma2 semaphore(%run_scoped3A : memref<!tpu.dma_semaphore, #tpu.memory_space<semaphore_mem>>) src(%arg13 : memref<128x128xf32, #tpu.memory_space<vmem>>) dst(%dma_wait3A_87 : memref<128x128xf32, #tpu.memory_space<hbm>>)
        tpu.yield
      }) : () -> ()
      %add3A_73 = arith.constant 3 : i32
      %add3A_74 = arith.addi %mul3A_37, %add3A_73 : i32
      %lt3A_75 = arith.constant 80 : i32
      %lt3A_76 = arith.cmpi slt, %add3A_74, %lt3A_75 : i32
      %convert_element_type3A_77 = arith.extui %lt3A_76 : i1 to i32
      %cond3A_78 = arith.constant 0 : i32
      %cond3A_79 = arith.cmpi ne, %convert_element_type3A_77, %cond3A_78 : i32
      scf.if %cond3A_79 {
        %add3A_80 = arith.constant 3 : i32
        %add3A_81 = arith.addi %mul3A_37, %add3A_80 : i32
        %dma_start3A_82 = arith.constant 0 : i32
        %dma_start3A_83 = tpu.memref_slice %arg8[%add3A_81, %dma_start3A_82] : memref<80x128xi32, #tpu.memory_space<vmem>> -> memref<1x128xi32, #tpu.memory_space<vmem>>
        %dma_start3A_84 = tpu.memref_squeeze %dma_start3A_83 : memref<1x128xi32, #tpu.memory_space<vmem>> -> memref<128xi32, #tpu.memory_space<vmem>>
        %dma_start3A_85 = arith.constant 0 : i32
        %dma_start3A_86 = arith.constant 0 : i32
        %dma_start3A_87 = tpu.memref_slice %arg2[%dma_start3A_85, %dma_start3A_86] : memref<10000x128xf32, #tpu.memory_space<hbm>> -> memref<10000x128xf32, #tpu.memory_space<hbm>>
        tpu.enqueue_indirect_dma source(%dma_start3A_87 : memref<10000x128xf32, #tpu.memory_space<hbm>>) target(%arg11 : memref<128x128xf32, #tpu.memory_space<vmem>>) offsets(%dma_start3A_84 : memref<128xi32, #tpu.memory_space<vmem>>) semaphore(%arg15 : memref<!tpu.dma_semaphore, #tpu.memory_space<semaphore_mem>>)
        %dma_start3A_88 = arith.constant 0 : i32
        %dma_start3A_89 = tpu.memref_slice %arg9[%add3A_81, %dma_start3A_88] : memref<80x128xi32, #tpu.memory_space<vmem>> -> memref<1x128xi32, #tpu.memory_space<vmem>>
        %dma_start3A_90 = tpu.memref_squeeze %dma_start3A_89 : memref<1x128xi32, #tpu.memory_space<vmem>> -> memref<128xi32, #tpu.memory_space<vmem>>
        %dma_start3A_91 = arith.constant 0 : i32
        %dma_start3A_92 = arith.constant 0 : i32
        %dma_start3A_93 = tpu.memref_slice %arg3[%dma_start3A_91, %dma_start3A_92] : memref<10000x128xf32, #tpu.memory_space<hbm>> -> memref<10000x128xf32, #tpu.memory_space<hbm>>
        tpu.enqueue_indirect_dma source(%dma_start3A_93 : memref<10000x128xf32, #tpu.memory_space<hbm>>) target(%arg13 : memref<128x128xf32, #tpu.memory_space<vmem>>) offsets(%dma_start3A_90 : memref<128xi32, #tpu.memory_space<vmem>>) semaphore(%arg17 : memref<!tpu.dma_semaphore, #tpu.memory_space<semaphore_mem>>)
      } else {
      }
    }
    %scan3A_34 = arith.constant 40 : i32
    return
  }
}

#map = affine_map<(d0, d1) -> (0, 0)>
module attributes {stable_mosaic.version = 14 : i64} {
  func.func @_scatter(%arg0: i32, %arg1: i32, %arg2: memref<327680x128xf32, #tpu.memory_space<hbm>>, %arg3: memref<327680x128xf32, #tpu.memory_space<hbm>>, %arg4: memref<2560x128xi32, #tpu.memory_space<hbm>>, %arg5: memref<2560x128xi32, #tpu.memory_space<hbm>>, %arg6: memref<20480x128xf32, #tpu.memory_space<hbm>>, %arg7: memref<640x128xf32, #tpu.memory_space<hbm>>, %arg8: memref<80x128xi32, #tpu.memory_space<vmem>>, %arg9: memref<80x128xi32, #tpu.memory_space<vmem>>, %arg10: memref<128x128xf32, #tpu.memory_space<vmem>>, %arg11: memref<10240x128xf32, #tpu.memory_space<vmem_shared>>, %arg12: memref<320x128xf32, #tpu.memory_space<vmem_shared>>) attributes {dimension_semantics = [#tpu.dimension_semantics<core_parallel>, #tpu.dimension_semantics<subcore_parallel>], iteration_bounds = array<i64: 2, 16>, scalar_prefetch = 0 : i64, scratch_operands = 5 : i64, tpu.core_type = #tpu.core_type<sc_vector_subcore>, window_params = [{transform_indices = #map}, {transform_indices = #map}, {transform_indices = #map}, {transform_indices = #map}, {transform_indices = #map}, {transform_indices = #map}]} {
    %mul3A = arith.constant 2 : i32
    %mul3A_0 = arith.muli %arg1, %mul3A : i32
    %add3A = arith.addi %mul3A_0, %arg0 : i32
    %mul3A_1 = arith.constant 80 : i32
    %mul3A_2 = arith.muli %add3A, %mul3A_1 : i32
    "tpu.region"() ({
      %run_scoped3A = tpu.sem_alloc : memref<!tpu.dma_semaphore, #tpu.memory_space<semaphore_mem>>
      %dma_start3A = arith.constant 0 : i32
      %dma_start3A_40 = tpu.memref_slice %arg4[%mul3A_2, %dma_start3A] : memref<2560x128xi32, #tpu.memory_space<hbm>> -> memref<80x128xi32, #tpu.memory_space<hbm>>
      %dma_start3A_41 = arith.constant 0 : i32
      %dma_start3A_42 = tpu.memref_slice %arg4[%mul3A_2, %dma_start3A_41] : memref<2560x128xi32, #tpu.memory_space<hbm>> -> memref<80x128xi32, #tpu.memory_space<hbm>>
      tpu.enqueue_dma source(%dma_start3A_42 : memref<80x128xi32, #tpu.memory_space<hbm>>) target(%arg8 : memref<80x128xi32, #tpu.memory_space<vmem>>) target_semaphore(%run_scoped3A : memref<!tpu.dma_semaphore, #tpu.memory_space<semaphore_mem>>)
      %dma_wait3A = arith.constant 0 : i32
      %dma_wait3A_43 = tpu.memref_slice %arg4[%mul3A_2, %dma_wait3A] : memref<2560x128xi32, #tpu.memory_space<hbm>> -> memref<80x128xi32, #tpu.memory_space<hbm>>
      %dma_wait3A_44 = arith.constant 0 : i32
      %dma_wait3A_45 = tpu.memref_slice %arg4[%mul3A_2, %dma_wait3A_44] : memref<2560x128xi32, #tpu.memory_space<hbm>> -> memref<80x128xi32, #tpu.memory_space<hbm>>
      tpu.wait_dma2 semaphore(%run_scoped3A : memref<!tpu.dma_semaphore, #tpu.memory_space<semaphore_mem>>) src(%dma_wait3A_45 : memref<80x128xi32, #tpu.memory_space<hbm>>) dst(%arg8 : memref<80x128xi32, #tpu.memory_space<vmem>>)
      tpu.yield
    }) : () -> ()
    "tpu.region"() ({
      %run_scoped3A = tpu.sem_alloc : memref<!tpu.dma_semaphore, #tpu.memory_space<semaphore_mem>>
      %dma_start3A = arith.constant 0 : i32
      %dma_start3A_40 = tpu.memref_slice %arg5[%mul3A_2, %dma_start3A] : memref<2560x128xi32, #tpu.memory_space<hbm>> -> memref<80x128xi32, #tpu.memory_space<hbm>>
      %dma_start3A_41 = arith.constant 0 : i32
      %dma_start3A_42 = tpu.memref_slice %arg5[%mul3A_2, %dma_start3A_41] : memref<2560x128xi32, #tpu.memory_space<hbm>> -> memref<80x128xi32, #tpu.memory_space<hbm>>
      tpu.enqueue_dma source(%dma_start3A_42 : memref<80x128xi32, #tpu.memory_space<hbm>>) target(%arg9 : memref<80x128xi32, #tpu.memory_space<vmem>>) target_semaphore(%run_scoped3A : memref<!tpu.dma_semaphore, #tpu.memory_space<semaphore_mem>>)
      %dma_wait3A = arith.constant 0 : i32
      %dma_wait3A_43 = tpu.memref_slice %arg5[%mul3A_2, %dma_wait3A] : memref<2560x128xi32, #tpu.memory_space<hbm>> -> memref<80x128xi32, #tpu.memory_space<hbm>>
      %dma_wait3A_44 = arith.constant 0 : i32
      %dma_wait3A_45 = tpu.memref_slice %arg5[%mul3A_2, %dma_wait3A_44] : memref<2560x128xi32, #tpu.memory_space<hbm>> -> memref<80x128xi32, #tpu.memory_space<hbm>>
      tpu.wait_dma2 semaphore(%run_scoped3A : memref<!tpu.dma_semaphore, #tpu.memory_space<semaphore_mem>>) src(%dma_wait3A_45 : memref<80x128xi32, #tpu.memory_space<hbm>>) dst(%arg9 : memref<80x128xi32, #tpu.memory_space<vmem>>)
      tpu.yield
    }) : () -> ()
    %scan3A = arith.constant 0 : i32
    %scan3A_3 = arith.constant 0 : i32
    %scan3A_4 = arith.constant 128 : i32
    %scan3A_5 = arith.addi %scan3A_3, %scan3A_4 : i32
    %scan3A_6 = arith.constant 1 : i32
    scf.for %scan3A_40 = %scan3A_3 to %scan3A_5 step %scan3A_6  : i32 {
      %broadcast_in_dim3A = arith.constant 0.000000e+00 : f32
      %broadcast_in_dim3A_41 = vector.broadcast %broadcast_in_dim3A : f32 to vector<16xf32>
      %swap3A = arith.index_cast %scan3A_40 : i32 to index
      %swap3A_42 = arith.constant 0 : index
      %swap3A_43 = tpu.vector_load %arg10[%swap3A, %swap3A_42] {strides = array<i32>} : memref<128x128xf32, #tpu.memory_space<vmem>>, vector<1x16xf32>,
      %swap3A_44 = vector.shape_cast %swap3A_43 : vector<1x16xf32> to vector<16xf32>
      %swap3A_45 = vector.shape_cast %broadcast_in_dim3A_41 : vector<16xf32> to vector<1x16xf32>
      tpu.vector_store %arg10[%swap3A, %swap3A_42], %swap3A_45 {strides = array<i32>} : memref<128x128xf32, #tpu.memory_space<vmem>>, vector<1x16xf32>,
      %broadcast_in_dim3A_46 = arith.constant 0.000000e+00 : f32
      %broadcast_in_dim3A_47 = vector.broadcast %broadcast_in_dim3A_46 : f32 to vector<16xf32>
      %swap3A_48 = arith.index_cast %scan3A_40 : i32 to index
      %swap3A_49 = arith.constant 16 : index
      %swap3A_50 = tpu.vector_load %arg10[%swap3A_48, %swap3A_49] {strides = array<i32>} : memref<128x128xf32, #tpu.memory_space<vmem>>, vector<1x16xf32>,
      %swap3A_51 = vector.shape_cast %swap3A_50 : vector<1x16xf32> to vector<16xf32>
      %swap3A_52 = vector.shape_cast %broadcast_in_dim3A_47 : vector<16xf32> to vector<1x16xf32>
      tpu.vector_store %arg10[%swap3A_48, %swap3A_49], %swap3A_52 {strides = array<i32>} : memref<128x128xf32, #tpu.memory_space<vmem>>, vector<1x16xf32>,
      %broadcast_in_dim3A_53 = arith.constant 0.000000e+00 : f32
      %broadcast_in_dim3A_54 = vector.broadcast %broadcast_in_dim3A_53 : f32 to vector<16xf32>
      %swap3A_55 = arith.index_cast %scan3A_40 : i32 to index
      %swap3A_56 = arith.constant 32 : index
      %swap3A_57 = tpu.vector_load %arg10[%swap3A_55, %swap3A_56] {strides = array<i32>} : memref<128x128xf32, #tpu.memory_space<vmem>>, vector<1x16xf32>,
      %swap3A_58 = vector.shape_cast %swap3A_57 : vector<1x16xf32> to vector<16xf32>
      %swap3A_59 = vector.shape_cast %broadcast_in_dim3A_54 : vector<16xf32> to vector<1x16xf32>
      tpu.vector_store %arg10[%swap3A_55, %swap3A_56], %swap3A_59 {strides = array<i32>} : memref<128x128xf32, #tpu.memory_space<vmem>>, vector<1x16xf32>,
      %broadcast_in_dim3A_60 = arith.constant 0.000000e+00 : f32
      %broadcast_in_dim3A_61 = vector.broadcast %broadcast_in_dim3A_60 : f32 to vector<16xf32>
      %swap3A_62 = arith.index_cast %scan3A_40 : i32 to index
      %swap3A_63 = arith.constant 48 : index
      %swap3A_64 = tpu.vector_load %arg10[%swap3A_62, %swap3A_63] {strides = array<i32>} : memref<128x128xf32, #tpu.memory_space<vmem>>, vector<1x16xf32>,
      %swap3A_65 = vector.shape_cast %swap3A_64 : vector<1x16xf32> to vector<16xf32>
      %swap3A_66 = vector.shape_cast %broadcast_in_dim3A_61 : vector<16xf32> to vector<1x16xf32>
      tpu.vector_store %arg10[%swap3A_62, %swap3A_63], %swap3A_66 {strides = array<i32>} : memref<128x128xf32, #tpu.memory_space<vmem>>, vector<1x16xf32>,
      %broadcast_in_dim3A_67 = arith.constant 0.000000e+00 : f32
      %broadcast_in_dim3A_68 = vector.broadcast %broadcast_in_dim3A_67 : f32 to vector<16xf32>
      %swap3A_69 = arith.index_cast %scan3A_40 : i32 to index
      %swap3A_70 = arith.constant 64 : index
      %swap3A_71 = tpu.vector_load %arg10[%swap3A_69, %swap3A_70] {strides = array<i32>} : memref<128x128xf32, #tpu.memory_space<vmem>>, vector<1x16xf32>,
      %swap3A_72 = vector.shape_cast %swap3A_71 : vector<1x16xf32> to vector<16xf32>
      %swap3A_73 = vector.shape_cast %broadcast_in_dim3A_68 : vector<16xf32> to vector<1x16xf32>
      tpu.vector_store %arg10[%swap3A_69, %swap3A_70], %swap3A_73 {strides = array<i32>} : memref<128x128xf32, #tpu.memory_space<vmem>>, vector<1x16xf32>,
      %broadcast_in_dim3A_74 = arith.constant 0.000000e+00 : f32
      %broadcast_in_dim3A_75 = vector.broadcast %broadcast_in_dim3A_74 : f32 to vector<16xf32>
      %swap3A_76 = arith.index_cast %scan3A_40 : i32 to index
      %swap3A_77 = arith.constant 80 : index
      %swap3A_78 = tpu.vector_load %arg10[%swap3A_76, %swap3A_77] {strides = array<i32>} : memref<128x128xf32, #tpu.memory_space<vmem>>, vector<1x16xf32>,
      %swap3A_79 = vector.shape_cast %swap3A_78 : vector<1x16xf32> to vector<16xf32>
      %swap3A_80 = vector.shape_cast %broadcast_in_dim3A_75 : vector<16xf32> to vector<1x16xf32>
      tpu.vector_store %arg10[%swap3A_76, %swap3A_77], %swap3A_80 {strides = array<i32>} : memref<128x128xf32, #tpu.memory_space<vmem>>, vector<1x16xf32>,
      %broadcast_in_dim3A_81 = arith.constant 0.000000e+00 : f32
      %broadcast_in_dim3A_82 = vector.broadcast %broadcast_in_dim3A_81 : f32 to vector<16xf32>
      %swap3A_83 = arith.index_cast %scan3A_40 : i32 to index
      %swap3A_84 = arith.constant 96 : index
      %swap3A_85 = tpu.vector_load %arg10[%swap3A_83, %swap3A_84] {strides = array<i32>} : memref<128x128xf32, #tpu.memory_space<vmem>>, vector<1x16xf32>,
      %swap3A_86 = vector.shape_cast %swap3A_85 : vector<1x16xf32> to vector<16xf32>
      %swap3A_87 = vector.shape_cast %broadcast_in_dim3A_82 : vector<16xf32> to vector<1x16xf32>
      tpu.vector_store %arg10[%swap3A_83, %swap3A_84], %swap3A_87 {strides = array<i32>} : memref<128x128xf32, #tpu.memory_space<vmem>>, vector<1x16xf32>,
      %broadcast_in_dim3A_88 = arith.constant 0.000000e+00 : f32
      %broadcast_in_dim3A_89 = vector.broadcast %broadcast_in_dim3A_88 : f32 to vector<16xf32>
      %swap3A_90 = arith.index_cast %scan3A_40 : i32 to index
      %swap3A_91 = arith.constant 112 : index
      %swap3A_92 = tpu.vector_load %arg10[%swap3A_90, %swap3A_91] {strides = array<i32>} : memref<128x128xf32, #tpu.memory_space<vmem>>, vector<1x16xf32>,
      %swap3A_93 = vector.shape_cast %swap3A_92 : vector<1x16xf32> to vector<16xf32>
      %swap3A_94 = vector.shape_cast %broadcast_in_dim3A_89 : vector<16xf32> to vector<1x16xf32>
      tpu.vector_store %arg10[%swap3A_90, %swap3A_91], %swap3A_94 {strides = array<i32>} : memref<128x128xf32, #tpu.memory_space<vmem>>, vector<1x16xf32>,
    }
    %scan3A_7 = arith.constant 128 : i32
    %mul3A_8 = arith.constant 640 : i32
    %mul3A_9 = arith.muli %arg1, %mul3A_8 : i32
    %add3A_10 = arith.constant 0 : i32
    %add3A_11 = arith.addi %mul3A_9, %add3A_10 : i32
    "tpu.region"() ({
      %run_scoped3A = tpu.sem_alloc : memref<!tpu.dma_semaphore, #tpu.memory_space<semaphore_mem>>
      %dma_start3A = arith.constant 0 : i32
      %dma_start3A_40 = tpu.memref_slice %arg11[%add3A_11, %dma_start3A] : memref<10240x128xf32, #tpu.memory_space<vmem_shared>> -> memref<128x128xf32, #tpu.memory_space<vmem_shared>>
      %dma_start3A_41 = arith.constant 0 : i32
      %dma_start3A_42 = tpu.memref_slice %arg11[%add3A_11, %dma_start3A_41] : memref<10240x128xf32, #tpu.memory_space<vmem_shared>> -> memref<128x128xf32, #tpu.memory_space<vmem_shared>>
      tpu.enqueue_dma source(%arg10 : memref<128x128xf32, #tpu.memory_space<vmem>>) target(%dma_start3A_42 : memref<128x128xf32, #tpu.memory_space<vmem_shared>>) target_semaphore(%run_scoped3A : memref<!tpu.dma_semaphore, #tpu.memory_space<semaphore_mem>>)
      %dma_wait3A = arith.constant 0 : i32
      %dma_wait3A_43 = tpu.memref_slice %arg11[%add3A_11, %dma_wait3A] : memref<10240x128xf32, #tpu.memory_space<vmem_shared>> -> memref<128x128xf32, #tpu.memory_space<vmem_shared>>
      %dma_wait3A_44 = arith.constant 0 : i32
      %dma_wait3A_45 = tpu.memref_slice %arg11[%add3A_11, %dma_wait3A_44] : memref<10240x128xf32, #tpu.memory_space<vmem_shared>> -> memref<128x128xf32, #tpu.memory_space<vmem_shared>>
      tpu.wait_dma2 semaphore(%run_scoped3A : memref<!tpu.dma_semaphore, #tpu.memory_space<semaphore_mem>>) src(%arg10 : memref<128x128xf32, #tpu.memory_space<vmem>>) dst(%dma_wait3A_45 : memref<128x128xf32, #tpu.memory_space<vmem_shared>>)
      tpu.yield
    }) : () -> ()
    %add3A_12 = arith.constant 128 : i32
    %add3A_13 = arith.addi %mul3A_9, %add3A_12 : i32
    "tpu.region"() ({
      %run_scoped3A = tpu.sem_alloc : memref<!tpu.dma_semaphore, #tpu.memory_space<semaphore_mem>>
      %dma_start3A = arith.constant 0 : i32
      %dma_start3A_40 = tpu.memref_slice %arg11[%add3A_13, %dma_start3A] : memref<10240x128xf32, #tpu.memory_space<vmem_shared>> -> memref<128x128xf32, #tpu.memory_space<vmem_shared>>
      %dma_start3A_41 = arith.constant 0 : i32
      %dma_start3A_42 = tpu.memref_slice %arg11[%add3A_13, %dma_start3A_41] : memref<10240x128xf32, #tpu.memory_space<vmem_shared>> -> memref<128x128xf32, #tpu.memory_space<vmem_shared>>
      tpu.enqueue_dma source(%arg10 : memref<128x128xf32, #tpu.memory_space<vmem>>) target(%dma_start3A_42 : memref<128x128xf32, #tpu.memory_space<vmem_shared>>) target_semaphore(%run_scoped3A : memref<!tpu.dma_semaphore, #tpu.memory_space<semaphore_mem>>)
      %dma_wait3A = arith.constant 0 : i32
      %dma_wait3A_43 = tpu.memref_slice %arg11[%add3A_13, %dma_wait3A] : memref<10240x128xf32, #tpu.memory_space<vmem_shared>> -> memref<128x128xf32, #tpu.memory_space<vmem_shared>>
      %dma_wait3A_44 = arith.constant 0 : i32
      %dma_wait3A_45 = tpu.memref_slice %arg11[%add3A_13, %dma_wait3A_44] : memref<10240x128xf32, #tpu.memory_space<vmem_shared>> -> memref<128x128xf32, #tpu.memory_space<vmem_shared>>
      tpu.wait_dma2 semaphore(%run_scoped3A : memref<!tpu.dma_semaphore, #tpu.memory_space<semaphore_mem>>) src(%arg10 : memref<128x128xf32, #tpu.memory_space<vmem>>) dst(%dma_wait3A_45 : memref<128x128xf32, #tpu.memory_space<vmem_shared>>)
      tpu.yield
    }) : () -> ()
    %add3A_14 = arith.constant 256 : i32
    %add3A_15 = arith.addi %mul3A_9, %add3A_14 : i32
    "tpu.region"() ({
      %run_scoped3A = tpu.sem_alloc : memref<!tpu.dma_semaphore, #tpu.memory_space<semaphore_mem>>
      %dma_start3A = arith.constant 0 : i32
      %dma_start3A_40 = tpu.memref_slice %arg11[%add3A_15, %dma_start3A] : memref<10240x128xf32, #tpu.memory_space<vmem_shared>> -> memref<128x128xf32, #tpu.memory_space<vmem_shared>>
      %dma_start3A_41 = arith.constant 0 : i32
      %dma_start3A_42 = tpu.memref_slice %arg11[%add3A_15, %dma_start3A_41] : memref<10240x128xf32, #tpu.memory_space<vmem_shared>> -> memref<128x128xf32, #tpu.memory_space<vmem_shared>>
      tpu.enqueue_dma source(%arg10 : memref<128x128xf32, #tpu.memory_space<vmem>>) target(%dma_start3A_42 : memref<128x128xf32, #tpu.memory_space<vmem_shared>>) target_semaphore(%run_scoped3A : memref<!tpu.dma_semaphore, #tpu.memory_space<semaphore_mem>>)
      %dma_wait3A = arith.constant 0 : i32
      %dma_wait3A_43 = tpu.memref_slice %arg11[%add3A_15, %dma_wait3A] : memref<10240x128xf32, #tpu.memory_space<vmem_shared>> -> memref<128x128xf32, #tpu.memory_space<vmem_shared>>
      %dma_wait3A_44 = arith.constant 0 : i32
      %dma_wait3A_45 = tpu.memref_slice %arg11[%add3A_15, %dma_wait3A_44] : memref<10240x128xf32, #tpu.memory_space<vmem_shared>> -> memref<128x128xf32, #tpu.memory_space<vmem_shared>>
      tpu.wait_dma2 semaphore(%run_scoped3A : memref<!tpu.dma_semaphore, #tpu.memory_space<semaphore_mem>>) src(%arg10 : memref<128x128xf32, #tpu.memory_space<vmem>>) dst(%dma_wait3A_45 : memref<128x128xf32, #tpu.memory_space<vmem_shared>>)
      tpu.yield
    }) : () -> ()
    %add3A_16 = arith.constant 384 : i32
    %add3A_17 = arith.addi %mul3A_9, %add3A_16 : i32
    "tpu.region"() ({
      %run_scoped3A = tpu.sem_alloc : memref<!tpu.dma_semaphore, #tpu.memory_space<semaphore_mem>>
      %dma_start3A = arith.constant 0 : i32
      %dma_start3A_40 = tpu.memref_slice %arg11[%add3A_17, %dma_start3A] : memref<10240x128xf32, #tpu.memory_space<vmem_shared>> -> memref<128x128xf32, #tpu.memory_space<vmem_shared>>
      %dma_start3A_41 = arith.constant 0 : i32
      %dma_start3A_42 = tpu.memref_slice %arg11[%add3A_17, %dma_start3A_41] : memref<10240x128xf32, #tpu.memory_space<vmem_shared>> -> memref<128x128xf32, #tpu.memory_space<vmem_shared>>
      tpu.enqueue_dma source(%arg10 : memref<128x128xf32, #tpu.memory_space<vmem>>) target(%dma_start3A_42 : memref<128x128xf32, #tpu.memory_space<vmem_shared>>) target_semaphore(%run_scoped3A : memref<!tpu.dma_semaphore, #tpu.memory_space<semaphore_mem>>)
      %dma_wait3A = arith.constant 0 : i32
      %dma_wait3A_43 = tpu.memref_slice %arg11[%add3A_17, %dma_wait3A] : memref<10240x128xf32, #tpu.memory_space<vmem_shared>> -> memref<128x128xf32, #tpu.memory_space<vmem_shared>>
      %dma_wait3A_44 = arith.constant 0 : i32
      %dma_wait3A_45 = tpu.memref_slice %arg11[%add3A_17, %dma_wait3A_44] : memref<10240x128xf32, #tpu.memory_space<vmem_shared>> -> memref<128x128xf32, #tpu.memory_space<vmem_shared>>
      tpu.wait_dma2 semaphore(%run_scoped3A : memref<!tpu.dma_semaphore, #tpu.memory_space<semaphore_mem>>) src(%arg10 : memref<128x128xf32, #tpu.memory_space<vmem>>) dst(%dma_wait3A_45 : memref<128x128xf32, #tpu.memory_space<vmem_shared>>)
      tpu.yield
    }) : () -> ()
    %add3A_18 = arith.constant 512 : i32
    %add3A_19 = arith.addi %mul3A_9, %add3A_18 : i32
    "tpu.region"() ({
      %run_scoped3A = tpu.sem_alloc : memref<!tpu.dma_semaphore, #tpu.memory_space<semaphore_mem>>
      %dma_start3A = arith.constant 0 : i32
      %dma_start3A_40 = tpu.memref_slice %arg11[%add3A_19, %dma_start3A] : memref<10240x128xf32, #tpu.memory_space<vmem_shared>> -> memref<128x128xf32, #tpu.memory_space<vmem_shared>>
      %dma_start3A_41 = arith.constant 0 : i32
      %dma_start3A_42 = tpu.memref_slice %arg11[%add3A_19, %dma_start3A_41] : memref<10240x128xf32, #tpu.memory_space<vmem_shared>> -> memref<128x128xf32, #tpu.memory_space<vmem_shared>>
      tpu.enqueue_dma source(%arg10 : memref<128x128xf32, #tpu.memory_space<vmem>>) target(%dma_start3A_42 : memref<128x128xf32, #tpu.memory_space<vmem_shared>>) target_semaphore(%run_scoped3A : memref<!tpu.dma_semaphore, #tpu.memory_space<semaphore_mem>>)
      %dma_wait3A = arith.constant 0 : i32
      %dma_wait3A_43 = tpu.memref_slice %arg11[%add3A_19, %dma_wait3A] : memref<10240x128xf32, #tpu.memory_space<vmem_shared>> -> memref<128x128xf32, #tpu.memory_space<vmem_shared>>
      %dma_wait3A_44 = arith.constant 0 : i32
      %dma_wait3A_45 = tpu.memref_slice %arg11[%add3A_19, %dma_wait3A_44] : memref<10240x128xf32, #tpu.memory_space<vmem_shared>> -> memref<128x128xf32, #tpu.memory_space<vmem_shared>>
      tpu.wait_dma2 semaphore(%run_scoped3A : memref<!tpu.dma_semaphore, #tpu.memory_space<semaphore_mem>>) src(%arg10 : memref<128x128xf32, #tpu.memory_space<vmem>>) dst(%dma_wait3A_45 : memref<128x128xf32, #tpu.memory_space<vmem_shared>>)
      tpu.yield
    }) : () -> ()
    %lt3A = arith.constant 10 : i32
    %lt3A_20 = arith.cmpi slt, %arg1, %lt3A : i32
    %convert_element_type3A = arith.extui %lt3A_20 : i1 to i32
    %cond3A = arith.constant 0 : i32
    %cond3A_21 = arith.cmpi ne, %convert_element_type3A, %cond3A : i32
    scf.if %cond3A_21 {
      %mul3A_40 = arith.constant 32 : i32
      %mul3A_41 = arith.muli %arg1, %mul3A_40 : i32
      "tpu.region"() ({
        %run_scoped3A = tpu.sem_alloc : memref<!tpu.dma_semaphore, #tpu.memory_space<semaphore_mem>>
        %dma_start3A = arith.constant 0 : i32
        %dma_start3A_42 = arith.constant 0 : i32
        %dma_start3A_43 = tpu.memref_slice %arg10[%dma_start3A, %dma_start3A_42] : memref<128x128xf32, #tpu.memory_space<vmem>> -> memref<32x128xf32, #tpu.memory_space<vmem>>
        %dma_start3A_44 = arith.constant 0 : i32
        %dma_start3A_45 = tpu.memref_slice %arg12[%mul3A_41, %dma_start3A_44] : memref<320x128xf32, #tpu.memory_space<vmem_shared>> -> memref<32x128xf32, #tpu.memory_space<vmem_shared>>
        %dma_start3A_46 = arith.constant 0 : i32
        %dma_start3A_47 = tpu.memref_slice %arg12[%mul3A_41, %dma_start3A_46] : memref<320x128xf32, #tpu.memory_space<vmem_shared>> -> memref<32x128xf32, #tpu.memory_space<vmem_shared>>
        %dma_start3A_48 = arith.constant 0 : i32
        %dma_start3A_49 = arith.constant 0 : i32
        %dma_start3A_50 = tpu.memref_slice %arg10[%dma_start3A_48, %dma_start3A_49] : memref<128x128xf32, #tpu.memory_space<vmem>> -> memref<32x128xf32, #tpu.memory_space<vmem>>
        tpu.enqueue_dma source(%dma_start3A_50 : memref<32x128xf32, #tpu.memory_space<vmem>>) target(%dma_start3A_47 : memref<32x128xf32, #tpu.memory_space<vmem_shared>>) target_semaphore(%run_scoped3A : memref<!tpu.dma_semaphore, #tpu.memory_space<semaphore_mem>>)
        %dma_wait3A = arith.constant 0 : i32
        %dma_wait3A_51 = arith.constant 0 : i32
        %dma_wait3A_52 = tpu.memref_slice %arg10[%dma_wait3A, %dma_wait3A_51] : memref<128x128xf32, #tpu.memory_space<vmem>> -> memref<32x128xf32, #tpu.memory_space<vmem>>
        %dma_wait3A_53 = arith.constant 0 : i32
        %dma_wait3A_54 = tpu.memref_slice %arg12[%mul3A_41, %dma_wait3A_53] : memref<320x128xf32, #tpu.memory_space<vmem_shared>> -> memref<32x128xf32, #tpu.memory_space<vmem_shared>>
        %dma_wait3A_55 = arith.constant 0 : i32
        %dma_wait3A_56 = tpu.memref_slice %arg12[%mul3A_41, %dma_wait3A_55] : memref<320x128xf32, #tpu.memory_space<vmem_shared>> -> memref<32x128xf32, #tpu.memory_space<vmem_shared>>
        %dma_wait3A_57 = arith.constant 0 : i32
        %dma_wait3A_58 = arith.constant 0 : i32
        %dma_wait3A_59 = tpu.memref_slice %arg10[%dma_wait3A_57, %dma_wait3A_58] : memref<128x128xf32, #tpu.memory_space<vmem>> -> memref<32x128xf32, #tpu.memory_space<vmem>>
        tpu.wait_dma2 semaphore(%run_scoped3A : memref<!tpu.dma_semaphore, #tpu.memory_space<semaphore_mem>>) src(%dma_wait3A_59 : memref<32x128xf32, #tpu.memory_space<vmem>>) dst(%dma_wait3A_56 : memref<32x128xf32, #tpu.memory_space<vmem_shared>>)
        tpu.yield
      }) : () -> ()
    } else {
    }
    %barrier3A = arith.constant 0 : index
    tpu.barrier barrier_id(%barrier3A)
    %scan3A_22 = arith.constant 0 : i32
    %scan3A_23 = arith.constant 0 : i32
    %scan3A_24 = arith.constant 80 : i32
    %scan3A_25 = arith.addi %scan3A_23, %scan3A_24 : i32
    %scan3A_26 = arith.constant 1 : i32
    scf.for %scan3A_40 = %scan3A_23 to %scan3A_25 step %scan3A_26  : i32 {
      %add3A_41 = arith.addi %mul3A_2, %scan3A_40 : i32
      %mul3A_42 = arith.constant 128 : i32
      %mul3A_43 = arith.muli %add3A_41, %mul3A_42 : i32
      "tpu.region"() ({
        %run_scoped3A = tpu.sem_alloc : memref<!tpu.dma_semaphore, #tpu.memory_space<semaphore_mem>>
        %dma_start3A = arith.constant 0 : i32
        %dma_start3A_47 = tpu.memref_slice %arg2[%mul3A_43, %dma_start3A] : memref<327680x128xf32, #tpu.memory_space<hbm>> -> memref<128x128xf32, #tpu.memory_space<hbm>>
        %dma_start3A_48 = arith.constant 0 : i32
        %dma_start3A_49 = tpu.memref_slice %arg2[%mul3A_43, %dma_start3A_48] : memref<327680x128xf32, #tpu.memory_space<hbm>> -> memref<128x128xf32, #tpu.memory_space<hbm>>
        tpu.enqueue_dma source(%dma_start3A_49 : memref<128x128xf32, #tpu.memory_space<hbm>>) target(%arg10 : memref<128x128xf32, #tpu.memory_space<vmem>>) target_semaphore(%run_scoped3A : memref<!tpu.dma_semaphore, #tpu.memory_space<semaphore_mem>>)
        %dma_wait3A = arith.constant 0 : i32
        %dma_wait3A_50 = tpu.memref_slice %arg2[%mul3A_43, %dma_wait3A] : memref<327680x128xf32, #tpu.memory_space<hbm>> -> memref<128x128xf32, #tpu.memory_space<hbm>>
        %dma_wait3A_51 = arith.constant 0 : i32
        %dma_wait3A_52 = tpu.memref_slice %arg2[%mul3A_43, %dma_wait3A_51] : memref<327680x128xf32, #tpu.memory_space<hbm>> -> memref<128x128xf32, #tpu.memory_space<hbm>>
        tpu.wait_dma2 semaphore(%run_scoped3A : memref<!tpu.dma_semaphore, #tpu.memory_space<semaphore_mem>>) src(%dma_wait3A_52 : memref<128x128xf32, #tpu.memory_space<hbm>>) dst(%arg10 : memref<128x128xf32, #tpu.memory_space<vmem>>)
        tpu.yield
      }) : () -> ()
      "tpu.region"() ({
        %run_scoped3A = tpu.sem_alloc : memref<!tpu.dma_semaphore, #tpu.memory_space<semaphore_mem>>
        %dma_start3A = arith.constant 0 : i32
        %dma_start3A_47 = tpu.memref_slice %arg8[%scan3A_40, %dma_start3A] : memref<80x128xi32, #tpu.memory_space<vmem>> -> memref<1x128xi32, #tpu.memory_space<vmem>>
        %dma_start3A_48 = tpu.memref_squeeze %dma_start3A_47 : memref<1x128xi32, #tpu.memory_space<vmem>> -> memref<128xi32, #tpu.memory_space<vmem>>
        %dma_start3A_49 = arith.constant 0 : i32
        %dma_start3A_50 = arith.constant 0 : i32
        %dma_start3A_51 = tpu.memref_slice %arg11[%dma_start3A_49, %dma_start3A_50] : memref<10240x128xf32, #tpu.memory_space<vmem_shared>> -> memref<10240x128xf32, #tpu.memory_space<vmem_shared>>
        tpu.enqueue_indirect_dma source(%arg10 : memref<128x128xf32, #tpu.memory_space<vmem>>) target(%dma_start3A_51 : memref<10240x128xf32, #tpu.memory_space<vmem_shared>>) offsets(%dma_start3A_48 : memref<128xi32, #tpu.memory_space<vmem>>) semaphore(%run_scoped3A : memref<!tpu.dma_semaphore, #tpu.memory_space<semaphore_mem>>) {add = true}
        %dma_wait3A = arith.constant 0 : i32
        %dma_wait3A_52 = tpu.memref_slice %arg8[%scan3A_40, %dma_wait3A] : memref<80x128xi32, #tpu.memory_space<vmem>> -> memref<1x128xi32, #tpu.memory_space<vmem>>
        %dma_wait3A_53 = tpu.memref_squeeze %dma_wait3A_52 : memref<1x128xi32, #tpu.memory_space<vmem>> -> memref<128xi32, #tpu.memory_space<vmem>>
        %dma_wait3A_54 = arith.constant 0 : i32
        %dma_wait3A_55 = arith.constant 0 : i32
        %dma_wait3A_56 = tpu.memref_slice %arg11[%dma_wait3A_54, %dma_wait3A_55] : memref<10240x128xf32, #tpu.memory_space<vmem_shared>> -> memref<10240x128xf32, #tpu.memory_space<vmem_shared>>
        tpu.wait_indirect_dma semaphore(%run_scoped3A : memref<!tpu.dma_semaphore, #tpu.memory_space<semaphore_mem>>) src(%arg10 : memref<128x128xf32, #tpu.memory_space<vmem>>) dst(%dma_wait3A_56 : memref<10240x128xf32, #tpu.memory_space<vmem_shared>>)
        tpu.yield
      }) : () -> ()
      %add3A_44 = arith.addi %mul3A_2, %scan3A_40 : i32
      %mul3A_45 = arith.constant 128 : i32
      %mul3A_46 = arith.muli %add3A_44, %mul3A_45 : i32
      "tpu.region"() ({
        %run_scoped3A = tpu.sem_alloc : memref<!tpu.dma_semaphore, #tpu.memory_space<semaphore_mem>>
        %dma_start3A = arith.constant 0 : i32
        %dma_start3A_47 = tpu.memref_slice %arg3[%mul3A_46, %dma_start3A] : memref<327680x128xf32, #tpu.memory_space<hbm>> -> memref<128x128xf32, #tpu.memory_space<hbm>>
        %dma_start3A_48 = arith.constant 0 : i32
        %dma_start3A_49 = tpu.memref_slice %arg3[%mul3A_46, %dma_start3A_48] : memref<327680x128xf32, #tpu.memory_space<hbm>> -> memref<128x128xf32, #tpu.memory_space<hbm>>
        tpu.enqueue_dma source(%dma_start3A_49 : memref<128x128xf32, #tpu.memory_space<hbm>>) target(%arg10 : memref<128x128xf32, #tpu.memory_space<vmem>>) target_semaphore(%run_scoped3A : memref<!tpu.dma_semaphore, #tpu.memory_space<semaphore_mem>>)
        %dma_wait3A = arith.constant 0 : i32
        %dma_wait3A_50 = tpu.memref_slice %arg3[%mul3A_46, %dma_wait3A] : memref<327680x128xf32, #tpu.memory_space<hbm>> -> memref<128x128xf32, #tpu.memory_space<hbm>>
        %dma_wait3A_51 = arith.constant 0 : i32
        %dma_wait3A_52 = tpu.memref_slice %arg3[%mul3A_46, %dma_wait3A_51] : memref<327680x128xf32, #tpu.memory_space<hbm>> -> memref<128x128xf32, #tpu.memory_space<hbm>>
        tpu.wait_dma2 semaphore(%run_scoped3A : memref<!tpu.dma_semaphore, #tpu.memory_space<semaphore_mem>>) src(%dma_wait3A_52 : memref<128x128xf32, #tpu.memory_space<hbm>>) dst(%arg10 : memref<128x128xf32, #tpu.memory_space<vmem>>)
        tpu.yield
      }) : () -> ()
      "tpu.region"() ({
        %run_scoped3A = tpu.sem_alloc : memref<!tpu.dma_semaphore, #tpu.memory_space<semaphore_mem>>
        %dma_start3A = arith.constant 0 : i32
        %dma_start3A_47 = tpu.memref_slice %arg9[%scan3A_40, %dma_start3A] : memref<80x128xi32, #tpu.memory_space<vmem>> -> memref<1x128xi32, #tpu.memory_space<vmem>>
        %dma_start3A_48 = tpu.memref_squeeze %dma_start3A_47 : memref<1x128xi32, #tpu.memory_space<vmem>> -> memref<128xi32, #tpu.memory_space<vmem>>
        %dma_start3A_49 = arith.constant 0 : i32
        %dma_start3A_50 = arith.constant 0 : i32
        %dma_start3A_51 = tpu.memref_slice %arg12[%dma_start3A_49, %dma_start3A_50] : memref<320x128xf32, #tpu.memory_space<vmem_shared>> -> memref<320x128xf32, #tpu.memory_space<vmem_shared>>
        tpu.enqueue_indirect_dma source(%arg10 : memref<128x128xf32, #tpu.memory_space<vmem>>) target(%dma_start3A_51 : memref<320x128xf32, #tpu.memory_space<vmem_shared>>) offsets(%dma_start3A_48 : memref<128xi32, #tpu.memory_space<vmem>>) semaphore(%run_scoped3A : memref<!tpu.dma_semaphore, #tpu.memory_space<semaphore_mem>>) {add = true}
        %dma_wait3A = arith.constant 0 : i32
        %dma_wait3A_52 = tpu.memref_slice %arg9[%scan3A_40, %dma_wait3A] : memref<80x128xi32, #tpu.memory_space<vmem>> -> memref<1x128xi32, #tpu.memory_space<vmem>>
        %dma_wait3A_53 = tpu.memref_squeeze %dma_wait3A_52 : memref<1x128xi32, #tpu.memory_space<vmem>> -> memref<128xi32, #tpu.memory_space<vmem>>
        %dma_wait3A_54 = arith.constant 0 : i32
        %dma_wait3A_55 = arith.constant 0 : i32
        %dma_wait3A_56 = tpu.memref_slice %arg12[%dma_wait3A_54, %dma_wait3A_55] : memref<320x128xf32, #tpu.memory_space<vmem_shared>> -> memref<320x128xf32, #tpu.memory_space<vmem_shared>>
        tpu.wait_indirect_dma semaphore(%run_scoped3A : memref<!tpu.dma_semaphore, #tpu.memory_space<semaphore_mem>>) src(%arg10 : memref<128x128xf32, #tpu.memory_space<vmem>>) dst(%dma_wait3A_56 : memref<320x128xf32, #tpu.memory_space<vmem_shared>>)
        tpu.yield
      }) : () -> ()
    }
    %scan3A_27 = arith.constant 80 : i32
    %barrier3A_28 = arith.constant 0 : index
    tpu.barrier barrier_id(%barrier3A_28)
    %scan3A_29 = arith.constant 0 : i32
    %scan3A_30 = arith.constant 0 : i32
    %scan3A_31 = arith.constant 5 : i32
    %scan3A_32 = arith.addi %scan3A_30, %scan3A_31 : i32
    %scan3A_33 = arith.constant 1 : i32
    scf.for %scan3A_40 = %scan3A_30 to %scan3A_32 step %scan3A_33  : i32 {
      %mul3A_41 = arith.constant 128 : i32
      %mul3A_42 = arith.muli %scan3A_40, %mul3A_41 : i32
      %add3A_43 = arith.addi %mul3A_9, %mul3A_42 : i32
      "tpu.region"() ({
        %run_scoped3A = tpu.sem_alloc : memref<!tpu.dma_semaphore, #tpu.memory_space<semaphore_mem>>
        %dma_start3A = arith.constant 0 : i32
        %dma_start3A_50 = tpu.memref_slice %arg11[%add3A_43, %dma_start3A] : memref<10240x128xf32, #tpu.memory_space<vmem_shared>> -> memref<128x128xf32, #tpu.memory_space<vmem_shared>>
        %dma_start3A_51 = arith.constant 0 : i32
        %dma_start3A_52 = tpu.memref_slice %arg11[%add3A_43, %dma_start3A_51] : memref<10240x128xf32, #tpu.memory_space<vmem_shared>> -> memref<128x128xf32, #tpu.memory_space<vmem_shared>>
        tpu.enqueue_dma source(%dma_start3A_52 : memref<128x128xf32, #tpu.memory_space<vmem_shared>>) target(%arg10 : memref<128x128xf32, #tpu.memory_space<vmem>>) target_semaphore(%run_scoped3A : memref<!tpu.dma_semaphore, #tpu.memory_space<semaphore_mem>>)
        %dma_wait3A = arith.constant 0 : i32
        %dma_wait3A_53 = tpu.memref_slice %arg11[%add3A_43, %dma_wait3A] : memref<10240x128xf32, #tpu.memory_space<vmem_shared>> -> memref<128x128xf32, #tpu.memory_space<vmem_shared>>
        %dma_wait3A_54 = arith.constant 0 : i32
        %dma_wait3A_55 = tpu.memref_slice %arg11[%add3A_43, %dma_wait3A_54] : memref<10240x128xf32, #tpu.memory_space<vmem_shared>> -> memref<128x128xf32, #tpu.memory_space<vmem_shared>>
        tpu.wait_dma2 semaphore(%run_scoped3A : memref<!tpu.dma_semaphore, #tpu.memory_space<semaphore_mem>>) src(%dma_wait3A_55 : memref<128x128xf32, #tpu.memory_space<vmem_shared>>) dst(%arg10 : memref<128x128xf32, #tpu.memory_space<vmem>>)
        tpu.yield
      }) : () -> ()
      %mul3A_44 = arith.constant 10240 : i32
      %mul3A_45 = arith.muli %arg0, %mul3A_44 : i32
      %add3A_46 = arith.addi %mul3A_45, %mul3A_9 : i32
      %mul3A_47 = arith.constant 128 : i32
      %mul3A_48 = arith.muli %scan3A_40, %mul3A_47 : i32
      %add3A_49 = arith.addi %add3A_46, %mul3A_48 : i32
      "tpu.region"() ({
        %run_scoped3A = tpu.sem_alloc : memref<!tpu.dma_semaphore, #tpu.memory_space<semaphore_mem>>
        %dma_start3A = arith.constant 0 : i32
        %dma_start3A_50 = tpu.memref_slice %arg6[%add3A_49, %dma_start3A] : memref<20480x128xf32, #tpu.memory_space<hbm>> -> memref<128x128xf32, #tpu.memory_space<hbm>>
        %dma_start3A_51 = arith.constant 0 : i32
        %dma_start3A_52 = tpu.memref_slice %arg6[%add3A_49, %dma_start3A_51] : memref<20480x128xf32, #tpu.memory_space<hbm>> -> memref<128x128xf32, #tpu.memory_space<hbm>>
        tpu.enqueue_dma source(%arg10 : memref<128x128xf32, #tpu.memory_space<vmem>>) target(%dma_start3A_52 : memref<128x128xf32, #tpu.memory_space<hbm>>) target_semaphore(%run_scoped3A : memref<!tpu.dma_semaphore, #tpu.memory_space<semaphore_mem>>)
        %dma_wait3A = arith.constant 0 : i32
        %dma_wait3A_53 = tpu.memref_slice %arg6[%add3A_49, %dma_wait3A] : memref<20480x128xf32, #tpu.memory_space<hbm>> -> memref<128x128xf32, #tpu.memory_space<hbm>>
        %dma_wait3A_54 = arith.constant 0 : i32
        %dma_wait3A_55 = tpu.memref_slice %arg6[%add3A_49, %dma_wait3A_54] : memref<20480x128xf32, #tpu.memory_space<hbm>> -> memref<128x128xf32, #tpu.memory_space<hbm>>
        tpu.wait_dma2 semaphore(%run_scoped3A : memref<!tpu.dma_semaphore, #tpu.memory_space<semaphore_mem>>) src(%arg10 : memref<128x128xf32, #tpu.memory_space<vmem>>) dst(%dma_wait3A_55 : memref<128x128xf32, #tpu.memory_space<hbm>>)
        tpu.yield
      }) : () -> ()
    }
    %scan3A_34 = arith.constant 5 : i32
    %lt3A_35 = arith.constant 10 : i32
    %lt3A_36 = arith.cmpi slt, %arg1, %lt3A_35 : i32
    %convert_element_type3A_37 = arith.extui %lt3A_36 : i1 to i32
    %cond3A_38 = arith.constant 0 : i32
    %cond3A_39 = arith.cmpi ne, %convert_element_type3A_37, %cond3A_38 : i32
    scf.if %cond3A_39 {
      %mul3A_40 = arith.constant 32 : i32
      %mul3A_41 = arith.muli %arg1, %mul3A_40 : i32
      "tpu.region"() ({
        %run_scoped3A = tpu.sem_alloc : memref<!tpu.dma_semaphore, #tpu.memory_space<semaphore_mem>>
        %dma_start3A = arith.constant 0 : i32
        %dma_start3A_47 = arith.constant 0 : i32
        %dma_start3A_48 = tpu.memref_slice %arg10[%dma_start3A, %dma_start3A_47] : memref<128x128xf32, #tpu.memory_space<vmem>> -> memref<32x128xf32, #tpu.memory_space<vmem>>
        %dma_start3A_49 = arith.constant 0 : i32
        %dma_start3A_50 = tpu.memref_slice %arg12[%mul3A_41, %dma_start3A_49] : memref<320x128xf32, #tpu.memory_space<vmem_shared>> -> memref<32x128xf32, #tpu.memory_space<vmem_shared>>
        %dma_start3A_51 = arith.constant 0 : i32
        %dma_start3A_52 = arith.constant 0 : i32
        %dma_start3A_53 = tpu.memref_slice %arg10[%dma_start3A_51, %dma_start3A_52] : memref<128x128xf32, #tpu.memory_space<vmem>> -> memref<32x128xf32, #tpu.memory_space<vmem>>
        %dma_start3A_54 = arith.constant 0 : i32
        %dma_start3A_55 = tpu.memref_slice %arg12[%mul3A_41, %dma_start3A_54] : memref<320x128xf32, #tpu.memory_space<vmem_shared>> -> memref<32x128xf32, #tpu.memory_space<vmem_shared>>
        tpu.enqueue_dma source(%dma_start3A_55 : memref<32x128xf32, #tpu.memory_space<vmem_shared>>) target(%dma_start3A_53 : memref<32x128xf32, #tpu.memory_space<vmem>>) target_semaphore(%run_scoped3A : memref<!tpu.dma_semaphore, #tpu.memory_space<semaphore_mem>>)
        %dma_wait3A = arith.constant 0 : i32
        %dma_wait3A_56 = arith.constant 0 : i32
        %dma_wait3A_57 = tpu.memref_slice %arg10[%dma_wait3A, %dma_wait3A_56] : memref<128x128xf32, #tpu.memory_space<vmem>> -> memref<32x128xf32, #tpu.memory_space<vmem>>
        %dma_wait3A_58 = arith.constant 0 : i32
        %dma_wait3A_59 = tpu.memref_slice %arg12[%mul3A_41, %dma_wait3A_58] : memref<320x128xf32, #tpu.memory_space<vmem_shared>> -> memref<32x128xf32, #tpu.memory_space<vmem_shared>>
        %dma_wait3A_60 = arith.constant 0 : i32
        %dma_wait3A_61 = arith.constant 0 : i32
        %dma_wait3A_62 = tpu.memref_slice %arg10[%dma_wait3A_60, %dma_wait3A_61] : memref<128x128xf32, #tpu.memory_space<vmem>> -> memref<32x128xf32, #tpu.memory_space<vmem>>
        %dma_wait3A_63 = arith.constant 0 : i32
        %dma_wait3A_64 = tpu.memref_slice %arg12[%mul3A_41, %dma_wait3A_63] : memref<320x128xf32, #tpu.memory_space<vmem_shared>> -> memref<32x128xf32, #tpu.memory_space<vmem_shared>>
        tpu.wait_dma2 semaphore(%run_scoped3A : memref<!tpu.dma_semaphore, #tpu.memory_space<semaphore_mem>>) src(%dma_wait3A_64 : memref<32x128xf32, #tpu.memory_space<vmem_shared>>) dst(%dma_wait3A_62 : memref<32x128xf32, #tpu.memory_space<vmem>>)
        tpu.yield
      }) : () -> ()
      %mul3A_42 = arith.constant 320 : i32
      %mul3A_43 = arith.muli %arg0, %mul3A_42 : i32
      %mul3A_44 = arith.constant 32 : i32
      %mul3A_45 = arith.muli %arg1, %mul3A_44 : i32
      %add3A_46 = arith.addi %mul3A_43, %mul3A_45 : i32
      "tpu.region"() ({
        %run_scoped3A = tpu.sem_alloc : memref<!tpu.dma_semaphore, #tpu.memory_space<semaphore_mem>>
        %dma_start3A = arith.constant 0 : i32
        %dma_start3A_47 = arith.constant 0 : i32
        %dma_start3A_48 = tpu.memref_slice %arg10[%dma_start3A, %dma_start3A_47] : memref<128x128xf32, #tpu.memory_space<vmem>> -> memref<32x128xf32, #tpu.memory_space<vmem>>
        %dma_start3A_49 = arith.constant 0 : i32
        %dma_start3A_50 = tpu.memref_slice %arg7[%add3A_46, %dma_start3A_49] : memref<640x128xf32, #tpu.memory_space<hbm>> -> memref<32x128xf32, #tpu.memory_space<hbm>>
        %dma_start3A_51 = arith.constant 0 : i32
        %dma_start3A_52 = tpu.memref_slice %arg7[%add3A_46, %dma_start3A_51] : memref<640x128xf32, #tpu.memory_space<hbm>> -> memref<32x128xf32, #tpu.memory_space<hbm>>
        %dma_start3A_53 = arith.constant 0 : i32
        %dma_start3A_54 = arith.constant 0 : i32
        %dma_start3A_55 = tpu.memref_slice %arg10[%dma_start3A_53, %dma_start3A_54] : memref<128x128xf32, #tpu.memory_space<vmem>> -> memref<32x128xf32, #tpu.memory_space<vmem>>
        tpu.enqueue_dma source(%dma_start3A_55 : memref<32x128xf32, #tpu.memory_space<vmem>>) target(%dma_start3A_52 : memref<32x128xf32, #tpu.memory_space<hbm>>) target_semaphore(%run_scoped3A : memref<!tpu.dma_semaphore, #tpu.memory_space<semaphore_mem>>)
        %dma_wait3A = arith.constant 0 : i32
        %dma_wait3A_56 = arith.constant 0 : i32
        %dma_wait3A_57 = tpu.memref_slice %arg10[%dma_wait3A, %dma_wait3A_56] : memref<128x128xf32, #tpu.memory_space<vmem>> -> memref<32x128xf32, #tpu.memory_space<vmem>>
        %dma_wait3A_58 = arith.constant 0 : i32
        %dma_wait3A_59 = tpu.memref_slice %arg7[%add3A_46, %dma_wait3A_58] : memref<640x128xf32, #tpu.memory_space<hbm>> -> memref<32x128xf32, #tpu.memory_space<hbm>>
        %dma_wait3A_60 = arith.constant 0 : i32
        %dma_wait3A_61 = tpu.memref_slice %arg7[%add3A_46, %dma_wait3A_60] : memref<640x128xf32, #tpu.memory_space<hbm>> -> memref<32x128xf32, #tpu.memory_space<hbm>>
        %dma_wait3A_62 = arith.constant 0 : i32
        %dma_wait3A_63 = arith.constant 0 : i32
        %dma_wait3A_64 = tpu.memref_slice %arg10[%dma_wait3A_62, %dma_wait3A_63] : memref<128x128xf32, #tpu.memory_space<vmem>> -> memref<32x128xf32, #tpu.memory_space<vmem>>
        tpu.wait_dma2 semaphore(%run_scoped3A : memref<!tpu.dma_semaphore, #tpu.memory_space<semaphore_mem>>) src(%dma_wait3A_64 : memref<32x128xf32, #tpu.memory_space<vmem>>) dst(%dma_wait3A_61 : memref<32x128xf32, #tpu.memory_space<hbm>>)
        tpu.yield
      }) : () -> ()
    } else {
    }
    return
  }
}

module attributes {stable_mosaic.version = 14 : i64} {
  func.func @_dense1_body(%arg0: memref<10000x128xf32, #tpu.memory_space<vmem>>, %arg1: memref<128x32xf32, #tpu.memory_space<vmem>>, %arg2: memref<1x32xf32, #tpu.memory_space<vmem>>, %arg3: memref<1x32xf32, #tpu.memory_space<vmem>>, %arg4: memref<32x128xf32, #tpu.memory_space<vmem>>, %arg5: memref<1x128xf32, #tpu.memory_space<vmem>>, %arg6: memref<32x128xf32, #tpu.memory_space<vmem>>, %arg7: memref<1x128xf32, #tpu.memory_space<vmem>>, %arg8: memref<10000x128xf32, #tpu.memory_space<vmem>>, %arg9: memref<10000x128xf32, #tpu.memory_space<vmem>>) attributes {dimension_semantics = [], scalar_prefetch = 0 : i64, scratch_operands = 0 : i64, tpu.core_type = #tpu.core_type<tc>} {
    %get3A = arith.constant 0 : index
    %get3A_0 = arith.constant 0 : index
    %get3A_1 = vector.load %arg0[%get3A, %get3A_0] : memref<10000x128xf32, #tpu.memory_space<vmem>>, vector<10000x128xf32>
    %get3A_2 = arith.constant 0 : index
    %get3A_3 = arith.constant 0 : index
    %get3A_4 = vector.load %arg1[%get3A_2, %get3A_3] : memref<128x32xf32, #tpu.memory_space<vmem>>, vector<128x32xf32>
    %dot_general3A = arith.constant dense<0.000000e+00> : vector<10000x32xf32>
    %dot_general3A_5 = tpu.matmul %get3A_1, %get3A_4, %dot_general3A {dimension_numbers = #tpu.dot_dimension_numbers<[1], [0], [0], [1], [0, 0, 1, 1], [], []>, transpose_lhs_hint = false} : vector<10000x128xf32>, vector<128x32xf32>, vector<10000x32xf32> -> vector<10000x32xf32>
    %get3A_6 = arith.constant 0 : index
    %get3A_7 = arith.constant 0 : index
    %get3A_8 = vector.load %arg2[%get3A_6, %get3A_7] : memref<1x32xf32, #tpu.memory_space<vmem>>, vector<1x32xf32>
    %mul3A = vector.broadcast %get3A_8 : vector<1x32xf32> to vector<10000x32xf32>
    %mul3A_9 = arith.mulf %dot_general3A_5, %mul3A : vector<10000x32xf32>
    %get3A_10 = arith.constant 0 : index
    %get3A_11 = arith.constant 0 : index
    %get3A_12 = vector.load %arg3[%get3A_10, %get3A_11] : memref<1x32xf32, #tpu.memory_space<vmem>>, vector<1x32xf32>
    %add3A = vector.broadcast %get3A_12 : vector<1x32xf32> to vector<10000x32xf32>
    %add3A_13 = arith.addf %mul3A_9, %add3A : vector<10000x32xf32>
    %ge3A = arith.constant 0.000000e+00 : f32
    %ge3A_14 = vector.broadcast %ge3A : f32 to vector<10000x32xf32>
    %ge3A_15 = arith.cmpf oge, %add3A_13, %ge3A_14 : vector<10000x32xf32>
    %mul3A_16 = arith.constant 1.000000e-01 : f32
    %mul3A_17 = vector.broadcast %mul3A_16 : f32 to vector<10000x32xf32>
    %mul3A_18 = arith.mulf %mul3A_17, %add3A_13 : vector<10000x32xf32>
    %select_n3A = arith.select %ge3A_15, %add3A_13, %mul3A_18 : vector<10000x32xi1>, vector<10000x32xf32>
    %get3A_19 = arith.constant 0 : index
    %get3A_20 = arith.constant 0 : index
    %get3A_21 = vector.load %arg4[%get3A_19, %get3A_20] : memref<32x128xf32, #tpu.memory_space<vmem>>, vector<32x128xf32>
    %dot_general3A_22 = arith.constant dense<0.000000e+00> : vector<10000x128xf32>
    %dot_general3A_23 = tpu.matmul %select_n3A, %get3A_21, %dot_general3A_22 {dimension_numbers = #tpu.dot_dimension_numbers<[1], [0], [0], [1], [0, 0, 1, 1], [], []>, transpose_lhs_hint = false} : vector<10000x32xf32>, vector<32x128xf32>, vector<10000x128xf32> -> vector<10000x128xf32>
    %get3A_24 = arith.constant 0 : index
    %get3A_25 = arith.constant 0 : index
    %get3A_26 = vector.load %arg5[%get3A_24, %get3A_25] : memref<1x128xf32, #tpu.memory_space<vmem>>, vector<1x128xf32>
    %add3A_27 = vector.broadcast %get3A_26 : vector<1x128xf32> to vector<10000x128xf32>
    %add3A_28 = arith.addf %dot_general3A_23, %add3A_27 : vector<10000x128xf32>
    %swap3A = arith.constant 0 : index
    %swap3A_29 = arith.constant 0 : index
    %swap3A_30 = vector.load %arg8[%swap3A, %swap3A_29] : memref<10000x128xf32, #tpu.memory_space<vmem>>, vector<10000x128xf32>
    tpu.vector_store %arg8[%swap3A, %swap3A_29], %add3A_28 {strides = array<i32>} : memref<10000x128xf32, #tpu.memory_space<vmem>>, vector<10000x128xf32>,
    %get3A_31 = arith.constant 0 : index
    %get3A_32 = arith.constant 0 : index
    %get3A_33 = vector.load %arg6[%get3A_31, %get3A_32] : memref<32x128xf32, #tpu.memory_space<vmem>>, vector<32x128xf32>
    %dot_general3A_34 = arith.constant dense<0.000000e+00> : vector<10000x128xf32>
    %dot_general3A_35 = tpu.matmul %select_n3A, %get3A_33, %dot_general3A_34 {dimension_numbers = #tpu.dot_dimension_numbers<[1], [0], [0], [1], [0, 0, 1, 1], [], []>, transpose_lhs_hint = false} : vector<10000x32xf32>, vector<32x128xf32>, vector<10000x128xf32> -> vector<10000x128xf32>
    %get3A_36 = arith.constant 0 : index
    %get3A_37 = arith.constant 0 : index
    %get3A_38 = vector.load %arg7[%get3A_36, %get3A_37] : memref<1x128xf32, #tpu.memory_space<vmem>>, vector<1x128xf32>
    %add3A_39 = vector.broadcast %get3A_38 : vector<1x128xf32> to vector<10000x128xf32>
    %add3A_40 = arith.addf %dot_general3A_35, %add3A_39 : vector<10000x128xf32>
    %swap3A_41 = arith.constant 0 : index
    %swap3A_42 = arith.constant 0 : index
    %swap3A_43 = vector.load %arg9[%swap3A_41, %swap3A_42] : memref<10000x128xf32, #tpu.memory_space<vmem>>, vector<10000x128xf32>
    tpu.vector_store %arg9[%swap3A_41, %swap3A_42], %add3A_40 {strides = array<i32>} : memref<10000x128xf32, #tpu.memory_space<vmem>>, vector<10000x128xf32>,
    return
  }
}

module attributes {stable_mosaic.version = 14 : i64} {
  func.func @_edge_body(%arg0: i32, %arg1: memref<2048x128xf32, #tpu.memory_space<vmem>>, %arg2: memref<2048x128xf32, #tpu.memory_space<vmem>>, %arg3: memref<2048x16xf32, #tpu.memory_space<vmem>>, %arg4: memref<16x128xf32, #tpu.memory_space<vmem>>, %arg5: memref<1x128xf32, #tpu.memory_space<vmem>>, %arg6: memref<2048x1xi32, #tpu.memory_space<vmem>>, %arg7: memref<2048x128xf32, #tpu.memory_space<vmem>>, %arg8: memref<2048x128xf32, #tpu.memory_space<vmem>>) attributes {dimension_semantics = [#tpu.dimension_semantics<arbitrary>], iteration_bounds = array<i64: 160>, scalar_prefetch = 0 : i64, scratch_operands = 0 : i64, tpu.core_type = #tpu.core_type<tc>, window_params = [{transform_indices = @transform_0, window_bounds = array<i64: 2048, 128>}, {transform_indices = @transform_1, window_bounds = array<i64: 2048, 128>}, {transform_indices = @transform_2, window_bounds = array<i64: 2048, 16>}, {pipeline_mode = #tpu.pipeline_mode<synchronous>, transform_indices = @transform_3, window_bounds = array<i64: 16, 128>}, {pipeline_mode = #tpu.pipeline_mode<synchronous>, transform_indices = @transform_4, window_bounds = array<i64: 1, 128>}, {transform_indices = @transform_5, window_bounds = array<i64: 2048, 1>}, {transform_indices = @transform_6, window_bounds = array<i64: 2048, 128>}, {transform_indices = @transform_7, window_bounds = array<i64: 2048, 128>}]} {
    %get3A = arith.constant 0 : index
    %get3A_0 = arith.constant 0 : index
    %get3A_1 = vector.load %arg1[%get3A, %get3A_0] : memref<2048x128xf32, #tpu.memory_space<vmem>>, vector<2048x128xf32>
    %get3A_2 = arith.constant 0 : index
    %get3A_3 = arith.constant 0 : index
    %get3A_4 = vector.load %arg3[%get3A_2, %get3A_3] : memref<2048x16xf32, #tpu.memory_space<vmem>>, vector<2048x16xf32>
    %get3A_5 = arith.constant 0 : index
    %get3A_6 = arith.constant 0 : index
    %get3A_7 = vector.load %arg4[%get3A_5, %get3A_6] : memref<16x128xf32, #tpu.memory_space<vmem>>, vector<16x128xf32>
    %dot_general3A = arith.constant dense<0.000000e+00> : vector<2048x128xf32>
    %dot_general3A_8 = tpu.matmul %get3A_4, %get3A_7, %dot_general3A {dimension_numbers = #tpu.dot_dimension_numbers<[1], [0], [0], [1], [0, 0, 1, 1], [], []>, transpose_lhs_hint = false} : vector<2048x16xf32>, vector<16x128xf32>, vector<2048x128xf32> -> vector<2048x128xf32>
    %get3A_9 = arith.constant 0 : index
    %get3A_10 = arith.constant 0 : index
    %get3A_11 = vector.load %arg2[%get3A_9, %get3A_10] : memref<2048x128xf32, #tpu.memory_space<vmem>>, vector<2048x128xf32>
    %add3A = arith.addf %get3A_1, %get3A_11 : vector<2048x128xf32>
    %add3A_12 = arith.addf %add3A, %dot_general3A_8 : vector<2048x128xf32>
    %ge3A = arith.constant 0.000000e+00 : f32
    %ge3A_13 = vector.broadcast %ge3A : f32 to vector<2048x128xf32>
    %ge3A_14 = arith.cmpf oge, %add3A_12, %ge3A_13 : vector<2048x128xf32>
    %mul3A = arith.constant 1.000000e-01 : f32
    %mul3A_15 = vector.broadcast %mul3A : f32 to vector<2048x128xf32>
    %mul3A_16 = arith.mulf %mul3A_15, %add3A_12 : vector<2048x128xf32>
    %select_n3A = arith.select %ge3A_14, %add3A_12, %mul3A_16 : vector<2048x128xi1>, vector<2048x128xf32>
    %get3A_17 = arith.constant 0 : index
    %get3A_18 = arith.constant 0 : index
    %get3A_19 = vector.load %arg5[%get3A_17, %get3A_18] : memref<1x128xf32, #tpu.memory_space<vmem>>, vector<1x128xf32>
    %mul3A_20 = vector.broadcast %get3A_19 : vector<1x128xf32> to vector<2048x128xf32>
    %mul3A_21 = arith.mulf %select_n3A, %mul3A_20 : vector<2048x128xf32>
    %iota3A = tpu.iota {dimensions = array<i32: 0>} : vector<128x4xi32>
    %iota3A_22 = tpu.iota {dimensions = array<i32: 1>} : vector<128x4xi32>
    %jit3A = arith.constant 32 : i32
    %div3A = vector.broadcast %jit3A : i32 to vector<128x4xi32>
    %div3A_23 = arith.divsi %iota3A, %div3A : vector<128x4xi32>
    %sign3A = arith.constant 0 : i32
    %sign3A_24 = vector.broadcast %sign3A : i32 to vector<128x4xi32>
    %sign3A_25 = arith.cmpi sgt, %iota3A, %sign3A_24 : vector<128x4xi32>
    %sign3A_26 = arith.extui %sign3A_25 : vector<128x4xi1> to vector<128x4xi32>
    %sign3A_27 = arith.constant 0 : i32
    %sign3A_28 = vector.broadcast %sign3A_27 : i32 to vector<128x4xi32>
    %sign3A_29 = arith.cmpi slt, %iota3A, %sign3A_28 : vector<128x4xi32>
    %sign3A_30 = arith.extui %sign3A_29 : vector<128x4xi1> to vector<128x4xi32>
    %sign3A_31 = arith.subi %sign3A_26, %sign3A_30 : vector<128x4xi32>
    %sign3A_32 = arith.constant 0 : i32
    %sign3A_33 = arith.cmpi sgt, %jit3A, %sign3A_32 : i32
    %sign3A_34 = arith.extui %sign3A_33 : i1 to i32
    %sign3A_35 = arith.constant 0 : i32
    %sign3A_36 = arith.cmpi slt, %jit3A, %sign3A_35 : i32
    %sign3A_37 = arith.extui %sign3A_36 : i1 to i32
    %sign3A_38 = arith.subi %sign3A_34, %sign3A_37 : i32
    %ne3A = vector.broadcast %sign3A_38 : i32 to vector<128x4xi32>
    %ne3A_39 = arith.cmpi ne, %sign3A_31, %ne3A : vector<128x4xi32>
    %rem3A = vector.broadcast %jit3A : i32 to vector<128x4xi32>
    %rem3A_40 = arith.remsi %iota3A, %rem3A : vector<128x4xi32>
    %ne3A_41 = arith.constant 0 : i32
    %ne3A_42 = vector.broadcast %ne3A_41 : i32 to vector<128x4xi32>
    %ne3A_43 = arith.cmpi ne, %rem3A_40, %ne3A_42 : vector<128x4xi32>
    %and3A = arith.andi %ne3A_39, %ne3A_43 : vector<128x4xi1>
    %sub3A = arith.constant 1 : i32
    %sub3A_44 = vector.broadcast %sub3A : i32 to vector<128x4xi32>
    %sub3A_45 = arith.subi %div3A_23, %sub3A_44 : vector<128x4xi32>
    %select_n3A_46 = arith.select %and3A, %sub3A_45, %div3A_23 : vector<128x4xi1>, vector<128x4xi32>
    %eq3A = arith.cmpi eq, %select_n3A_46, %iota3A_22 : vector<128x4xi32>
    %convert_element_type3A = arith.extui %eq3A : vector<128x4xi1> to vector<128x4xi32>
    %convert_element_type3A_47 = arith.sitofp %convert_element_type3A : vector<128x4xi32> to vector<128x4xf32>
    %dot_general3A_48 = arith.constant dense<0.000000e+00> : vector<2048x4xf32>
    %dot_general3A_49 = tpu.matmul %mul3A_21, %convert_element_type3A_47, %dot_general3A_48 {dimension_numbers = #tpu.dot_dimension_numbers<[1], [0], [0], [1], [0, 0, 1, 1], [], []>, transpose_lhs_hint = false} : vector<2048x128xf32>, vector<128x4xf32>, vector<2048x4xf32> -> vector<2048x4xf32>
    %min3A = arith.constant 6.000000e+01 : f32
    %min3A_50 = vector.broadcast %min3A : f32 to vector<2048x4xf32>
    %min3A_51 = arith.minimumf %dot_general3A_49, %min3A_50 : vector<2048x4xf32>
    %exp3A = math.exp %min3A_51 : vector<2048x4xf32>
    %mul3A_52 = arith.constant 2048 : i32
    %mul3A_53 = arith.muli %arg0, %mul3A_52 : i32
    %iota3A_54 = tpu.iota {dimensions = array<i32: 0>} : vector<2048x4xi32>
    %add3A_55 = vector.broadcast %mul3A_53 : i32 to vector<2048x4xi32>
    %add3A_56 = arith.addi %add3A_55, %iota3A_54 : vector<2048x4xi32>
    %lt3A = arith.constant 320000 : i32
    %lt3A_57 = vector.broadcast %lt3A : i32 to vector<2048x4xi32>
    %lt3A_58 = arith.cmpi slt, %add3A_56, %lt3A_57 : vector<2048x4xi32>
    %jit3A_59 = arith.constant 0.000000e+00 : f32
    %broadcast_in_dim3A = vector.broadcast %jit3A_59 : f32 to vector<2048x4xf32>
    %select_n3A_60 = arith.select %lt3A_58, %exp3A, %broadcast_in_dim3A : vector<2048x4xi1>, vector<2048x4xf32>
    %iota3A_61 = tpu.iota {dimensions = array<i32: 1>} : vector<4x128xi32>
    %iota3A_62 = tpu.iota {dimensions = array<i32: 0>} : vector<4x128xi32>
    %jit3A_63 = arith.constant 32 : i32
    %div3A_64 = vector.broadcast %jit3A_63 : i32 to vector<4x128xi32>
    %div3A_65 = arith.divsi %iota3A_61, %div3A_64 : vector<4x128xi32>
    %sign3A_66 = arith.constant 0 : i32
    %sign3A_67 = vector.broadcast %sign3A_66 : i32 to vector<4x128xi32>
    %sign3A_68 = arith.cmpi sgt, %iota3A_61, %sign3A_67 : vector<4x128xi32>
    %sign3A_69 = arith.extui %sign3A_68 : vector<4x128xi1> to vector<4x128xi32>
    %sign3A_70 = arith.constant 0 : i32
    %sign3A_71 = vector.broadcast %sign3A_70 : i32 to vector<4x128xi32>
    %sign3A_72 = arith.cmpi slt, %iota3A_61, %sign3A_71 : vector<4x128xi32>
    %sign3A_73 = arith.extui %sign3A_72 : vector<4x128xi1> to vector<4x128xi32>
    %sign3A_74 = arith.subi %sign3A_69, %sign3A_73 : vector<4x128xi32>
    %sign3A_75 = arith.constant 0 : i32
    %sign3A_76 = arith.cmpi sgt, %jit3A_63, %sign3A_75 : i32
    %sign3A_77 = arith.extui %sign3A_76 : i1 to i32
    %sign3A_78 = arith.constant 0 : i32
    %sign3A_79 = arith.cmpi slt, %jit3A_63, %sign3A_78 : i32
    %sign3A_80 = arith.extui %sign3A_79 : i1 to i32
    %sign3A_81 = arith.subi %sign3A_77, %sign3A_80 : i32
    %ne3A_82 = vector.broadcast %sign3A_81 : i32 to vector<4x128xi32>
    %ne3A_83 = arith.cmpi ne, %sign3A_74, %ne3A_82 : vector<4x128xi32>
    %rem3A_84 = vector.broadcast %jit3A_63 : i32 to vector<4x128xi32>
    %rem3A_85 = arith.remsi %iota3A_61, %rem3A_84 : vector<4x128xi32>
    %ne3A_86 = arith.constant 0 : i32
    %ne3A_87 = vector.broadcast %ne3A_86 : i32 to vector<4x128xi32>
    %ne3A_88 = arith.cmpi ne, %rem3A_85, %ne3A_87 : vector<4x128xi32>
    %and3A_89 = arith.andi %ne3A_83, %ne3A_88 : vector<4x128xi1>
    %sub3A_90 = arith.constant 1 : i32
    %sub3A_91 = vector.broadcast %sub3A_90 : i32 to vector<4x128xi32>
    %sub3A_92 = arith.subi %div3A_65, %sub3A_91 : vector<4x128xi32>
    %select_n3A_93 = arith.select %and3A_89, %sub3A_92, %div3A_65 : vector<4x128xi1>, vector<4x128xi32>
    %eq3A_94 = arith.cmpi eq, %select_n3A_93, %iota3A_62 : vector<4x128xi32>
    %convert_element_type3A_95 = arith.extui %eq3A_94 : vector<4x128xi1> to vector<4x128xi32>
    %convert_element_type3A_96 = arith.sitofp %convert_element_type3A_95 : vector<4x128xi32> to vector<4x128xf32>
    %dot_general3A_97 = arith.constant dense<0.000000e+00> : vector<2048x128xf32>
    %dot_general3A_98 = tpu.matmul %select_n3A_60, %convert_element_type3A_96, %dot_general3A_97 {dimension_numbers = #tpu.dot_dimension_numbers<[1], [0], [0], [1], [0, 0, 1, 1], [], []>, transpose_lhs_hint = false} : vector<2048x4xf32>, vector<4x128xf32>, vector<2048x128xf32> -> vector<2048x128xf32>
    %mul3A_99 = arith.mulf %get3A_1, %dot_general3A_98 : vector<2048x128xf32>
    %swap3A = arith.constant 0 : index
    %swap3A_100 = arith.constant 0 : index
    %swap3A_101 = vector.load %arg7[%swap3A, %swap3A_100] : memref<2048x128xf32, #tpu.memory_space<vmem>>, vector<2048x128xf32>
    tpu.vector_store %arg7[%swap3A, %swap3A_100], %mul3A_99 {strides = array<i32>} : memref<2048x128xf32, #tpu.memory_space<vmem>>, vector<2048x128xf32>,
    %iota3A_102 = tpu.iota {dimensions = array<i32: 1>} : vector<4x128xi32>
    %iota3A_103 = tpu.iota {dimensions = array<i32: 0>} : vector<4x128xi32>
    %jit3A_104 = arith.constant 4 : i32
    %eq3A_105 = arith.constant 0 : i32
    %eq3A_106 = arith.cmpi eq, %jit3A_104, %eq3A_105 : i32
    %jit3A_107 = arith.constant 1 : i32
    %select_n3A_108 = arith.select %eq3A_106, %jit3A_107, %jit3A_104 : i32
    %rem3A_109 = vector.broadcast %select_n3A_108 : i32 to vector<4x128xi32>
    %rem3A_110 = arith.remsi %iota3A_102, %rem3A_109 : vector<4x128xi32>
    %ne3A_111 = arith.constant 0 : i32
    %ne3A_112 = vector.broadcast %ne3A_111 : i32 to vector<4x128xi32>
    %ne3A_113 = arith.cmpi ne, %rem3A_110, %ne3A_112 : vector<4x128xi32>
    %lt3A_114 = arith.constant 0 : i32
    %lt3A_115 = vector.broadcast %lt3A_114 : i32 to vector<4x128xi32>
    %lt3A_116 = arith.cmpi slt, %rem3A_110, %lt3A_115 : vector<4x128xi32>
    %lt3A_117 = arith.constant 0 : i32
    %lt3A_118 = arith.cmpi slt, %select_n3A_108, %lt3A_117 : i32
    %ne3A_119 = vector.broadcast %lt3A_118 : i1 to vector<4x128xi1>
    %ne3A_120 = vector.broadcast %ne3A_119 : vector<4x128xi1> to vector<4x128xi1>
    %ne3A_121 = arith.xori %lt3A_116, %ne3A_120 : vector<4x128xi1>
    %and3A_122 = arith.andi %ne3A_121, %ne3A_113 : vector<4x128xi1>
    %add3A_123 = vector.broadcast %select_n3A_108 : i32 to vector<4x128xi32>
    %add3A_124 = arith.addi %rem3A_110, %add3A_123 : vector<4x128xi32>
    %select_n3A_125 = arith.select %and3A_122, %add3A_124, %rem3A_110 : vector<4x128xi1>, vector<4x128xi32>
    %eq3A_126 = arith.cmpi eq, %select_n3A_125, %iota3A_103 : vector<4x128xi32>
    %convert_element_type3A_127 = arith.extui %eq3A_126 : vector<4x128xi1> to vector<4x128xi32>
    %convert_element_type3A_128 = arith.sitofp %convert_element_type3A_127 : vector<4x128xi32> to vector<4x128xf32>
    %dot_general3A_129 = arith.constant dense<0.000000e+00> : vector<2048x128xf32>
    %dot_general3A_130 = tpu.matmul %select_n3A_60, %convert_element_type3A_128, %dot_general3A_129 {dimension_numbers = #tpu.dot_dimension_numbers<[1], [0], [0], [1], [0, 0, 1, 1], [], []>, transpose_lhs_hint = false} : vector<2048x4xf32>, vector<4x128xf32>, vector<2048x128xf32> -> vector<2048x128xf32>
    %iota3A_131 = tpu.iota {dimensions = array<i32: 1>} : vector<2048x128xi32>
    %get3A_132 = arith.constant 0 : index
    %get3A_133 = arith.constant 0 : index
    %get3A_134 = vector.load %arg6[%get3A_132, %get3A_133] : memref<2048x1xi32, #tpu.memory_space<vmem>>, vector<2048x1xi32>
    %rem3A_135 = arith.constant 32 : i32
    %rem3A_136 = vector.broadcast %rem3A_135 : i32 to vector<2048x1xi32>
    %rem3A_137 = arith.remsi %get3A_134, %rem3A_136 : vector<2048x1xi32>
    %jit3A_138 = arith.constant 4 : i32
    %div3A_139 = vector.broadcast %jit3A_138 : i32 to vector<2048x128xi32>
    %div3A_140 = arith.divsi %iota3A_131, %div3A_139 : vector<2048x128xi32>
    %sign3A_141 = arith.constant 0 : i32
    %sign3A_142 = vector.broadcast %sign3A_141 : i32 to vector<2048x128xi32>
    %sign3A_143 = arith.cmpi sgt, %iota3A_131, %sign3A_142 : vector<2048x128xi32>
    %sign3A_144 = arith.extui %sign3A_143 : vector<2048x128xi1> to vector<2048x128xi32>
    %sign3A_145 = arith.constant 0 : i32
    %sign3A_146 = vector.broadcast %sign3A_145 : i32 to vector<2048x128xi32>
    %sign3A_147 = arith.cmpi slt, %iota3A_131, %sign3A_146 : vector<2048x128xi32>
    %sign3A_148 = arith.extui %sign3A_147 : vector<2048x128xi1> to vector<2048x128xi32>
    %sign3A_149 = arith.subi %sign3A_144, %sign3A_148 : vector<2048x128xi32>
    %sign3A_150 = arith.constant 0 : i32
    %sign3A_151 = arith.cmpi sgt, %jit3A_138, %sign3A_150 : i32
    %sign3A_152 = arith.extui %sign3A_151 : i1 to i32
    %sign3A_153 = arith.constant 0 : i32
    %sign3A_154 = arith.cmpi slt, %jit3A_138, %sign3A_153 : i32
    %sign3A_155 = arith.extui %sign3A_154 : i1 to i32
    %sign3A_156 = arith.subi %sign3A_152, %sign3A_155 : i32
    %ne3A_157 = vector.broadcast %sign3A_156 : i32 to vector<2048x128xi32>
    %ne3A_158 = arith.cmpi ne, %sign3A_149, %ne3A_157 : vector<2048x128xi32>
    %rem3A_159 = vector.broadcast %jit3A_138 : i32 to vector<2048x128xi32>
    %rem3A_160 = arith.remsi %iota3A_131, %rem3A_159 : vector<2048x128xi32>
    %ne3A_161 = arith.constant 0 : i32
    %ne3A_162 = vector.broadcast %ne3A_161 : i32 to vector<2048x128xi32>
    %ne3A_163 = arith.cmpi ne, %rem3A_160, %ne3A_162 : vector<2048x128xi32>
    %and3A_164 = arith.andi %ne3A_158, %ne3A_163 : vector<2048x128xi1>
    %sub3A_165 = arith.constant 1 : i32
    %sub3A_166 = vector.broadcast %sub3A_165 : i32 to vector<2048x128xi32>
    %sub3A_167 = arith.subi %div3A_140, %sub3A_166 : vector<2048x128xi32>
    %select_n3A_168 = arith.select %and3A_164, %sub3A_167, %div3A_140 : vector<2048x128xi1>, vector<2048x128xi32>
    %eq3A_169 = vector.broadcast %rem3A_137 : vector<2048x1xi32> to vector<2048x128xi32>
    %eq3A_170 = arith.cmpi eq, %select_n3A_168, %eq3A_169 : vector<2048x128xi32>
    %jit3A_171 = arith.constant 0.000000e+00 : f32
    %broadcast_in_dim3A_172 = vector.broadcast %jit3A_171 : f32 to vector<2048x128xf32>
    %select_n3A_173 = arith.select %eq3A_170, %dot_general3A_130, %broadcast_in_dim3A_172 : vector<2048x128xi1>, vector<2048x128xf32>
    %swap3A_174 = arith.constant 0 : index
    %swap3A_175 = arith.constant 0 : index
    %swap3A_176 = vector.load %arg8[%swap3A_174, %swap3A_175] : memref<2048x128xf32, #tpu.memory_space<vmem>>, vector<2048x128xf32>
    tpu.vector_store %arg8[%swap3A_174, %swap3A_175], %select_n3A_173 {strides = array<i32>} : memref<2048x128xf32, #tpu.memory_space<vmem>>, vector<2048x128xf32>,
    return
  }
  func.func @transform_0(%arg0: i32) -> (i32, i32) {
    %c0_i32 = arith.constant 0 : i32
    %c0_i32_0 = arith.constant 0 : i32
    return %arg0, %c0_i32 : i32, i32
  }
  func.func @transform_1(%arg0: i32) -> (i32, i32) {
    %c0_i32 = arith.constant 0 : i32
    %c0_i32_0 = arith.constant 0 : i32
    return %arg0, %c0_i32 : i32, i32
  }
  func.func @transform_2(%arg0: i32) -> (i32, i32) {
    %c0_i32 = arith.constant 0 : i32
    %c0_i32_0 = arith.constant 0 : i32
    return %arg0, %c0_i32 : i32, i32
  }
  func.func @transform_3(%arg0: i32) -> (i32, i32) {
    %c0_i32 = arith.constant 0 : i32
    %c0_i32_0 = arith.constant 0 : i32
    %c0_i32_1 = arith.constant 0 : i32
    return %c0_i32, %c0_i32_0 : i32, i32
  }
  func.func @transform_4(%arg0: i32) -> (i32, i32) {
    %c0_i32 = arith.constant 0 : i32
    %c0_i32_0 = arith.constant 0 : i32
    %c0_i32_1 = arith.constant 0 : i32
    return %c0_i32, %c0_i32_0 : i32, i32
  }
  func.func @transform_5(%arg0: i32) -> (i32, i32) {
    %c0_i32 = arith.constant 0 : i32
    %c0_i32_0 = arith.constant 0 : i32
    return %arg0, %c0_i32 : i32, i32
  }
  func.func @transform_6(%arg0: i32) -> (i32, i32) {
    %c0_i32 = arith.constant 0 : i32
    %c0_i32_0 = arith.constant 0 : i32
    return %arg0, %c0_i32 : i32, i32
  }
  func.func @transform_7(%arg0: i32) -> (i32, i32) {
    %c0_i32 = arith.constant 0 : i32
    %c0_i32_0 = arith.constant 0 : i32
    return %arg0, %c0_i32 : i32, i32
  }
}

module attributes {stable_mosaic.version = 14 : i64} {
  func.func @_combine_body(%arg0: memref<10000x128xf32, #tpu.memory_space<vmem>>, %arg1: memref<10000x128xf32, #tpu.memory_space<vmem>>, %arg2: memref<10000x4xf32, #tpu.memory_space<vmem>>, %arg3: memref<10000x4xf32, #tpu.memory_space<vmem>>, %arg4: memref<1x32xf32, #tpu.memory_space<vmem>>, %arg5: memref<32x128xf32, #tpu.memory_space<vmem>>, %arg6: memref<1x128xf32, #tpu.memory_space<vmem>>, %arg7: memref<32x128xf32, #tpu.memory_space<vmem>>, %arg8: memref<1x128xf32, #tpu.memory_space<vmem>>, %arg9: memref<10000x128xf32, #tpu.memory_space<vmem>>, %arg10: memref<10000x128xf32, #tpu.memory_space<vmem>>) attributes {dimension_semantics = [], scalar_prefetch = 0 : i64, scratch_operands = 0 : i64, tpu.core_type = #tpu.core_type<tc>} {
    %get3A = arith.constant 0 : index
    %get3A_0 = arith.constant 0 : index
    %get3A_1 = vector.load %arg0[%get3A, %get3A_0] : memref<10000x128xf32, #tpu.memory_space<vmem>>, vector<10000x128xf32>
    %get3A_2 = arith.constant 0 : index
    %get3A_3 = arith.constant 0 : index
    %get3A_4 = vector.load %arg1[%get3A_2, %get3A_3] : memref<10000x128xf32, #tpu.memory_space<vmem>>, vector<10000x128xf32>
    %get3A_5 = arith.constant 0 : index
    %get3A_6 = arith.constant 0 : index
    %get3A_7 = vector.load %arg2[%get3A_5, %get3A_6] : memref<10000x4xf32, #tpu.memory_space<vmem>>, vector<10000x4xf32>
    %get3A_8 = arith.constant 0 : index
    %get3A_9 = arith.constant 0 : index
    %get3A_10 = vector.load %arg3[%get3A_8, %get3A_9] : memref<10000x4xf32, #tpu.memory_space<vmem>>, vector<10000x4xf32>
    %get3A_11 = arith.constant 0 : index
    %get3A_12 = arith.constant 0 : index
    %get3A_13 = vector.load %arg4[%get3A_11, %get3A_12] : memref<1x32xf32, #tpu.memory_space<vmem>>, vector<1x32xf32>
    %add3A = arith.addf %get3A_7, %get3A_10 : vector<10000x4xf32>
    %iota3A = tpu.iota {dimensions = array<i32: 1>} : vector<4x128xi32>
    %iota3A_14 = tpu.iota {dimensions = array<i32: 0>} : vector<4x128xi32>
    %jit3A = arith.constant 32 : i32
    %div3A = vector.broadcast %jit3A : i32 to vector<4x128xi32>
    %div3A_15 = arith.divsi %iota3A, %div3A : vector<4x128xi32>
    %sign3A = arith.constant 0 : i32
    %sign3A_16 = vector.broadcast %sign3A : i32 to vector<4x128xi32>
    %sign3A_17 = arith.cmpi sgt, %iota3A, %sign3A_16 : vector<4x128xi32>
    %sign3A_18 = arith.extui %sign3A_17 : vector<4x128xi1> to vector<4x128xi32>
    %sign3A_19 = arith.constant 0 : i32
    %sign3A_20 = vector.broadcast %sign3A_19 : i32 to vector<4x128xi32>
    %sign3A_21 = arith.cmpi slt, %iota3A, %sign3A_20 : vector<4x128xi32>
    %sign3A_22 = arith.extui %sign3A_21 : vector<4x128xi1> to vector<4x128xi32>
    %sign3A_23 = arith.subi %sign3A_18, %sign3A_22 : vector<4x128xi32>
    %sign3A_24 = arith.constant 0 : i32
    %sign3A_25 = arith.cmpi sgt, %jit3A, %sign3A_24 : i32
    %sign3A_26 = arith.extui %sign3A_25 : i1 to i32
    %sign3A_27 = arith.constant 0 : i32
    %sign3A_28 = arith.cmpi slt, %jit3A, %sign3A_27 : i32
    %sign3A_29 = arith.extui %sign3A_28 : i1 to i32
    %sign3A_30 = arith.subi %sign3A_26, %sign3A_29 : i32
    %ne3A = vector.broadcast %sign3A_30 : i32 to vector<4x128xi32>
    %ne3A_31 = arith.cmpi ne, %sign3A_23, %ne3A : vector<4x128xi32>
    %rem3A = vector.broadcast %jit3A : i32 to vector<4x128xi32>
    %rem3A_32 = arith.remsi %iota3A, %rem3A : vector<4x128xi32>
    %ne3A_33 = arith.constant 0 : i32
    %ne3A_34 = vector.broadcast %ne3A_33 : i32 to vector<4x128xi32>
    %ne3A_35 = arith.cmpi ne, %rem3A_32, %ne3A_34 : vector<4x128xi32>
    %and3A = arith.andi %ne3A_31, %ne3A_35 : vector<4x128xi1>
    %sub3A = arith.constant 1 : i32
    %sub3A_36 = vector.broadcast %sub3A : i32 to vector<4x128xi32>
    %sub3A_37 = arith.subi %div3A_15, %sub3A_36 : vector<4x128xi32>
    %select_n3A = arith.select %and3A, %sub3A_37, %div3A_15 : vector<4x128xi1>, vector<4x128xi32>
    %eq3A = arith.cmpi eq, %select_n3A, %iota3A_14 : vector<4x128xi32>
    %convert_element_type3A = arith.extui %eq3A : vector<4x128xi1> to vector<4x128xi32>
    %convert_element_type3A_38 = arith.sitofp %convert_element_type3A : vector<4x128xi32> to vector<4x128xf32>
    %dot_general3A = arith.constant dense<0.000000e+00> : vector<10000x128xf32>
    %dot_general3A_39 = tpu.matmul %add3A, %convert_element_type3A_38, %dot_general3A {dimension_numbers = #tpu.dot_dimension_numbers<[1], [0], [0], [1], [0, 0, 1, 1], [], []>, transpose_lhs_hint = false} : vector<10000x4xf32>, vector<4x128xf32>, vector<10000x128xf32> -> vector<10000x128xf32>
    %add3A_40 = arith.addf %get3A_1, %get3A_4 : vector<10000x128xf32>
    %add3A_41 = arith.constant 1.000000e-16 : f32
    %add3A_42 = vector.broadcast %add3A_41 : f32 to vector<10000x128xf32>
    %add3A_43 = arith.addf %dot_general3A_39, %add3A_42 : vector<10000x128xf32>
    %div3A_44 = arith.divf %add3A_40, %add3A_43 : vector<10000x128xf32>
    %iota3A_45 = tpu.iota {dimensions = array<i32: 0>} : vector<128x32xi32>
    %iota3A_46 = tpu.iota {dimensions = array<i32: 1>} : vector<128x32xi32>
    %jit3A_47 = arith.constant 32 : i32
    %eq3A_48 = arith.constant 0 : i32
    %eq3A_49 = arith.cmpi eq, %jit3A_47, %eq3A_48 : i32
    %jit3A_50 = arith.constant 1 : i32
    %select_n3A_51 = arith.select %eq3A_49, %jit3A_50, %jit3A_47 : i32
    %rem3A_52 = vector.broadcast %select_n3A_51 : i32 to vector<128x32xi32>
    %rem3A_53 = arith.remsi %iota3A_45, %rem3A_52 : vector<128x32xi32>
    %ne3A_54 = arith.constant 0 : i32
    %ne3A_55 = vector.broadcast %ne3A_54 : i32 to vector<128x32xi32>
    %ne3A_56 = arith.cmpi ne, %rem3A_53, %ne3A_55 : vector<128x32xi32>
    %lt3A = arith.constant 0 : i32
    %lt3A_57 = vector.broadcast %lt3A : i32 to vector<128x32xi32>
    %lt3A_58 = arith.cmpi slt, %rem3A_53, %lt3A_57 : vector<128x32xi32>
    %lt3A_59 = arith.constant 0 : i32
    %lt3A_60 = arith.cmpi slt, %select_n3A_51, %lt3A_59 : i32
    %ne3A_61 = vector.broadcast %lt3A_60 : i1 to vector<128x32xi1>
    %ne3A_62 = vector.broadcast %ne3A_61 : vector<128x32xi1> to vector<128x32xi1>
    %ne3A_63 = arith.xori %lt3A_58, %ne3A_62 : vector<128x32xi1>
    %and3A_64 = arith.andi %ne3A_63, %ne3A_56 : vector<128x32xi1>
    %add3A_65 = vector.broadcast %select_n3A_51 : i32 to vector<128x32xi32>
    %add3A_66 = arith.addi %rem3A_53, %add3A_65 : vector<128x32xi32>
    %select_n3A_67 = arith.select %and3A_64, %add3A_66, %rem3A_53 : vector<128x32xi1>, vector<128x32xi32>
    %eq3A_68 = arith.cmpi eq, %select_n3A_67, %iota3A_46 : vector<128x32xi32>
    %jit3A_69 = arith.constant 2.500000e-01 : f32
    %jit3A_70 = arith.constant 0.000000e+00 : f32
    %broadcast_in_dim3A = vector.broadcast %jit3A_69 : f32 to vector<128x32xf32>
    %broadcast_in_dim3A_71 = vector.broadcast %jit3A_70 : f32 to vector<128x32xf32>
    %select_n3A_72 = arith.select %eq3A_68, %broadcast_in_dim3A, %broadcast_in_dim3A_71 : vector<128x32xi1>, vector<128x32xf32>
    %dot_general3A_73 = arith.constant dense<0.000000e+00> : vector<10000x32xf32>
    %dot_general3A_74 = tpu.matmul %div3A_44, %select_n3A_72, %dot_general3A_73 {dimension_numbers = #tpu.dot_dimension_numbers<[1], [0], [0], [1], [0, 0, 1, 1], [], []>, transpose_lhs_hint = false} : vector<10000x128xf32>, vector<128x32xf32>, vector<10000x32xf32> -> vector<10000x32xf32>
    %add3A_75 = vector.broadcast %get3A_13 : vector<1x32xf32> to vector<10000x32xf32>
    %add3A_76 = arith.addf %dot_general3A_74, %add3A_75 : vector<10000x32xf32>
    %get3A_77 = arith.constant 0 : index
    %get3A_78 = arith.constant 0 : index
    %get3A_79 = vector.load %arg5[%get3A_77, %get3A_78] : memref<32x128xf32, #tpu.memory_space<vmem>>, vector<32x128xf32>
    %dot_general3A_80 = arith.constant dense<0.000000e+00> : vector<10000x128xf32>
    %dot_general3A_81 = tpu.matmul %add3A_76, %get3A_79, %dot_general3A_80 {dimension_numbers = #tpu.dot_dimension_numbers<[1], [0], [0], [1], [0, 0, 1, 1], [], []>, transpose_lhs_hint = false} : vector<10000x32xf32>, vector<32x128xf32>, vector<10000x128xf32> -> vector<10000x128xf32>
    %get3A_82 = arith.constant 0 : index
    %get3A_83 = arith.constant 0 : index
    %get3A_84 = vector.load %arg6[%get3A_82, %get3A_83] : memref<1x128xf32, #tpu.memory_space<vmem>>, vector<1x128xf32>
    %add3A_85 = vector.broadcast %get3A_84 : vector<1x128xf32> to vector<10000x128xf32>
    %add3A_86 = arith.addf %dot_general3A_81, %add3A_85 : vector<10000x128xf32>
    %swap3A = arith.constant 0 : index
    %swap3A_87 = arith.constant 0 : index
    %swap3A_88 = vector.load %arg9[%swap3A, %swap3A_87] : memref<10000x128xf32, #tpu.memory_space<vmem>>, vector<10000x128xf32>
    tpu.vector_store %arg9[%swap3A, %swap3A_87], %add3A_86 {strides = array<i32>} : memref<10000x128xf32, #tpu.memory_space<vmem>>, vector<10000x128xf32>,
    %get3A_89 = arith.constant 0 : index
    %get3A_90 = arith.constant 0 : index
    %get3A_91 = vector.load %arg7[%get3A_89, %get3A_90] : memref<32x128xf32, #tpu.memory_space<vmem>>, vector<32x128xf32>
    %dot_general3A_92 = arith.constant dense<0.000000e+00> : vector<10000x128xf32>
    %dot_general3A_93 = tpu.matmul %add3A_76, %get3A_91, %dot_general3A_92 {dimension_numbers = #tpu.dot_dimension_numbers<[1], [0], [0], [1], [0, 0, 1, 1], [], []>, transpose_lhs_hint = false} : vector<10000x32xf32>, vector<32x128xf32>, vector<10000x128xf32> -> vector<10000x128xf32>
    %get3A_94 = arith.constant 0 : index
    %get3A_95 = arith.constant 0 : index
    %get3A_96 = vector.load %arg8[%get3A_94, %get3A_95] : memref<1x128xf32, #tpu.memory_space<vmem>>, vector<1x128xf32>
    %add3A_97 = vector.broadcast %get3A_96 : vector<1x128xf32> to vector<10000x128xf32>
    %add3A_98 = arith.addf %dot_general3A_93, %add3A_97 : vector<10000x128xf32>
    %swap3A_99 = arith.constant 0 : index
    %swap3A_100 = arith.constant 0 : index
    %swap3A_101 = vector.load %arg10[%swap3A_99, %swap3A_100] : memref<10000x128xf32, #tpu.memory_space<vmem>>, vector<10000x128xf32>
    tpu.vector_store %arg10[%swap3A_99, %swap3A_100], %add3A_98 {strides = array<i32>} : memref<10000x128xf32, #tpu.memory_space<vmem>>, vector<10000x128xf32>,
    return
  }
}

module attributes {stable_mosaic.version = 14 : i64} {
  func.func @_final_body(%arg0: memref<10000x128xf32, #tpu.memory_space<vmem>>, %arg1: memref<10000x128xf32, #tpu.memory_space<vmem>>, %arg2: memref<10000x4xf32, #tpu.memory_space<vmem>>, %arg3: memref<10000x4xf32, #tpu.memory_space<vmem>>, %arg4: memref<1x32xf32, #tpu.memory_space<vmem>>, %arg5: memref<32x128xf32, #tpu.memory_space<vmem>>, %arg6: memref<1x128xf32, #tpu.memory_space<vmem>>, %arg7: memref<10000x128xf32, #tpu.memory_space<vmem>>) attributes {dimension_semantics = [], scalar_prefetch = 0 : i64, scratch_operands = 0 : i64, tpu.core_type = #tpu.core_type<tc>} {
    %get3A = arith.constant 0 : index
    %get3A_0 = arith.constant 0 : index
    %get3A_1 = vector.load %arg0[%get3A, %get3A_0] : memref<10000x128xf32, #tpu.memory_space<vmem>>, vector<10000x128xf32>
    %get3A_2 = arith.constant 0 : index
    %get3A_3 = arith.constant 0 : index
    %get3A_4 = vector.load %arg1[%get3A_2, %get3A_3] : memref<10000x128xf32, #tpu.memory_space<vmem>>, vector<10000x128xf32>
    %get3A_5 = arith.constant 0 : index
    %get3A_6 = arith.constant 0 : index
    %get3A_7 = vector.load %arg2[%get3A_5, %get3A_6] : memref<10000x4xf32, #tpu.memory_space<vmem>>, vector<10000x4xf32>
    %get3A_8 = arith.constant 0 : index
    %get3A_9 = arith.constant 0 : index
    %get3A_10 = vector.load %arg3[%get3A_8, %get3A_9] : memref<10000x4xf32, #tpu.memory_space<vmem>>, vector<10000x4xf32>
    %get3A_11 = arith.constant 0 : index
    %get3A_12 = arith.constant 0 : index
    %get3A_13 = vector.load %arg4[%get3A_11, %get3A_12] : memref<1x32xf32, #tpu.memory_space<vmem>>, vector<1x32xf32>
    %add3A = arith.addf %get3A_7, %get3A_10 : vector<10000x4xf32>
    %iota3A = tpu.iota {dimensions = array<i32: 1>} : vector<4x128xi32>
    %iota3A_14 = tpu.iota {dimensions = array<i32: 0>} : vector<4x128xi32>
    %jit3A = arith.constant 32 : i32
    %div3A = vector.broadcast %jit3A : i32 to vector<4x128xi32>
    %div3A_15 = arith.divsi %iota3A, %div3A : vector<4x128xi32>
    %sign3A = arith.constant 0 : i32
    %sign3A_16 = vector.broadcast %sign3A : i32 to vector<4x128xi32>
    %sign3A_17 = arith.cmpi sgt, %iota3A, %sign3A_16 : vector<4x128xi32>
    %sign3A_18 = arith.extui %sign3A_17 : vector<4x128xi1> to vector<4x128xi32>
    %sign3A_19 = arith.constant 0 : i32
    %sign3A_20 = vector.broadcast %sign3A_19 : i32 to vector<4x128xi32>
    %sign3A_21 = arith.cmpi slt, %iota3A, %sign3A_20 : vector<4x128xi32>
    %sign3A_22 = arith.extui %sign3A_21 : vector<4x128xi1> to vector<4x128xi32>
    %sign3A_23 = arith.subi %sign3A_18, %sign3A_22 : vector<4x128xi32>
    %sign3A_24 = arith.constant 0 : i32
    %sign3A_25 = arith.cmpi sgt, %jit3A, %sign3A_24 : i32
    %sign3A_26 = arith.extui %sign3A_25 : i1 to i32
    %sign3A_27 = arith.constant 0 : i32
    %sign3A_28 = arith.cmpi slt, %jit3A, %sign3A_27 : i32
    %sign3A_29 = arith.extui %sign3A_28 : i1 to i32
    %sign3A_30 = arith.subi %sign3A_26, %sign3A_29 : i32
    %ne3A = vector.broadcast %sign3A_30 : i32 to vector<4x128xi32>
    %ne3A_31 = arith.cmpi ne, %sign3A_23, %ne3A : vector<4x128xi32>
    %rem3A = vector.broadcast %jit3A : i32 to vector<4x128xi32>
    %rem3A_32 = arith.remsi %iota3A, %rem3A : vector<4x128xi32>
    %ne3A_33 = arith.constant 0 : i32
    %ne3A_34 = vector.broadcast %ne3A_33 : i32 to vector<4x128xi32>
    %ne3A_35 = arith.cmpi ne, %rem3A_32, %ne3A_34 : vector<4x128xi32>
    %and3A = arith.andi %ne3A_31, %ne3A_35 : vector<4x128xi1>
    %sub3A = arith.constant 1 : i32
    %sub3A_36 = vector.broadcast %sub3A : i32 to vector<4x128xi32>
    %sub3A_37 = arith.subi %div3A_15, %sub3A_36 : vector<4x128xi32>
    %select_n3A = arith.select %and3A, %sub3A_37, %div3A_15 : vector<4x128xi1>, vector<4x128xi32>
    %eq3A = arith.cmpi eq, %select_n3A, %iota3A_14 : vector<4x128xi32>
    %convert_element_type3A = arith.extui %eq3A : vector<4x128xi1> to vector<4x128xi32>
    %convert_element_type3A_38 = arith.sitofp %convert_element_type3A : vector<4x128xi32> to vector<4x128xf32>
    %dot_general3A = arith.constant dense<0.000000e+00> : vector<10000x128xf32>
    %dot_general3A_39 = tpu.matmul %add3A, %convert_element_type3A_38, %dot_general3A {dimension_numbers = #tpu.dot_dimension_numbers<[1], [0], [0], [1], [0, 0, 1, 1], [], []>, transpose_lhs_hint = false} : vector<10000x4xf32>, vector<4x128xf32>, vector<10000x128xf32> -> vector<10000x128xf32>
    %add3A_40 = arith.addf %get3A_1, %get3A_4 : vector<10000x128xf32>
    %add3A_41 = arith.constant 1.000000e-16 : f32
    %add3A_42 = vector.broadcast %add3A_41 : f32 to vector<10000x128xf32>
    %add3A_43 = arith.addf %dot_general3A_39, %add3A_42 : vector<10000x128xf32>
    %div3A_44 = arith.divf %add3A_40, %add3A_43 : vector<10000x128xf32>
    %iota3A_45 = tpu.iota {dimensions = array<i32: 0>} : vector<128x32xi32>
    %iota3A_46 = tpu.iota {dimensions = array<i32: 1>} : vector<128x32xi32>
    %jit3A_47 = arith.constant 32 : i32
    %eq3A_48 = arith.constant 0 : i32
    %eq3A_49 = arith.cmpi eq, %jit3A_47, %eq3A_48 : i32
    %jit3A_50 = arith.constant 1 : i32
    %select_n3A_51 = arith.select %eq3A_49, %jit3A_50, %jit3A_47 : i32
    %rem3A_52 = vector.broadcast %select_n3A_51 : i32 to vector<128x32xi32>
    %rem3A_53 = arith.remsi %iota3A_45, %rem3A_52 : vector<128x32xi32>
    %ne3A_54 = arith.constant 0 : i32
    %ne3A_55 = vector.broadcast %ne3A_54 : i32 to vector<128x32xi32>
    %ne3A_56 = arith.cmpi ne, %rem3A_53, %ne3A_55 : vector<128x32xi32>
    %lt3A = arith.constant 0 : i32
    %lt3A_57 = vector.broadcast %lt3A : i32 to vector<128x32xi32>
    %lt3A_58 = arith.cmpi slt, %rem3A_53, %lt3A_57 : vector<128x32xi32>
    %lt3A_59 = arith.constant 0 : i32
    %lt3A_60 = arith.cmpi slt, %select_n3A_51, %lt3A_59 : i32
    %ne3A_61 = vector.broadcast %lt3A_60 : i1 to vector<128x32xi1>
    %ne3A_62 = vector.broadcast %ne3A_61 : vector<128x32xi1> to vector<128x32xi1>
    %ne3A_63 = arith.xori %lt3A_58, %ne3A_62 : vector<128x32xi1>
    %and3A_64 = arith.andi %ne3A_63, %ne3A_56 : vector<128x32xi1>
    %add3A_65 = vector.broadcast %select_n3A_51 : i32 to vector<128x32xi32>
    %add3A_66 = arith.addi %rem3A_53, %add3A_65 : vector<128x32xi32>
    %select_n3A_67 = arith.select %and3A_64, %add3A_66, %rem3A_53 : vector<128x32xi1>, vector<128x32xi32>
    %eq3A_68 = arith.cmpi eq, %select_n3A_67, %iota3A_46 : vector<128x32xi32>
    %jit3A_69 = arith.constant 2.500000e-01 : f32
    %jit3A_70 = arith.constant 0.000000e+00 : f32
    %broadcast_in_dim3A = vector.broadcast %jit3A_69 : f32 to vector<128x32xf32>
    %broadcast_in_dim3A_71 = vector.broadcast %jit3A_70 : f32 to vector<128x32xf32>
    %select_n3A_72 = arith.select %eq3A_68, %broadcast_in_dim3A, %broadcast_in_dim3A_71 : vector<128x32xi1>, vector<128x32xf32>
    %dot_general3A_73 = arith.constant dense<0.000000e+00> : vector<10000x32xf32>
    %dot_general3A_74 = tpu.matmul %div3A_44, %select_n3A_72, %dot_general3A_73 {dimension_numbers = #tpu.dot_dimension_numbers<[1], [0], [0], [1], [0, 0, 1, 1], [], []>, transpose_lhs_hint = false} : vector<10000x128xf32>, vector<128x32xf32>, vector<10000x32xf32> -> vector<10000x32xf32>
    %add3A_75 = vector.broadcast %get3A_13 : vector<1x32xf32> to vector<10000x32xf32>
    %add3A_76 = arith.addf %dot_general3A_74, %add3A_75 : vector<10000x32xf32>
    %get3A_77 = arith.constant 0 : index
    %get3A_78 = arith.constant 0 : index
    %get3A_79 = vector.load %arg5[%get3A_77, %get3A_78] : memref<32x128xf32, #tpu.memory_space<vmem>>, vector<32x128xf32>
    %dot_general3A_80 = arith.constant dense<0.000000e+00> : vector<10000x128xf32>
    %dot_general3A_81 = tpu.matmul %add3A_76, %get3A_79, %dot_general3A_80 {dimension_numbers = #tpu.dot_dimension_numbers<[1], [0], [0], [1], [0, 0, 1, 1], [], []>, transpose_lhs_hint = false} : vector<10000x32xf32>, vector<32x128xf32>, vector<10000x128xf32> -> vector<10000x128xf32>
    %get3A_82 = arith.constant 0 : index
    %get3A_83 = arith.constant 0 : index
    %get3A_84 = vector.load %arg6[%get3A_82, %get3A_83] : memref<1x128xf32, #tpu.memory_space<vmem>>, vector<1x128xf32>
    %add3A_85 = vector.broadcast %get3A_84 : vector<1x128xf32> to vector<10000x128xf32>
    %add3A_86 = arith.addf %dot_general3A_81, %add3A_85 : vector<10000x128xf32>
    %ge3A = arith.constant 0.000000e+00 : f32
    %ge3A_87 = vector.broadcast %ge3A : f32 to vector<10000x128xf32>
    %ge3A_88 = arith.cmpf oge, %add3A_86, %ge3A_87 : vector<10000x128xf32>
    %mul3A = arith.constant 1.000000e-01 : f32
    %mul3A_89 = vector.broadcast %mul3A : f32 to vector<10000x128xf32>
    %mul3A_90 = arith.mulf %mul3A_89, %add3A_86 : vector<10000x128xf32>
    %select_n3A_91 = arith.select %ge3A_88, %add3A_86, %mul3A_90 : vector<10000x128xi1>, vector<10000x128xf32>
    %swap3A = arith.constant 0 : index
    %swap3A_92 = arith.constant 0 : index
    %swap3A_93 = vector.load %arg7[%swap3A, %swap3A_92] : memref<10000x128xf32, #tpu.memory_space<vmem>>, vector<10000x128xf32>
    tpu.vector_store %arg7[%swap3A, %swap3A_92], %select_n3A_91 {strides = array<i32>} : memref<10000x128xf32, #tpu.memory_space<vmem>>, vector<10000x128xf32>,
    return
  }
}

</mosaic_0001>

<sc_bundles>
// kernel: kernel.11.cloned.1.call-start
scs
__scs_entry_jumppad:
0x0: {  	(pc) =	sbr.rel $0x88, $3  }
0x1: {  	(tag) =	ssettag $0x0;
	lr =	simm.s32 $0x1  }
0x2: {  	[smem:$0x3F88] =	sst lr;
	_ =	strace $0xD0000000  }
0x3: {  	_ = 	snop  }
0x4: {  	_ = 	snop  }
0x5: {  	_ = 	snop  }
0x6: {  	_ = 	snop  }
0x7: {  	_ = 	snop  }
__scs_overlays_trampoline_lowered:
0x8: {  	[smem:$0x3F97] =	sst s0  }
0x9: {  	[smem:$0x3F98] =	sst s1  }
0xa: {  	[smem:$0x3F99] =	sst s2  }
0xb: {  	[smem:$0x3F9A] =	sst s3  }
0xc: {  	[smem:$0x3F9B] =	sst s4  }
0xd: {  	[smem:$0x3F9C] =	sst s5  }
0xe: {  	[smem:$0x3F9D] =	sst s6  }
0xf: {  	[smem:$0x3F9E] =	sst s7  }
0x10: {  	[smem:$0x3F9F] =	sst s8  }
0x11: {  	[smem:$0x3FA0] =	sst s9;
	s0 =	simm.s32 @!p0 $0x0  }
0x12: {  	s1 =	sld [smem:$0x3F86];
	s0 =	simm.s32 @p0 $0x1  }
0x13: {  	[smem:$0x3FA1] =	sst s0;
	s0 =	simm.s32 @!p1 $0x0  }
0x14: {  	s2 =	sld [smem:$0x3F85];
	s0 =	simm.s32 @p1 $0x1  }
0x15: {  	[smem:$0x3FA2] =	sst s0;
	s0 =	simm.s32 @!p2 $0x0  }
0x16: {  	s3 =	sld [smem:$0x3FDB];
	s0 =	simm.s32 @p2 $0x1  }
0x17: {  	s4 =	simm.s32 $0x1BF5;
	[smem:$0x3FA4] =	sst s0  }
0x18: {  	s0 =	sld [smem:$0x3F87];
	_ =	swait.ge [sflag:s4], $0x0  }
0x19: {  	s7 =	sld [smem:$0x3F88]  }
0x1a: {  	s8 =	sadd.s32 $0xFFFFE003, lr  }
0x1b: {  	s9 =	sadd.s32 $0xFFFFFEF7, lr;
	s5 =	simm.s32 $0xFFFFFFFF;
	p2 =	slt.u32 s8, $0xFFFFF086  }
0x1c: {  	p1 =	slt.u32 s9, $0xF7A;
	s5 =	simm.s32 @!p2 $0x0  }
0x1d: {  	s5 =	simm.s32 @p1 $0x1;
	p0 =	seq.s32 s7, s2  }
0x1e: {  	s7 =	smul.u32 @!p0 $0xF7A, s2;
	p2 =	seq.s32 @!p0 s5, $0x0  }
0x1f: {  	s9 =	smul.u32 $0xF7A, s1;
	s8 =	simm.s32 @!p0 $0x1BF5;
	p2 =	por !p2, p0  }
0x20: {  	[sflag:s8] =	ssyncset.s32 @!p0 $0xFFFFF086;
	s6 =	sadd.s32 @!p0 s3, s7;
	s7 =	simm.s32 @!p0 $0x108  }
0x21: {  	s3 =	sadd.s32 s3, s9;
	s6 =	sadd.s32 @!p0 $0x88, s6;
	s7 =	simm.s32 @p2 $0x1082  }
0x22: {  	[simem:s7], [sflag:s8] =	dma.local @!p0 [hbm:s6], $0xF7A  }
0x23: {  	s9 =	sor.u32 $0xD0000000, s2;
	s6 =	simm.s32 $0x108;
	_ =	swait.ge @!p0 [sflag:s8], $0x0  }
0x24: {  	s3 =	sadd.s32 $0x88, s3;
	s6 =	simm.s32 @!p1 $0x1082;
	[sflag:s4] =	ssyncset.s32 $0xFFFFF086  }
0x25: {  	[simem:s6], [sflag:s4] =	dma.local [hbm:s3], $0xF7A  }
0x26: {  	[smem:$0x3F88] =	sst s1;
	(tag) =	ssettag s2;
	_ =	strace s9  }
0x27: {  	s1 =	sld [smem:$0x3F98]  }
0x28: {  	s2 =	sld [smem:$0x3F99]  }
0x29: {  	s4 =	sld [smem:$0x3F9B]  }
0x2a: {  	p0 =	seq.s32 s5, $0x0;
	s5 =	sld [smem:$0x3F9C]  }
0x2b: {  	s6 =	sld [smem:$0x3F9D]  }
0x2c: {  	s7 =	sld [smem:$0x3F9E]  }
0x2d: {  	s3 =	simm.s32 $0x108;
	s8 =	sld [smem:$0x3F9F]  }
0x2e: {  	s3 =	simm.s32 @!p0 $0x1082;
	s9 =	sld [smem:$0x3FA0]  }
0x2f: {  	lr =	sadd.s32 s0, s3;
	s0 =	sld [smem:$0x3F97]  }
0x30: {  	s3 =	sld [smem:$0x3F9A]  }
0x31: {  	[smem:$0x3FA3] =	sst s10  }
0x32: {  	s10 =	sld [smem:$0x3FA1];
	_ =	sdelay $0x3  }
0x33: {  	p0 =	seq.s32 s10, $0x1;
	s10 =	sld [smem:$0x3FA3];
	_ =	sdelay $0x3  }
0x34: {  	[smem:$0x3FA3] =	sst s10  }
0x35: {  	s10 =	sld [smem:$0x3FA2];
	_ =	sdelay $0x3  }
0x36: {  	p1 =	seq.s32 s10, $0x1;
	s10 =	sld [smem:$0x3FA3];
	_ =	sdelay $0x3  }
0x37: {  	[smem:$0x3FA3] =	sst s10  }
0x38: {  	s10 =	sld [smem:$0x3FA4]  }
0x39: {  	_ = 	snop;
	(pc) =	sbr.ind lr, $3  }
0x3a: {  	_ = 	snop  }
0x3b: {  	_ = 	snop  }
0x3c: {  	p2 =	seq.s32 s10, $0x1;
	s10 =	sld [smem:$0x3FA3]  }
0x3d: {  	_ =	shalt  }
0x3e: {  	_ =	shalt  }
0x3f: {  	_ =	shalt  }
0x40: {  	_ =	shalt  }
0x41: {  	_ =	shalt  }
0x42: {  	_ =	shalt  }
0x43: {  	_ =	shalt  }
0x44: {  	_ =	shalt  }
0x45: {  	_ =	shalt  }
0x46: {  	_ =	shalt  }
0x47: {  	_ =	shalt  }
0x48: {  	_ =	shalt  }
0x49: {  	_ =	shalt  }
0x4a: {  	_ =	shalt  }
0x4b: {  	_ =	shalt  }
0x4c: {  	_ =	shalt  }
0x4d: {  	_ =	shalt  }
0x4e: {  	_ =	shalt  }
0x4f: {  	_ =	shalt  }
0x50: {  	_ =	shalt  }
0x51: {  	_ =	shalt  }
0x52: {  	_ =	shalt  }
0x53: {  	_ =	shalt  }
0x54: {  	_ =	shalt  }
0x55: {  	_ =	shalt  }
0x56: {  	_ =	shalt  }
0x57: {  	_ =	shalt  }
0x58: {  	_ =	shalt  }
0x59: {  	_ =	shalt  }
0x5a: {  	_ =	shalt  }
0x5b: {  	_ =	shalt  }
0x5c: {  	_ =	shalt  }
0x5d: {  	_ =	shalt  }
0x5e: {  	_ =	shalt  }
0x5f: {  	_ =	shalt  }
0x60: {  	_ =	shalt  }
0x61: {  	_ =	shalt  }
0x62: {  	_ =	shalt  }
0x63: {  	_ =	shalt  }
0x64: {  	_ =	shalt  }
0x65: {  	_ =	shalt  }
0x66: {  	_ =	shalt  }
0x67: {  	_ =	shalt  }
0x68: {  	_ =	shalt  }
0x69: {  	_ =	shalt  }
0x6a: {  	_ =	shalt  }
0x6b: {  	_ =	shalt  }
0x6c: {  	_ =	shalt  }
0x6d: {  	_ =	shalt  }
0x6e: {  	_ =	shalt  }
0x6f: {  	_ =	shalt  }
0x70: {  	_ =	shalt  }
0x71: {  	_ =	shalt  }
0x72: {  	_ =	shalt  }
0x73: {  	_ =	shalt  }
0x74: {  	_ =	shalt  }
0x75: {  	_ =	shalt  }
0x76: {  	_ =	shalt  }
0x77: {  	_ =	shalt  }
0x78: {  	_ =	shalt  }
0x79: {  	_ =	shalt  }
0x7a: {  	_ =	shalt  }
0x7b: {  	_ =	shalt  }
0x7c: {  	_ =	shalt  }
0x7d: {  	_ =	shalt  }
0x7e: {  	_ =	shalt  }
0x7f: {  	_ =	shalt  }
0x80: {  	_ =	shalt  }
0x81: {  	_ =	shalt  }
0x82: {  	_ =	shalt  }
0x83: {  	_ =	shalt  }
0x84: {  	_ =	shalt  }
0x85: {  	_ =	shalt  }
0x86: {  	_ =	shalt  }
0x87: {  	_ =	shalt  }
.Lfunc_end0:
.L_simem_size_0:
called_computation_lowered:
.L_overlay_start_0:
0x88: {  	s2 =	sld [smem:$0x3FD9]  }
0x89: {  	s3 =	sld [smem:$0x3FFE];
	_ =	sdelay $0x1  }
0x8a: {  	s1 =	srdreg.scid  }
0x8b: {  	s0 =	sand.u32 $0x1, s1  }
0x8c: {  	s17 =	sshll.u32 s0, $0xA;
	s2 =	sadd.s32 s3, s2  }
0x8d: {  	s2 =	sadd.s32 s2, s17  }
0x8e: {  	[smem:$0x3FAF] =	sst s2  }
0x8f: {  	_ = 	snop  }
0x90: {  	s2 =	sld [smem:$0x3FD0];
	(tm) =	ssettm $0x1  }
0x91: {  	s18 =	sld [smem:$0x3FFB];
	_ =	sdelay $0x3  }
0x92: {  	_ =	strace s18  }
0x93: {  	s3 =	sld [smem:$0x3FFC];
	_ =	sdelay $0x3  }
0x94: {  	_ =	strace s3  }
0x95: {  	s3 =	sld [smem:$0x3FFD];
	_ =	sdelay $0x3  }
0x96: {  	_ =	strace s3  }
0x97: {  	_ =	strace $0x8FFFFFFF  }
0x98: {  	s19 =	sld [smem:$0x3FDB];
	_ =	sdelay $0x1  }
0x99: {  	s4 =	simm.s32 $_scs_section_size  }
0x9a: {  	s5 =	simm.s32 $_size__tile_overlayer_lowered;
	s6 =	simm.s32 $_tile_overlayer_lowered  }
0x9b: {  	s22 =	simm.s32 $0x1BFF;
	s21 =	sshll.u32 s6, $0x1;
	s3 =	sadd.s32 s4, s19  }
0x9c: {  	s7 =	simm.s32 $0x0;
	s20 =	sshll.u32 s5, $0x1;
	s5 =	sadd.s32 s21, s3  }
0x9d: {  	[timem:s7], [sflag:s22] =	dma.local [hbm:s5], s20  }
0x9e: {  	_ =	swait.ge [sflag:s22], s20  }
0x9f: {  	s4 =	ssub.s32 $0x0, s20;
	[sflag:s22] =	ssyncset.done $0x0  }
0xa0: {  	[sflag:s22] =	ssyncadd.s32 s4;
	_ =	sdelay $0x1  }
0xa1: {  	s23 =	simm.s32 $0x1B8B  }
0xa2: {  	_ =	swait.ge [sflag:s23], $0x1  }
0xa3: {  	[sflag:s23] =	ssyncset.done $0x0  }
0xa4: {  	s25 =	simm.s32 $0x1B8E;
	s24 =	sld [smem:$0x3FFE];
	[sflag:s23] =	ssyncadd.s32 $0xFFFFFFFF  }
0xa5: {  	s26 =	simm.s32 $execute0_lowered;
	[smem:$0x3FD2] =	sst s25  }
0xa6: {  	s5 =	sshll.u32 s26, $0x1;
	_ =	strace $0x80000046;
	[dreg:$0x1] =	wrdreg $0xFFFFFFFF  }
0xa7: {  	s28 =	simm.s32 $_size_execute0_lowered;
	s3 =	sadd.s32 s3, s5;
	[dreg:$0x0] =	wrdreg $0x0  }
0xa8: {  	s5 =	sshll.u32 s28, $0x1;
	[dreg:$0x2] =	wrdreg s3  }
0xa9: {  	[dreg:$0x3] =	wrdreg s5  }
0xaa: {  	[dreg:$0x4] =	wrdreg $0xC0  }
0xab: {  	_ =	task [dreg:s7], $0x5FFFF  }
0xac: {  	[dreg:$0x1] =	wrdreg $0xFFFFFFFF  }
0xad: {  	[dreg:$0x0] =	wrdreg $0x60  }
0xae: {  	[dreg:$0x2] =	wrdreg s2  }
0xaf: {  	[dreg:$0x3] =	wrdreg s24  }
0xb0: {  	[dreg:$0x4] =	wrdreg $0x9  }
0xb1: {  	_ =	task.clear_ibuf [dreg:s7], $0x5FFFF;
	_ =	strace $0x90000046  }
0xb2: {  	s29 =	simm.s32 $0x9;
	_ =	strace $0x80000048  }
0xb3: {  	_ =	swait.ge [sflag:s29], $0x1  }
0xb4: {  	[sflag:s29] =	ssyncadd.s32 $0xFFFFFFFF  }
0xb5: {  	_ =	strace $0x90000048  }
0xb6: {  	_ =	sfence  }
0xb7: {  	s30 =	sld [smem:$0x0];
	_ =	sdelay $0x2  }
0xb8: {  	s31 =	sshll.u32 s1, $0xD;
	s1 =	sshrl.u32 s1, $0x2  }
0xb9: {  	s3 =	sand.u32 $0x4000, s31;
	s1 =	sadd.s32 s1, s30  }
0xba: {  	s0 =	sor.u32 s3, s0;
	s1 =	sshll.u32 s1, $0x11  }
0xbb: {  	s0 =	sor.u32 s1, s0  }
0xbc: {  	s0 =	sadd.s32 $0x8F2B, s0  }
0xbd: {  	[sflag:s0] =	ssyncadd.remote.s32 $0x1  }
0xbe: {  	_ =	sfence.sel $0xFFFF  }
0xbf: {  	[dreg:$0x0] =	wrdreg $0xFFFFFFFF;
	(pc) =	sbr.abs _section_cstart, $3  }
0xc0: {  	[dreg:$0x1] =	wrdreg $0xFFFFFFFF  }
0xc1: {  	_ =	task.clear_ibuf [dreg:s7], $0x2FFFF;
	_ =	strace $0x9FFFFFFF  }
0xc2: {  	(tm) =	ssettm $0x7FFFFFFF  }
0xc3: {  	_ =	shalt  }
tec
execute0_lowered:
.L_overlay_start_1:
0x0: {  	(tag) =	ssettag $0x1  }
0x1: {  	s0 =	srdreg.scid;
	s2 =	rddreg [dreg:$0x0]  }
0x2: {  	s16 =	stileid.u32;
	s5 =	rddreg [dreg:$0x1]  }
0x3: {  	s3 =	simm.s32 $0x0;
	s17 =	simm.s32 $0x2800;
	s18 =	simm.s32 $0x80  }
0x4: {  	s19 =	simm.s32 $0x5000;
	s20 =	simm.s32 $0xD000;
	s21 =	simm.s32 $0x9000  }
0x5: {  	s28 =	simm.s32 $0x4;
	s29 =	simm.s32 $0x0;
	s9 =	smul.u32 $0xA0, s16  }
0x6: {  	s0 =	sand.u32 $0x1, s0;
	s1 =	sshll.u32 s16, $0x1;
	s16 =	smul.u32 $0x50000, s16  }
0x7: {  	[smem:$0x7FF] =	sst s3;
	s4 =	sadd.s32 $0x27400, s5;
	s10 =	smul.u32 $0x50, s0  }
0x8: {  	s1 =	sor.u32 s0, s1;
	s7 =	ssub.s32 $0x2, s0;
	s0 =	smul.u32 $0x28000, s0  }
0x9: {  	s14 =	sadd.s32 $0x4E600, s5;
	s15 =	sadd.s32 $0x54E600, s5;
	s6 =	smul.u32 $0x500, s1  }
0xa: {  	_ =	strace $0x80000047;
	s1 =	smul.u32 $0x28000, s1;
	s23 =	sshrl.u32 s7, $0x1  }
0xb: {  	s30 =	sadd.s32 s16, s15;
	s31 =	sadd.s32 s16, s14;
	s16 =	simm.s32 $0x5  }
0xc: {  	s7 =	ssub.s32 s7, s23;
	s12 =	sadd.s32 s10, s9;
	s23 =	simm.s32 $0x11000  }
0xd: {  	s6 =	sadd.s32 s6, s5;
	s7 =	smax.u32 s7, $0x1;
	s11 =	sadd.s32 $0x27000, s1  }
0xe: {  	s1 =	sadd.s32 $0x27800, s1;
	s13 =	sshll.u32 s12, $0xB;
	s24 =	sadd.s32 $0x1D400, s6  }
0xf: {  	s6 =	sadd.s32 $0x13400, s6;
	s8 =	sadd.s32 s14, s11;
	s9 =	sadd.s32 s15, s11  }
0x10: {  	s10 =	sadd.s32 s14, s1;
	s11 =	sadd.s32 s15, s1;
	s25 =	sadd.s32 s13, s14  }
0x11: {  	s26 =	sadd.s32 s13, s15;
	s14 =	sadd.s32 s0, s30;
	s15 =	sadd.s32 s0, s31  }
0x12: {  	[dreg:$0x3] =	wrdreg s24;
	s12 =	sadd.s32 $0x800, s25;
	s13 =	sadd.s32 $0x800, s26  }
0x13: {  	s24 =	simm.s32 $0x1;
	s25 =	simm.s32 $0x3;
	s26 =	simm.s32 $0x2  }
.LBB2_1:
0x14: {  	s0 =	rddreg [dreg:$0x3]  }
0x15: {  	[tilespmem:s3], [sflag:$0x5] =	stream.linear.gather [hbm4b:s0+s3], $0x2800, $0x38;
	[tilespmem:$0x15000] =	vst v63  }
0x16: {  	_ =	swait.ge [sflag:s16], $0x2800  }
0x17: {  	[sflag:s16] =	ssyncset.done $0x0  }
0x18: {  	[sflag:s16] =	ssyncadd.s32 $0xFFFFD800  }
0x19: {  	[tilespmem:s17], [sflag:$0x5] =	stream.linear.gather [hbm4b:s6+s3], $0x2800, $0x38;
	[tilespmem:$0x15000] =	vst v63  }
0x1a: {  	_ =	swait.ge [sflag:s16], $0x2800  }
0x1b: {  	[sflag:s16] =	ssyncset.done $0x0  }
0x1c: {  	[sflag:s16] =	ssyncadd.s32 $0xFFFFD800  }
0x1d: {  	[tilespmem:s19], [sflag:$0x1] =	stream.indirect.gather [hbm4b:s2+s18], $0x80, s3, s18, $0xb8;
	[tilespmem:$0x15000] =	vst v63  }
0x1e: {  	_ = 	snop  }
0x1f: {  	[tilespmem:s20], [sflag:$0x3] =	stream.indirect.gather [hbm4b:s4+s18], $0x80, s17, s18, $0xb8;
	[tilespmem:$0x15000] =	vst v63  }
0x20: {  	_ = 	snop  }
0x21: {  	[tilespmem:s21], [sflag:$0x2] =	stream.indirect.gather [hbm4b:s2+s18], $0x80, s18, s18, $0xb8;
	[tilespmem:$0x15000] =	vst v63  }
0x22: {  	s5 =	simm.s32 $0x2880  }
0x23: {  	[tilespmem:s23], [sflag:$0x4] =	stream.indirect.gather [hbm4b:s4+s18], $0x80, s5, s18, $0xb8;
	[tilespmem:$0x15000] =	vst v63  }
0x24: {  	_ =	swait.ge [sflag:s24], $0x4000  }
0x25: {  	[sflag:s24] =	ssyncset.done $0x0  }
0x26: {  	s22 =	sadd.s32 $0x0, s15;
	[sflag:s24] =	ssyncadd.s32 $0xFFFFC000  }
0x27: {  	[hbm4b:s22+s3] =	stream.linear.scatter [tilespmem:s19], [sflag:$0x5], $0x4000, $0x38;
	[tilespmem:$0x15000] =	vst v63  }
0x28: {  	_ =	swait.ge [sflag:s16], $0x4000  }
0x29: {  	[sflag:s16] =	ssyncset.done $0x0  }
0x2a: {  	[sflag:s16] =	ssyncadd.s32 $0xFFFFC000  }
0x2b: {  	_ =	swait.ge [sflag:s25], $0x4000  }
0x2c: {  	[sflag:s25] =	ssyncset.done $0x0  }
0x2d: {  	s1 =	sadd.s32 $0x0, s14;
	[sflag:s25] =	ssyncadd.s32 $0xFFFFC000  }
0x2e: {  	[hbm4b:s1+s3] =	stream.linear.scatter [tilespmem:s20], [sflag:$0x5], $0x4000, $0x38;
	[tilespmem:$0x15000] =	vst v63  }
0x2f: {  	_ =	swait.ge [sflag:s16], $0x4000  }
0x30: {  	[sflag:s16] =	ssyncset.done $0x0  }
0x31: {  	s5 =	simm.s32 $0x100;
	[sflag:s16] =	ssyncadd.s32 $0xFFFFC000  }
0x32: {  	[tilespmem:s19], [sflag:$0x1] =	stream.indirect.gather [hbm4b:s2+s18], $0x80, s5, s18, $0xb8;
	[tilespmem:$0x15000] =	vst v63  }
0x33: {  	s22 =	simm.s32 $0x2900  }
0x34: {  	[tilespmem:s20], [sflag:$0x3] =	stream.indirect.gather [hbm4b:s4+s18], $0x80, s22, s18, $0xb8;
	[tilespmem:$0x15000] =	vst v63  }
0x35: {  	_ =	swait.ge [sflag:s26], $0x4000  }
0x36: {  	[sflag:s26] =	ssyncset.done $0x0  }
0x37: {  	s1 =	sadd.s32 $0x0, s12;
	[sflag:s26] =	ssyncadd.s32 $0xFFFFC000  }
0x38: {  	[hbm4b:s1+s3] =	stream.linear.scatter [tilespmem:s21], [sflag:$0x5], $0x4000, $0x38;
	[tilespmem:$0x15000] =	vst v63  }
0x39: {  	_ =	swait.ge [sflag:s16], $0x4000  }
0x3a: {  	[sflag:s16] =	ssyncset.done $0x0  }
0x3b: {  	[sflag:s16] =	ssyncadd.s32 $0xFFFFC000  }
0x3c: {  	_ =	swait.ge [sflag:s28], $0x4000  }
0x3d: {  	[sflag:s28] =	ssyncset.done $0x0  }
0x3e: {  	s5 =	sadd.s32 $0x0, s13;
	[sflag:s28] =	ssyncadd.s32 $0xFFFFC000  }
0x3f: {  	[hbm4b:s5+s3] =	stream.linear.scatter [tilespmem:s23], [sflag:$0x5], $0x4000, $0x38;
	[tilespmem:$0x15000] =	vst v63  }
0x40: {  	s30 =	simm.s32 $0x2980;
	_ =	swait.ge [sflag:s16], $0x4000  }
0x41: {  	s31 =	simm.s32 $0x1000;
	s0 =	simm.s32 $0x280;
	[sflag:s16] =	ssyncset.done $0x0  }
0x42: {  	s22 =	simm.s32 $0x180;
	s1 =	simm.s32 $0x2A80;
	[sflag:s16] =	ssyncadd.s32 $0xFFFFC000  }
0x43: {  	[tilespmem:s21], [sflag:$0x2] =	stream.indirect.gather [hbm4b:s2+s18], $0x80, s22, s18, $0xb8;
	[tilespmem:$0x15000] =	vst v63  }
.LBB2_2:
0x44: {  	[tilespmem:s23], [sflag:$0x4] =	stream.indirect.gather [hbm4b:s4+s18], $0x80, s30, s18, $0xb8;
	[tilespmem:$0x15000] =	vst v63  }
0x45: {  	s22 =	smov.u32 s31;
	s30 =	smov.u32 s1  }
0x46: {  	p0 =	sne.s32 s31, $0x26000;
	s31 =	sadd.s32 $0x1000, s31;
	_ =	swait.ge [sflag:s24], $0x4000  }
0x47: {  	[sflag:s24] =	ssyncset.done $0x0  }
0x48: {  	s5 =	sadd.s32 s22, s15;
	[sflag:s24] =	ssyncadd.s32 $0xFFFFC000  }
0x49: {  	[hbm4b:s5+s3] =	stream.linear.scatter [tilespmem:s19], [sflag:$0x5], $0x4000, $0x38;
	[tilespmem:$0x15000] =	vst v63  }
0x4a: {  	_ =	swait.ge [sflag:s16], $0x4000  }
0x4b: {  	[sflag:s16] =	ssyncset.done $0x0  }
0x4c: {  	[sflag:s16] =	ssyncadd.s32 $0xFFFFC000  }
0x4d: {  	_ =	swait.ge [sflag:s25], $0x4000  }
0x4e: {  	[sflag:s25] =	ssyncset.done $0x0  }
0x4f: {  	s5 =	sadd.s32 s22, s14;
	[sflag:s25] =	ssyncadd.s32 $0xFFFFC000  }
0x50: {  	[hbm4b:s5+s3] =	stream.linear.scatter [tilespmem:s20], [sflag:$0x5], $0x4000, $0x38;
	[tilespmem:$0x15000] =	vst v63  }
0x51: {  	_ =	swait.ge [sflag:s16], $0x4000  }
0x52: {  	[sflag:s16] =	ssyncset.done $0x0  }
0x53: {  	s5 =	sadd.s32 $0xFFFFFF80, s0;
	[sflag:s16] =	ssyncadd.s32 $0xFFFFC000  }
0x54: {  	[tilespmem:s19], [sflag:$0x1] =	stream.indirect.gather [hbm4b:s2+s18], $0x80, s5, s18, $0xb8;
	[tilespmem:$0x15000] =	vst v63  }
0x55: {  	s5 =	sadd.s32 $0xFFFFFF80, s1  }
0x56: {  	[tilespmem:s20], [sflag:$0x3] =	stream.indirect.gather [hbm4b:s4+s18], $0x80, s5, s18, $0xb8;
	[tilespmem:$0x15000] =	vst v63  }
0x57: {  	_ =	swait.ge [sflag:s26], $0x4000  }
0x58: {  	[sflag:s26] =	ssyncset.done $0x0  }
0x59: {  	s5 =	sadd.s32 s22, s12;
	[sflag:s26] =	ssyncadd.s32 $0xFFFFC000  }
0x5a: {  	[hbm4b:s5+s3] =	stream.linear.scatter [tilespmem:s21], [sflag:$0x5], $0x4000, $0x38;
	[tilespmem:$0x15000] =	vst v63  }
0x5b: {  	_ =	swait.ge [sflag:s16], $0x4000  }
0x5c: {  	[sflag:s16] =	ssyncset.done $0x0  }
0x5d: {  	[sflag:s16] =	ssyncadd.s32 $0xFFFFC000  }
0x5e: {  	_ =	swait.ge [sflag:s28], $0x4000  }
0x5f: {  	[sflag:s28] =	ssyncset.done $0x0  }
0x60: {  	s5 =	sadd.s32 s22, s13;
	[sflag:s28] =	ssyncadd.s32 $0xFFFFC000  }
0x61: {  	[hbm4b:s5+s3] =	stream.linear.scatter [tilespmem:s23], [sflag:$0x5], $0x4000, $0x38;
	[tilespmem:$0x15000] =	vst v63  }
.Ltmp0:
0x62: {  	_ =	swait.ge [sflag:s16], $0x4000;
	(pc) =	sbr.rel @p0 .LBB2_2-.Ltmp0, $4  }
0x63: {  	[sflag:s16] =	ssyncset.done $0x0  }
0x64: {  	[sflag:s16] =	ssyncadd.s32 $0xFFFFC000  }
0x65: {  	[tilespmem:s21], [sflag:$0x2] =	stream.indirect.gather [hbm4b:s2+s18], $0x80, s0, s18, $0xb8;
	[tilespmem:$0x15000] =	vst v63  }
0x66: {  	s1 =	sadd.s32 $0x100, s1;
	s0 =	sadd.s32 $0x100, s0  }
0x67: {  	[tilespmem:s23], [sflag:$0x4] =	stream.indirect.gather [hbm4b:s4+s18], $0x80, s30, s18, $0xb8;
	[tilespmem:$0x15000] =	vst v63  }
0x68: {  	_ =	swait.ge [sflag:s24], $0x4000  }
0x69: {  	[sflag:s24] =	ssyncset.done $0x0  }
0x6a: {  	[sflag:s24] =	ssyncadd.s32 $0xFFFFC000  }
0x6b: {  	[hbm4b:s8+s3] =	stream.linear.scatter [tilespmem:s19], [sflag:$0x5], $0x4000, $0x38;
	[tilespmem:$0x15000] =	vst v63  }
0x6c: {  	_ =	swait.ge [sflag:s16], $0x4000  }
0x6d: {  	[sflag:s16] =	ssyncset.done $0x0  }
0x6e: {  	[sflag:s16] =	ssyncadd.s32 $0xFFFFC000  }
0x6f: {  	_ =	swait.ge [sflag:s25], $0x4000  }
0x70: {  	[sflag:s25] =	ssyncset.done $0x0  }
0x71: {  	[sflag:s25] =	ssyncadd.s32 $0xFFFFC000  }
0x72: {  	[hbm4b:s9+s3] =	stream.linear.scatter [tilespmem:s20], [sflag:$0x5], $0x4000, $0x38;
	[tilespmem:$0x15000] =	vst v63  }
0x73: {  	_ =	swait.ge [sflag:s16], $0x4000  }
0x74: {  	[sflag:s16] =	ssyncset.done $0x0  }
0x75: {  	[sflag:s16] =	ssyncadd.s32 $0xFFFFC000  }
0x76: {  	_ =	swait.ge [sflag:s26], $0x4000  }
0x77: {  	[sflag:s26] =	ssyncset.done $0x0  }
0x78: {  	[sflag:s26] =	ssyncadd.s32 $0xFFFFC000  }
0x79: {  	[hbm4b:s10+s3] =	stream.linear.scatter [tilespmem:s21], [sflag:$0x5], $0x4000, $0x38;
	[tilespmem:$0x15000] =	vst v63  }
0x7a: {  	_ =	swait.ge [sflag:s16], $0x4000  }
0x7b: {  	[sflag:s16] =	ssyncset.done $0x0  }
0x7c: {  	[sflag:s16] =	ssyncadd.s32 $0xFFFFC000  }
0x7d: {  	s29 =	sadd.s32 $0x1, s29;
	_ =	swait.ge [sflag:s28], $0x4000  }
0x7e: {  	p0 =	sne.s32 s29, s7;
	[sflag:s28] =	ssyncset.done $0x0  }
.Ltmp1:
0x7f: {  	[sflag:s28] =	ssyncadd.s32 $0xFFFFC000;
	(pc) =	sbr.rel @p0 .LBB2_1-.Ltmp1, $4  }
0x80: {  	[hbm4b:s11+s3] =	stream.linear.scatter [tilespmem:s23], [sflag:$0x5], $0x4000, $0x38;
	[tilespmem:$0x15000] =	vst v63  }
0x81: {  	_ =	swait.ge [sflag:s16], $0x4000  }
0x82: {  	[sflag:s16] =	ssyncset.done $0x0  }
0x83: {  	[sflag:s16] =	ssyncadd.s32 $0xFFFFC000  }
0x84: {  	_ =	sfence.sel $0x180000  }
0x85: {  	[bflag:$0x0] =	sbarrier.arrive $0xFFFF  }
0x86: {  	_ =	strace $0x90000047  }
0x87: {  	s0 =	stileid.u32;
	[bflag:$0x2] =	sbarrier.arrive $0xFFFF  }
0x88: {  	p0 =	sne.s32 s0, $0x0;
	s0 =	rddreg [dreg:$0x2]  }
0x89: {  	s0 =	sadd.s32 @!p0 $0x100000, s0  }
0x8a: {  	[sflag:s0] =	ssyncadd.tile.s32 @!p0 $0x1;
	_ =	shalt  }
.Lfunc_end2:
_tile_overlayer_lowered:
.L_overlay_start_2:
0x8b: {  	(tag) =	ssettag $0x2  }
0x8c: {  	s0 =	rddreg [dreg:$0x0];
	s2 =	stileid.u32  }
0x8d: {  	s1 =	rddreg [dreg:$0x1];
	p0 =	sne.s32 s2, $0x0  }
0x8e: {  	s3 =	rddreg [dreg:$0x2];
	[bflag:$0x3] =	sbarrier.arrive $0xFFFF;
	s2 =	simm.s32 @!p0 $0x1C05  }
0x8f: {  	[timem:s3], [sflag:s2] =	dma.local @!p0 [hbm:s0], s1  }
0x90: {  	s0 =	simm.s32 @!p0 $0x5  }
0x91: {  	_ =	swait.ge @!p0 [sflag:s0], s1  }
0x92: {  	s1 =	ssub.s32 @!p0 $0x0, s1;
	[sflag:s0] =	ssyncset.done @!p0 $0x0  }
0x93: {  	[sflag:s0] =	ssyncadd.s32 @!p0 s1  }
0x94: {  	[bflag:$0x3] =	sbarrier.arrive $0xFFFF  }
0x95: {  	_ =	shalt  }

// kernel: kernel.14.cloned.1.call-start
scs
__scs_entry_jumppad:
0x0: {  	(pc) =	sbr.rel $0x88, $3  }
0x1: {  	(tag) =	ssettag $0x0;
	lr =	simm.s32 $0x1  }
0x2: {  	[smem:$0x3F88] =	sst lr;
	_ =	strace $0xD0000000  }
0x3: {  	_ = 	snop  }
0x4: {  	_ = 	snop  }
0x5: {  	_ = 	snop  }
0x6: {  	_ = 	snop  }
0x7: {  	_ = 	snop  }
__scs_overlays_trampoline_lowered:
0x8: {  	[smem:$0x3F97] =	sst s0  }
0x9: {  	[smem:$0x3F98] =	sst s1  }
0xa: {  	[smem:$0x3F99] =	sst s2  }
0xb: {  	[smem:$0x3F9A] =	sst s3  }
0xc: {  	[smem:$0x3F9B] =	sst s4  }
0xd: {  	[smem:$0x3F9C] =	sst s5  }
0xe: {  	[smem:$0x3F9D] =	sst s6  }
0xf: {  	[smem:$0x3F9E] =	sst s7  }
0x10: {  	[smem:$0x3F9F] =	sst s8  }
0x11: {  	[smem:$0x3FA0] =	sst s9;
	s0 =	simm.s32 @!p0 $0x0  }
0x12: {  	s1 =	sld [smem:$0x3F86];
	s0 =	simm.s32 @p0 $0x1  }
0x13: {  	[smem:$0x3FA1] =	sst s0;
	s0 =	simm.s32 @!p1 $0x0  }
0x14: {  	s2 =	sld [smem:$0x3F85];
	s0 =	simm.s32 @p1 $0x1  }
0x15: {  	[smem:$0x3FA2] =	sst s0;
	s0 =	simm.s32 @!p2 $0x0  }
0x16: {  	s3 =	sld [smem:$0x3FDB];
	s0 =	simm.s32 @p2 $0x1  }
0x17: {  	s4 =	simm.s32 $0x1BF5;
	[smem:$0x3FA4] =	sst s0  }
0x18: {  	s0 =	sld [smem:$0x3F87];
	_ =	swait.ge [sflag:s4], $0x0  }
0x19: {  	s7 =	sld [smem:$0x3F88]  }
0x1a: {  	s8 =	sadd.s32 $0xFFFFE003, lr  }
0x1b: {  	s9 =	sadd.s32 $0xFFFFFEF7, lr;
	s5 =	simm.s32 $0xFFFFFFFF;
	p2 =	slt.u32 s8, $0xFFFFF086  }
0x1c: {  	p1 =	slt.u32 s9, $0xF7A;
	s5 =	simm.s32 @!p2 $0x0  }
0x1d: {  	s5 =	simm.s32 @p1 $0x1;
	p0 =	seq.s32 s7, s2  }
0x1e: {  	s7 =	smul.u32 @!p0 $0xF7A, s2;
	p2 =	seq.s32 @!p0 s5, $0x0  }
0x1f: {  	s9 =	smul.u32 $0xF7A, s1;
	s8 =	simm.s32 @!p0 $0x1BF5;
	p2 =	por !p2, p0  }
0x20: {  	[sflag:s8] =	ssyncset.s32 @!p0 $0xFFFFF086;
	s6 =	sadd.s32 @!p0 s3, s7;
	s7 =	simm.s32 @!p0 $0x108  }
0x21: {  	s3 =	sadd.s32 s3, s9;
	s6 =	sadd.s32 @!p0 $0x88, s6;
	s7 =	simm.s32 @p2 $0x1082  }
0x22: {  	[simem:s7], [sflag:s8] =	dma.local @!p0 [hbm:s6], $0xF7A  }
0x23: {  	s9 =	sor.u32 $0xD0000000, s2;
	s6 =	simm.s32 $0x108;
	_ =	swait.ge @!p0 [sflag:s8], $0x0  }
0x24: {  	s3 =	sadd.s32 $0x88, s3;
	s6 =	simm.s32 @!p1 $0x1082;
	[sflag:s4] =	ssyncset.s32 $0xFFFFF086  }
0x25: {  	[simem:s6], [sflag:s4] =	dma.local [hbm:s3], $0xF7A  }
0x26: {  	[smem:$0x3F88] =	sst s1;
	(tag) =	ssettag s2;
	_ =	strace s9  }
0x27: {  	s1 =	sld [smem:$0x3F98]  }
0x28: {  	s2 =	sld [smem:$0x3F99]  }
0x29: {  	s4 =	sld [smem:$0x3F9B]  }
0x2a: {  	p0 =	seq.s32 s5, $0x0;
	s5 =	sld [smem:$0x3F9C]  }
0x2b: {  	s6 =	sld [smem:$0x3F9D]  }
0x2c: {  	s7 =	sld [smem:$0x3F9E]  }
0x2d: {  	s3 =	simm.s32 $0x108;
	s8 =	sld [smem:$0x3F9F]  }
0x2e: {  	s3 =	simm.s32 @!p0 $0x1082;
	s9 =	sld [smem:$0x3FA0]  }
0x2f: {  	lr =	sadd.s32 s0, s3;
	s0 =	sld [smem:$0x3F97]  }
0x30: {  	s3 =	sld [smem:$0x3F9A]  }
0x31: {  	[smem:$0x3FA3] =	sst s10  }
0x32: {  	s10 =	sld [smem:$0x3FA1];
	_ =	sdelay $0x3  }
0x33: {  	p0 =	seq.s32 s10, $0x1;
	s10 =	sld [smem:$0x3FA3];
	_ =	sdelay $0x3  }
0x34: {  	[smem:$0x3FA3] =	sst s10  }
0x35: {  	s10 =	sld [smem:$0x3FA2];
	_ =	sdelay $0x3  }
0x36: {  	p1 =	seq.s32 s10, $0x1;
	s10 =	sld [smem:$0x3FA3];
	_ =	sdelay $0x3  }
0x37: {  	[smem:$0x3FA3] =	sst s10  }
0x38: {  	s10 =	sld [smem:$0x3FA4]  }
0x39: {  	_ = 	snop;
	(pc) =	sbr.ind lr, $3  }
0x3a: {  	_ = 	snop  }
0x3b: {  	_ = 	snop  }
0x3c: {  	p2 =	seq.s32 s10, $0x1;
	s10 =	sld [smem:$0x3FA3]  }
0x3d: {  	_ =	shalt  }
0x3e: {  	_ =	shalt  }
0x3f: {  	_ =	shalt  }
0x40: {  	_ =	shalt  }
0x41: {  	_ =	shalt  }
0x42: {  	_ =	shalt  }
0x43: {  	_ =	shalt  }
0x44: {  	_ =	shalt  }
0x45: {  	_ =	shalt  }
0x46: {  	_ =	shalt  }
0x47: {  	_ =	shalt  }
0x48: {  	_ =	shalt  }
0x49: {  	_ =	shalt  }
0x4a: {  	_ =	shalt  }
0x4b: {  	_ =	shalt  }
0x4c: {  	_ =	shalt  }
0x4d: {  	_ =	shalt  }
0x4e: {  	_ =	shalt  }
0x4f: {  	_ =	shalt  }
0x50: {  	_ =	shalt  }
0x51: {  	_ =	shalt  }
0x52: {  	_ =	shalt  }
0x53: {  	_ =	shalt  }
0x54: {  	_ =	shalt  }
0x55: {  	_ =	shalt  }
0x56: {  	_ =	shalt  }
0x57: {  	_ =	shalt  }
0x58: {  	_ =	shalt  }
0x59: {  	_ =	shalt  }
0x5a: {  	_ =	shalt  }
0x5b: {  	_ =	shalt  }
0x5c: {  	_ =	shalt  }
0x5d: {  	_ =	shalt  }
0x5e: {  	_ =	shalt  }
0x5f: {  	_ =	shalt  }
0x60: {  	_ =	shalt  }
0x61: {  	_ =	shalt  }
0x62: {  	_ =	shalt  }
0x63: {  	_ =	shalt  }
0x64: {  	_ =	shalt  }
0x65: {  	_ =	shalt  }
0x66: {  	_ =	shalt  }
0x67: {  	_ =	shalt  }
0x68: {  	_ =	shalt  }
0x69: {  	_ =	shalt  }
0x6a: {  	_ =	shalt  }
0x6b: {  	_ =	shalt  }
0x6c: {  	_ =	shalt  }
0x6d: {  	_ =	shalt  }
0x6e: {  	_ =	shalt  }
0x6f: {  	_ =	shalt  }
0x70: {  	_ =	shalt  }
0x71: {  	_ =	shalt  }
0x72: {  	_ =	shalt  }
0x73: {  	_ =	shalt  }
0x74: {  	_ =	shalt  }
0x75: {  	_ =	shalt  }
0x76: {  	_ =	shalt  }
0x77: {  	_ =	shalt  }
0x78: {  	_ =	shalt  }
0x79: {  	_ =	shalt  }
0x7a: {  	_ =	shalt  }
0x7b: {  	_ =	shalt  }
0x7c: {  	_ =	shalt  }
0x7d: {  	_ =	shalt  }
0x7e: {  	_ =	shalt  }
0x7f: {  	_ =	shalt  }
0x80: {  	_ =	shalt  }
0x81: {  	_ =	shalt  }
0x82: {  	_ =	shalt  }
0x83: {  	_ =	shalt  }
0x84: {  	_ =	shalt  }
0x85: {  	_ =	shalt  }
0x86: {  	_ =	shalt  }
0x87: {  	_ =	shalt  }
.Lfunc_end0:
.L_simem_size_0:
called_computation.1_lowered:
.L_overlay_start_0:
0x88: {  	s2 =	sld [smem:$0x3FD9]  }
0x89: {  	s3 =	sld [smem:$0x3FFE];
	_ =	sdelay $0x1  }
0x8a: {  	s1 =	srdreg.scid  }
0x8b: {  	s0 =	sand.u32 $0x1, s1  }
0x8c: {  	s17 =	sshll.u32 s0, $0xA;
	s2 =	sadd.s32 s3, s2  }
0x8d: {  	s2 =	sadd.s32 s2, s17  }
0x8e: {  	[smem:$0x3FAF] =	sst s2  }
0x8f: {  	_ = 	snop  }
0x90: {  	s2 =	sld [smem:$0x3FD0];
	(tm) =	ssettm $0x1  }
0x91: {  	s18 =	sld [smem:$0x3FFB];
	_ =	sdelay $0x3  }
0x92: {  	_ =	strace s18  }
0x93: {  	s3 =	sld [smem:$0x3FFC];
	_ =	sdelay $0x3  }
0x94: {  	_ =	strace s3  }
0x95: {  	s3 =	sld [smem:$0x3FFD];
	_ =	sdelay $0x3  }
0x96: {  	_ =	strace s3  }
0x97: {  	_ =	strace $0x8FFFFFFF  }
0x98: {  	s19 =	sld [smem:$0x3FDB];
	_ =	sdelay $0x1  }
0x99: {  	s4 =	simm.s32 $_scs_section_size  }
0x9a: {  	s5 =	simm.s32 $_size__tile_overlayer_lowered;
	s6 =	simm.s32 $_tile_overlayer_lowered  }
0x9b: {  	s22 =	simm.s32 $0x1BFF;
	s21 =	sshll.u32 s6, $0x1;
	s3 =	sadd.s32 s4, s19  }
0x9c: {  	s7 =	simm.s32 $0x0;
	s20 =	sshll.u32 s5, $0x1;
	s5 =	sadd.s32 s21, s3  }
0x9d: {  	[timem:s7], [sflag:s22] =	dma.local [hbm:s5], s20  }
0x9e: {  	_ =	swait.ge [sflag:s22], s20  }
0x9f: {  	s4 =	ssub.s32 $0x0, s20;
	[sflag:s22] =	ssyncset.done $0x0  }
0xa0: {  	[sflag:s22] =	ssyncadd.s32 s4;
	_ =	sdelay $0x1  }
0xa1: {  	s23 =	simm.s32 $0x1B8B  }
0xa2: {  	_ =	swait.ge [sflag:s23], $0x1  }
0xa3: {  	[sflag:s23] =	ssyncset.done $0x0  }
0xa4: {  	s25 =	simm.s32 $0x1B8E;
	s24 =	sld [smem:$0x3FFE];
	[sflag:s23] =	ssyncadd.s32 $0xFFFFFFFF  }
0xa5: {  	s26 =	simm.s32 $execute0_lowered;
	[smem:$0x3FD2] =	sst s25  }
0xa6: {  	s5 =	sshll.u32 s26, $0x1;
	_ =	strace $0x80000049;
	[dreg:$0x1] =	wrdreg $0xFFFFFFFF  }
0xa7: {  	s28 =	simm.s32 $_size_execute0_lowered;
	s3 =	sadd.s32 s3, s5;
	[dreg:$0x0] =	wrdreg $0x0  }
0xa8: {  	s5 =	sshll.u32 s28, $0x1;
	[dreg:$0x2] =	wrdreg s3  }
0xa9: {  	[dreg:$0x3] =	wrdreg s5  }
0xaa: {  	[dreg:$0x4] =	wrdreg $0xC0  }
0xab: {  	_ =	task [dreg:s7], $0x5FFFF  }
0xac: {  	[dreg:$0x1] =	wrdreg $0xFFFFFFFF  }
0xad: {  	[dreg:$0x0] =	wrdreg $0x60  }
0xae: {  	[dreg:$0x2] =	wrdreg s24  }
0xaf: {  	[dreg:$0x3] =	wrdreg s2  }
0xb0: {  	[dreg:$0x4] =	wrdreg $0x90000  }
0xb1: {  	[dreg:$0x5] =	wrdreg $0x1D0000  }
0xb2: {  	[dreg:$0x6] =	wrdreg $0x9  }
0xb3: {  	_ =	task.clear_ibuf [dreg:s7], $0x7FFFF;
	_ =	strace $0x90000049  }
0xb4: {  	s29 =	simm.s32 $0x9;
	_ =	strace $0x8000004B  }
0xb5: {  	_ =	swait.ge [sflag:s29], $0x1  }
0xb6: {  	[sflag:s29] =	ssyncadd.s32 $0xFFFFFFFF  }
0xb7: {  	_ =	strace $0x9000004B  }
0xb8: {  	_ =	sfence  }
0xb9: {  	s30 =	sld [smem:$0x0];
	_ =	sdelay $0x2  }
0xba: {  	s31 =	sshll.u32 s1, $0xD;
	s1 =	sshrl.u32 s1, $0x2  }
0xbb: {  	s3 =	sand.u32 $0x4000, s31;
	s1 =	sadd.s32 s1, s30  }
0xbc: {  	s0 =	sor.u32 s3, s0;
	s1 =	sshll.u32 s1, $0x11  }
0xbd: {  	s0 =	sor.u32 s1, s0  }
0xbe: {  	s0 =	sadd.s32 $0x8F2B, s0  }
0xbf: {  	[sflag:s0] =	ssyncadd.remote.s32 $0x1  }
0xc0: {  	_ =	sfence.sel $0xFFFF  }
0xc1: {  	[dreg:$0x0] =	wrdreg $0xFFFFFFFF;
	(pc) =	sbr.abs _section_cstart, $3  }
0xc2: {  	[dreg:$0x1] =	wrdreg $0xFFFFFFFF  }
0xc3: {  	_ =	task.clear_ibuf [dreg:s7], $0x2FFFF;
	_ =	strace $0x9FFFFFFF  }
0xc4: {  	(tm) =	ssettm $0x7FFFFFFF  }
0xc5: {  	_ =	shalt  }
tec
execute0_lowered:
.L_overlay_start_1:
0x0: {  	(tag) =	ssettag $0x1  }
0x1: {  	s5 =	rddreg [dreg:$0x0]  }
0x2: {  	s14 =	rddreg [dreg:$0x1]  }
0x3: {  	s2 =	rddreg [dreg:$0x2]  }
0x4: {  	s3 =	rddreg [dreg:$0x3]  }
0x5: {  	s0 =	rddreg [dreg:$0x4]  }
0x6: {  	s1 =	stileid.u32;
	s4 =	srdreg.scid  }
0x7: {  	s22 =	simm.s32 $0x1;
	s23 =	simm.s32 $0x2800;
	s24 =	simm.s32 $0x5000  }
0x8: {  	s25 =	simm.s32 $0x80;
	s6 =	smul.u32 $0x50000, s1;
	s15 =	sand.u32 $0x1, s4  }
0x9: {  	s7 =	sshll.u32 s1, $0x1;
	s8 =	smul.u32 $0x280, s1;
	s4 =	simm.s32 $0x0  }
0xa: {  	s16 =	sshll.u32 s1, $0xC;
	p0 =	sgt.u32 s1, $0x9;
	s9 =	smul.u32 $0x2800, s15  }
0xb: {  	s7 =	sor.u32 s15, s7;
	[smem:$0x7FF] =	sst s4;
	s13 =	smul.u32 $0xA000, s15  }
0xc: {  	s30 =	ssub.s32 $0x2, s15;
	s12 =	sadd.s32 s16, s3;
	s21 =	smul.u32 $0x28000, s15  }
0xd: {  	s7 =	smul.u32 $0x500, s7;
	_ =	strace $0x8000004A;
	s19 =	sadd.s32 s6, s5  }
0xe: {  	s31 =	sshrl.u32 s30, $0x1;
	s6 =	sshrl.u32 s6, $0x2;
	s8 =	sadd.s32 s9, s8  }
0xf: {  	s20 =	ssub.s32 s30, s31;
	s6 =	sadd.s32 s6, s2;
	s13 =	sadd.s32 s13, s16  }
0x10: {  	s21 =	sadd.s32 s21, s19;
	s7 =	sadd.s32 s7, s5;
	s8 =	sshll.u32 s8, $0x4  }
0x11: {  	s9 =	sadd.s32 $0x8000, s6;
	s10 =	sadd.s32 $0xC000, s6;
	s11 =	sadd.s32 $0x10000, s6  }
0x12: {  	s16 =	sshrl.u32 s13, $0x3;
	s19 =	smax.u32 s20, $0x1;
	s20 =	sadd.s32 $0x1E30600, s21  }
0x13: {  	s21 =	sadd.s32 $0x1930600, s21;
	s18 =	sadd.s32 s8, s5;
	s5 =	sadd.s32 $0x13400, s7  }
0x14: {  	s7 =	sadd.s32 $0x9400, s7;
	s8 =	sadd.s32 $0x4000, s6;
	s13 =	sadd.s32 $0xF4E600, s18  }
0x15: {  	s14 =	sadd.s32 s14, s16;
	s15 =	sadd.s32 $0xF4EE00, s18;
	s16 =	sadd.s32 $0xF4F600, s18  }
0x16: {  	v0 =	vimm.f32 $0.0e+00;
	s26 =	simm.s32 $0x0;
	s17 =	sadd.s32 $0xF4FE00, s18;
	s18 =	sadd.s32 $0xF50600, s18  }
.LBB2_1:
0x17: {  	[tilespmem:s4], [sflag:$0x1] =	stream.linear.gather [hbm4b:s5+s4], $0x2800, $0x38;
	[tilespmem:$0x1DA00] =	vst v63  }
0x18: {  	_ =	swait.ge [sflag:s22], $0x2800  }
0x19: {  	[sflag:s22] =	ssyncset.done $0x0  }
0x1a: {  	[sflag:s22] =	ssyncadd.s32 $0xFFFFD800  }
0x1b: {  	[tilespmem:s23], [sflag:$0x1] =	stream.linear.gather [hbm4b:s7+s4], $0x2800, $0x38;
	[tilespmem:$0x1DA00] =	vst v63  }
0x1c: {  	_ =	swait.ge [sflag:s22], $0x2800  }
0x1d: {  	[sflag:s22] =	ssyncset.done $0x0  }
0x1e: {  	s28 =	simm.s32 $0x0;
	s29 =	simm.s32 $0x200;
	[sflag:s22] =	ssyncadd.s32 $0xFFFFD800  }
.LBB2_2:
0x1f: {  	p1 =	sne.s32 s29, $0xFE00;
	[tilespmem:s28+$0x5070] =	vst v0  }
0x20: {  	[tilespmem:s28+$0x5000] =	vst v0  }
0x21: {  	[tilespmem:s28+$0x5010] =	vst v0  }
.Ltmp0:
0x22: {  	[tilespmem:s28+$0x5020] =	vst v0;
	(pc) =	sbr.rel @p1 .LBB2_2-.Ltmp0, $4  }
0x23: {  	[tilespmem:s28+$0x5030] =	vst v0  }
0x24: {  	[tilespmem:s28+$0x5040] =	vst v0  }
0x25: {  	[tilespmem:s28+$0x5050] =	vst v0  }
0x26: {  	[tilespmem:s28+$0x5060] =	vst v0;
	s28 =	sshra.s32 s29, $0x2;
	s29 =	sadd.s32 $0x200, s29  }
0x27: {  	[tilespmem:s28+$0x5070] =	vst v0  }
0x28: {  	[tilespmem:s28+$0x5000] =	vst v0  }
0x29: {  	[tilespmem:s28+$0x5010] =	vst v0  }
0x2a: {  	[tilespmem:s28+$0x5020] =	vst v0  }
0x2b: {  	[tilespmem:s28+$0x5030] =	vst v0  }
0x2c: {  	[tilespmem:s28+$0x5040] =	vst v0  }
0x2d: {  	[tilespmem:s28+$0x5050] =	vst v0  }
0x2e: {  	[tilespmem:s28+$0x5060] =	vst v0  }
0x2f: {  	[spmem:s6] =	stream.linear.scatter [tilespmem:s24], [sflag:$0x1], $0x4000, $0x38;
	[tilespmem:$0x1DA00] =	vst v63  }
0x30: {  	_ =	swait.ge [sflag:s22], $0x4000  }
0x31: {  	[sflag:s22] =	ssyncset.done $0x0  }
0x32: {  	[sflag:s22] =	ssyncadd.s32 $0xFFFFC000  }
0x33: {  	[spmem:s8] =	stream.linear.scatter [tilespmem:s24], [sflag:$0x1], $0x4000, $0x38;
	[tilespmem:$0x1DA00] =	vst v63  }
0x34: {  	_ =	swait.ge [sflag:s22], $0x4000  }
0x35: {  	[sflag:s22] =	ssyncset.done $0x0  }
0x36: {  	[sflag:s22] =	ssyncadd.s32 $0xFFFFC000  }
0x37: {  	[spmem:s9] =	stream.linear.scatter [tilespmem:s24], [sflag:$0x1], $0x4000, $0x38;
	[tilespmem:$0x1DA00] =	vst v63  }
0x38: {  	_ =	swait.ge [sflag:s22], $0x4000  }
0x39: {  	[sflag:s22] =	ssyncset.done $0x0  }
0x3a: {  	[sflag:s22] =	ssyncadd.s32 $0xFFFFC000  }
0x3b: {  	[spmem:s10] =	stream.linear.scatter [tilespmem:s24], [sflag:$0x1], $0x4000, $0x38;
	[tilespmem:$0x1DA00] =	vst v63  }
0x3c: {  	_ =	swait.ge [sflag:s22], $0x4000  }
0x3d: {  	[sflag:s22] =	ssyncset.done $0x0  }
0x3e: {  	[sflag:s22] =	ssyncadd.s32 $0xFFFFC000  }
0x3f: {  	[spmem:s11] =	stream.linear.scatter [tilespmem:s24], [sflag:$0x1], $0x4000, $0x38;
	[tilespmem:$0x1DA00] =	vst v63  }
0x40: {  	_ =	swait.ge [sflag:s22], $0x4000  }
0x41: {  	[sflag:s22] =	ssyncset.done $0x0  }
0x42: {  	s28 =	simm.s32 @!p0 $0x5000;
	[sflag:s22] =	ssyncadd.s32 $0xFFFFC000  }
0x43: {  	[spmem:s12] =	stream.linear.scatter @!p0 [tilespmem:s28], [sflag:$0x1], $0x1000, $0x38;
	[tilespmem:$0x1DA00] =	vst v63  }
0x44: {  	s28 =	simm.s32 @!p0 $0x1  }
0x45: {  	_ =	swait.ge @!p0 [sflag:s28], $0x1000  }
0x46: {  	[sflag:s28] =	ssyncset.done @!p0 $0x0  }
0x47: {  	[sflag:s28] =	ssyncadd.s32 @!p0 $0xFFFFF000  }
0x48: {  	[bflag:$0x0] =	sbarrier.arrive $0xFFFF  }
0x49: {  	[tilespmem:s24], [sflag:$0x1] =	stream.linear.gather [hbm4b:s21+s4], $0x4000, $0x38;
	[tilespmem:$0x1DA00] =	vst v63  }
0x4a: {  	_ =	swait.ge [sflag:s22], $0x4000  }
0x4b: {  	[sflag:s22] =	ssyncset.done $0x0  }
0x4c: {  	s28 =	simm.s32 $0x0;
	[sflag:s22] =	ssyncadd.s32 $0xFFFFC000  }
0x4d: {  	[spmem:s2] =	stream.indirect.scatter.add.f32 [tilespmem:s24], [sflag:$0x1], $0x80, s28, s25, $0xb8;
	[tilespmem:$0x1DA00] =	vst v63  }
0x4e: {  	_ =	swait.ge [sflag:s22], $0x4000  }
0x4f: {  	[sflag:s22] =	ssyncset.done $0x0  }
0x50: {  	[sflag:s22] =	ssyncadd.s32 $0xFFFFC000  }
0x51: {  	[tilespmem:s24], [sflag:$0x1] =	stream.linear.gather [hbm4b:s20+s4], $0x4000, $0x38;
	[tilespmem:$0x1DA00] =	vst v63  }
0x52: {  	_ =	swait.ge [sflag:s22], $0x4000  }
0x53: {  	[sflag:s22] =	ssyncset.done $0x0  }
0x54: {  	s28 =	simm.s32 $0x2800;
	[sflag:s22] =	ssyncadd.s32 $0xFFFFC000  }
0x55: {  	[spmem:s3] =	stream.indirect.scatter.add.f32 [tilespmem:s24], [sflag:$0x1], $0x80, s28, s25, $0xb8;
	[tilespmem:$0x1DA00] =	vst v63  }
0x56: {  	s29 =	smov.u32 s20;
	_ =	swait.ge [sflag:s22], $0x4000  }
0x57: {  	s30 =	smov.u32 s21;
	s28 =	simm.s32 $0x200;
	[sflag:s22] =	ssyncset.done $0x0  }
.LBB2_4:
0x58: {  	[sflag:s22] =	ssyncadd.s32 $0xFFFFC000  }
0x59: {  	s29 =	sadd.s32 $0x800, s29;
	s30 =	sadd.s32 $0x800, s30;
	s31 =	smov.u32 s28  }
0x5a: {  	[tilespmem:s24], [sflag:$0x1] =	stream.linear.gather [hbm4b:s30+s4], $0x4000, $0x38;
	[tilespmem:$0x1DA00] =	vst v63  }
0x5b: {  	p1 =	sne.s32 s28, $0x9E00;
	s28 =	sadd.s32 $0x200, s28;
	_ =	swait.ge [sflag:s22], $0x4000  }
0x5c: {  	[sflag:s22] =	ssyncset.done $0x0  }
0x5d: {  	s31 =	sshra.s32 s31, $0x2;
	[sflag:s22] =	ssyncadd.s32 $0xFFFFC000  }
0x5e: {  	[spmem:s2] =	stream.indirect.scatter.add.f32 [tilespmem:s24], [sflag:$0x1], $0x80, s31, s25, $0xb8;
	[tilespmem:$0x1DA00] =	vst v63  }
0x5f: {  	_ =	swait.ge [sflag:s22], $0x4000  }
0x60: {  	[sflag:s22] =	ssyncset.done $0x0  }
0x61: {  	[sflag:s22] =	ssyncadd.s32 $0xFFFFC000  }
0x62: {  	[tilespmem:s24], [sflag:$0x1] =	stream.linear.gather [hbm4b:s29+s4], $0x4000, $0x38;
	[tilespmem:$0x1DA00] =	vst v63  }
0x63: {  	_ =	swait.ge [sflag:s22], $0x4000  }
.Ltmp1:
0x64: {  	[sflag:s22] =	ssyncset.done $0x0;
	(pc) =	sbr.rel @p1 .LBB2_4-.Ltmp1, $4  }
0x65: {  	s31 =	sadd.s32 $0x2800, s31;
	[sflag:s22] =	ssyncadd.s32 $0xFFFFC000  }
0x66: {  	[spmem:s3] =	stream.indirect.scatter.add.f32 [tilespmem:s24], [sflag:$0x1], $0x80, s31, s25, $0xb8;
	[tilespmem:$0x1DA00] =	vst v63  }
0x67: {  	_ =	swait.ge [sflag:s22], $0x4000  }
0x68: {  	[sflag:s22] =	ssyncset.done $0x0  }
0x69: {  	[sflag:s22] =	ssyncadd.s32 $0xFFFFC000  }
0x6a: {  	[bflag:$0x0] =	sbarrier.arrive $0xFFFF  }
0x6b: {  	[tilespmem:s24], [sflag:$0x1] =	stream.linear.gather [spmem:s6], $0x4000, $0x38;
	[tilespmem:$0x1DA00] =	vst v63  }
0x6c: {  	_ =	swait.ge [sflag:s22], $0x4000  }
0x6d: {  	[sflag:s22] =	ssyncset.done $0x0  }
0x6e: {  	[sflag:s22] =	ssyncadd.s32 $0xFFFFC000  }
0x6f: {  	[hbm4b:s13+s4] =	stream.linear.scatter [tilespmem:s24], [sflag:$0x1], $0x4000, $0x38;
	[tilespmem:$0x1DA00] =	vst v63  }
0x70: {  	_ =	swait.ge [sflag:s22], $0x4000  }
0x71: {  	[sflag:s22] =	ssyncset.done $0x0  }
0x72: {  	[sflag:s22] =	ssyncadd.s32 $0xFFFFC000  }
0x73: {  	[tilespmem:s24], [sflag:$0x1] =	stream.linear.gather [spmem:s8], $0x4000, $0x38;
	[tilespmem:$0x1DA00] =	vst v63  }
0x74: {  	_ =	swait.ge [sflag:s22], $0x4000  }
0x75: {  	[sflag:s22] =	ssyncset.done $0x0  }
0x76: {  	[sflag:s22] =	ssyncadd.s32 $0xFFFFC000  }
0x77: {  	[hbm4b:s15+s4] =	stream.linear.scatter [tilespmem:s24], [sflag:$0x1], $0x4000, $0x38;
	[tilespmem:$0x1DA00] =	vst v63  }
0x78: {  	_ =	swait.ge [sflag:s22], $0x4000  }
0x79: {  	[sflag:s22] =	ssyncset.done $0x0  }
0x7a: {  	[sflag:s22] =	ssyncadd.s32 $0xFFFFC000  }
0x7b: {  	[tilespmem:s24], [sflag:$0x1] =	stream.linear.gather [spmem:s9], $0x4000, $0x38;
	[tilespmem:$0x1DA00] =	vst v63  }
0x7c: {  	_ =	swait.ge [sflag:s22], $0x4000  }
0x7d: {  	[sflag:s22] =	ssyncset.done $0x0  }
0x7e: {  	[sflag:s22] =	ssyncadd.s32 $0xFFFFC000  }
0x7f: {  	[hbm4b:s16+s4] =	stream.linear.scatter [tilespmem:s24], [sflag:$0x1], $0x4000, $0x38;
	[tilespmem:$0x1DA00] =	vst v63  }
0x80: {  	_ =	swait.ge [sflag:s22], $0x4000  }
0x81: {  	[sflag:s22] =	ssyncset.done $0x0  }
0x82: {  	[sflag:s22] =	ssyncadd.s32 $0xFFFFC000  }
0x83: {  	[tilespmem:s24], [sflag:$0x1] =	stream.linear.gather [spmem:s10], $0x4000, $0x38;
	[tilespmem:$0x1DA00] =	vst v63  }
0x84: {  	_ =	swait.ge [sflag:s22], $0x4000  }
0x85: {  	[sflag:s22] =	ssyncset.done $0x0  }
0x86: {  	[sflag:s22] =	ssyncadd.s32 $0xFFFFC000  }
0x87: {  	[hbm4b:s17+s4] =	stream.linear.scatter [tilespmem:s24], [sflag:$0x1], $0x4000, $0x38;
	[tilespmem:$0x1DA00] =	vst v63  }
0x88: {  	_ =	swait.ge [sflag:s22], $0x4000  }
0x89: {  	[sflag:s22] =	ssyncset.done $0x0  }
0x8a: {  	[sflag:s22] =	ssyncadd.s32 $0xFFFFC000  }
0x8b: {  	[tilespmem:s24], [sflag:$0x1] =	stream.linear.gather [spmem:s11], $0x4000, $0x38;
	[tilespmem:$0x1DA00] =	vst v63  }
0x8c: {  	_ =	swait.ge [sflag:s22], $0x4000  }
0x8d: {  	[sflag:s22] =	ssyncset.done $0x0  }
0x8e: {  	[sflag:s22] =	ssyncadd.s32 $0xFFFFC000  }
0x8f: {  	[hbm4b:s18+s4] =	stream.linear.scatter [tilespmem:s24], [sflag:$0x1], $0x4000, $0x38;
	[tilespmem:$0x1DA00] =	vst v63  }
0x90: {  	_ =	swait.ge [sflag:s22], $0x4000  }
0x91: {  	[sflag:s22] =	ssyncset.done $0x0  }
0x92: {  	s28 =	simm.s32 @!p0 $0x5000;
	s29 =	simm.s32 @!p0 $0x1;
	[sflag:s22] =	ssyncadd.s32 $0xFFFFC000  }
0x93: {  	[tilespmem:s28], [sflag:$0x1] =	stream.linear.gather @!p0 [spmem:s12], $0x1000, $0x38;
	[tilespmem:$0x1DA00] =	vst v63  }
0x94: {  	s26 =	sadd.s32 $0x1, s26;
	_ =	swait.ge @!p0 [sflag:s29], $0x1000  }
0x95: {  	p1 =	sne.s32 s26, s19;
	[sflag:s29] =	ssyncset.done @!p0 $0x0  }
.Ltmp2:
0x96: {  	s30 =	simm.s32 @!p0 $0x0;
	[sflag:s29] =	ssyncadd.s32 @!p0 $0xFFFFF000;
	(pc) =	sbr.rel @p1 .LBB2_1-.Ltmp2, $4  }
0x97: {  	[hbm4b:s14+s30] =	stream.linear.scatter @!p0 [tilespmem:s28], [sflag:$0x1], $0x1000, $0x38;
	[tilespmem:$0x1DA00] =	vst v63  }
0x98: {  	_ =	swait.ge @!p0 [sflag:s29], $0x1000  }
0x99: {  	[sflag:s29] =	ssyncset.done @!p0 $0x0  }
0x9a: {  	[sflag:s29] =	ssyncadd.s32 @!p0 $0xFFFFF000  }
0x9b: {  	_ =	sfence.sel $0x180000  }
0x9c: {  	[bflag:$0x0] =	sbarrier.arrive $0xFFFF  }
0x9d: {  	p0 =	sne.s32 s1, $0x0;
	_ =	strace $0x9000004A  }
0x9e: {  	s0 =	sadd.s32 @!p0 $0x100000, s0;
	[bflag:$0x2] =	sbarrier.arrive $0xFFFF  }
0x9f: {  	[sflag:s0] =	ssyncadd.tile.s32 @!p0 $0x1;
	_ =	shalt  }
.Lfunc_end2:
_tile_overlayer_lowered:
.L_overlay_start_2:
0xa0: {  	(tag) =	ssettag $0x2  }
0xa1: {  	s0 =	rddreg [dreg:$0x0];
	s2 =	stileid.u32  }
0xa2: {  	s1 =	rddreg [dreg:$0x1];
	p0 =	sne.s32 s2, $0x0  }
0xa3: {  	s3 =	rddreg [dreg:$0x2];
	[bflag:$0x3] =	sbarrier.arrive $0xFFFF;
	s2 =	simm.s32 @!p0 $0x1C01  }
0xa4: {  	[timem:s3], [sflag:s2] =	dma.local @!p0 [hbm:s0], s1  }
0xa5: {  	s0 =	simm.s32 @!p0 $0x1  }
0xa6: {  	_ =	swait.ge @!p0 [sflag:s0], s1  }
0xa7: {  	s1 =	ssub.s32 @!p0 $0x0, s1;
	[sflag:s0] =	ssyncset.done @!p0 $0x0  }
0xa8: {  	[sflag:s0] =	ssyncadd.s32 @!p0 s1  }
0xa9: {  	[bflag:$0x3] =	sbarrier.arrive $0xFFFF  }
0xaa: {  	_ =	shalt  }

// kernel: kernel.17.cloned.1.call-start
scs
__scs_entry_jumppad:
0x0: {  	(pc) =	sbr.rel $0x88, $3  }
0x1: {  	(tag) =	ssettag $0x0;
	lr =	simm.s32 $0x1  }
0x2: {  	[smem:$0x3F88] =	sst lr;
	_ =	strace $0xD0000000  }
0x3: {  	_ = 	snop  }
0x4: {  	_ = 	snop  }
0x5: {  	_ = 	snop  }
0x6: {  	_ = 	snop  }
0x7: {  	_ = 	snop  }
__scs_overlays_trampoline_lowered:
0x8: {  	[smem:$0x3F97] =	sst s0  }
0x9: {  	[smem:$0x3F98] =	sst s1  }
0xa: {  	[smem:$0x3F99] =	sst s2  }
0xb: {  	[smem:$0x3F9A] =	sst s3  }
0xc: {  	[smem:$0x3F9B] =	sst s4  }
0xd: {  	[smem:$0x3F9C] =	sst s5  }
0xe: {  	[smem:$0x3F9D] =	sst s6  }
0xf: {  	[smem:$0x3F9E] =	sst s7  }
0x10: {  	[smem:$0x3F9F] =	sst s8  }
0x11: {  	[smem:$0x3FA0] =	sst s9;
	s0 =	simm.s32 @!p0 $0x0  }
0x12: {  	s1 =	sld [smem:$0x3F86];
	s0 =	simm.s32 @p0 $0x1  }
0x13: {  	[smem:$0x3FA1] =	sst s0;
	s0 =	simm.s32 @!p1 $0x0  }
0x14: {  	s2 =	sld [smem:$0x3F85];
	s0 =	simm.s32 @p1 $0x1  }
0x15: {  	[smem:$0x3FA2] =	sst s0;
	s0 =	simm.s32 @!p2 $0x0  }
0x16: {  	s3 =	sld [smem:$0x3FDB];
	s0 =	simm.s32 @p2 $0x1  }
0x17: {  	s4 =	simm.s32 $0x1BF5;
	[smem:$0x3FA4] =	sst s0  }
0x18: {  	s0 =	sld [smem:$0x3F87];
	_ =	swait.ge [sflag:s4], $0x0  }
0x19: {  	s7 =	sld [smem:$0x3F88]  }
0x1a: {  	s8 =	sadd.s32 $0xFFFFE003, lr  }
0x1b: {  	s9 =	sadd.s32 $0xFFFFFEF7, lr;
	s5 =	simm.s32 $0xFFFFFFFF;
	p2 =	slt.u32 s8, $0xFFFFF086  }
0x1c: {  	p1 =	slt.u32 s9, $0xF7A;
	s5 =	simm.s32 @!p2 $0x0  }
0x1d: {  	s5 =	simm.s32 @p1 $0x1;
	p0 =	seq.s32 s7, s2  }
0x1e: {  	s7 =	smul.u32 @!p0 $0xF7A, s2;
	p2 =	seq.s32 @!p0 s5, $0x0  }
0x1f: {  	s9 =	smul.u32 $0xF7A, s1;
	s8 =	simm.s32 @!p0 $0x1BF5;
	p2 =	por !p2, p0  }
0x20: {  	[sflag:s8] =	ssyncset.s32 @!p0 $0xFFFFF086;
	s6 =	sadd.s32 @!p0 s3, s7;
	s7 =	simm.s32 @!p0 $0x108  }
0x21: {  	s3 =	sadd.s32 s3, s9;
	s6 =	sadd.s32 @!p0 $0x88, s6;
	s7 =	simm.s32 @p2 $0x1082  }
0x22: {  	[simem:s7], [sflag:s8] =	dma.local @!p0 [hbm:s6], $0xF7A  }
0x23: {  	s9 =	sor.u32 $0xD0000000, s2;
	s6 =	simm.s32 $0x108;
	_ =	swait.ge @!p0 [sflag:s8], $0x0  }
0x24: {  	s3 =	sadd.s32 $0x88, s3;
	s6 =	simm.s32 @!p1 $0x1082;
	[sflag:s4] =	ssyncset.s32 $0xFFFFF086  }
0x25: {  	[simem:s6], [sflag:s4] =	dma.local [hbm:s3], $0xF7A  }
0x26: {  	[smem:$0x3F88] =	sst s1;
	(tag) =	ssettag s2;
	_ =	strace s9  }
0x27: {  	s1 =	sld [smem:$0x3F98]  }
0x28: {  	s2 =	sld [smem:$0x3F99]  }
0x29: {  	s4 =	sld [smem:$0x3F9B]  }
0x2a: {  	p0 =	seq.s32 s5, $0x0;
	s5 =	sld [smem:$0x3F9C]  }
0x2b: {  	s6 =	sld [smem:$0x3F9D]  }
0x2c: {  	s7 =	sld [smem:$0x3F9E]  }
0x2d: {  	s3 =	simm.s32 $0x108;
	s8 =	sld [smem:$0x3F9F]  }
0x2e: {  	s3 =	simm.s32 @!p0 $0x1082;
	s9 =	sld [smem:$0x3FA0]  }
0x2f: {  	lr =	sadd.s32 s0, s3;
	s0 =	sld [smem:$0x3F97]  }
0x30: {  	s3 =	sld [smem:$0x3F9A]  }
0x31: {  	[smem:$0x3FA3] =	sst s10  }
0x32: {  	s10 =	sld [smem:$0x3FA1];
	_ =	sdelay $0x3  }
0x33: {  	p0 =	seq.s32 s10, $0x1;
	s10 =	sld [smem:$0x3FA3];
	_ =	sdelay $0x3  }
0x34: {  	[smem:$0x3FA3] =	sst s10  }
0x35: {  	s10 =	sld [smem:$0x3FA2];
	_ =	sdelay $0x3  }
0x36: {  	p1 =	seq.s32 s10, $0x1;
	s10 =	sld [smem:$0x3FA3];
	_ =	sdelay $0x3  }
0x37: {  	[smem:$0x3FA3] =	sst s10  }
0x38: {  	s10 =	sld [smem:$0x3FA4]  }
0x39: {  	_ = 	snop;
	(pc) =	sbr.ind lr, $3  }
0x3a: {  	_ = 	snop  }
0x3b: {  	_ = 	snop  }
0x3c: {  	p2 =	seq.s32 s10, $0x1;
	s10 =	sld [smem:$0x3FA3]  }
0x3d: {  	_ =	shalt  }
0x3e: {  	_ =	shalt  }
0x3f: {  	_ =	shalt  }
0x40: {  	_ =	shalt  }
0x41: {  	_ =	shalt  }
0x42: {  	_ =	shalt  }
0x43: {  	_ =	shalt  }
0x44: {  	_ =	shalt  }
0x45: {  	_ =	shalt  }
0x46: {  	_ =	shalt  }
0x47: {  	_ =	shalt  }
0x48: {  	_ =	shalt  }
0x49: {  	_ =	shalt  }
0x4a: {  	_ =	shalt  }
0x4b: {  	_ =	shalt  }
0x4c: {  	_ =	shalt  }
0x4d: {  	_ =	shalt  }
0x4e: {  	_ =	shalt  }
0x4f: {  	_ =	shalt  }
0x50: {  	_ =	shalt  }
0x51: {  	_ =	shalt  }
0x52: {  	_ =	shalt  }
0x53: {  	_ =	shalt  }
0x54: {  	_ =	shalt  }
0x55: {  	_ =	shalt  }
0x56: {  	_ =	shalt  }
0x57: {  	_ =	shalt  }
0x58: {  	_ =	shalt  }
0x59: {  	_ =	shalt  }
0x5a: {  	_ =	shalt  }
0x5b: {  	_ =	shalt  }
0x5c: {  	_ =	shalt  }
0x5d: {  	_ =	shalt  }
0x5e: {  	_ =	shalt  }
0x5f: {  	_ =	shalt  }
0x60: {  	_ =	shalt  }
0x61: {  	_ =	shalt  }
0x62: {  	_ =	shalt  }
0x63: {  	_ =	shalt  }
0x64: {  	_ =	shalt  }
0x65: {  	_ =	shalt  }
0x66: {  	_ =	shalt  }
0x67: {  	_ =	shalt  }
0x68: {  	_ =	shalt  }
0x69: {  	_ =	shalt  }
0x6a: {  	_ =	shalt  }
0x6b: {  	_ =	shalt  }
0x6c: {  	_ =	shalt  }
0x6d: {  	_ =	shalt  }
0x6e: {  	_ =	shalt  }
0x6f: {  	_ =	shalt  }
0x70: {  	_ =	shalt  }
0x71: {  	_ =	shalt  }
0x72: {  	_ =	shalt  }
0x73: {  	_ =	shalt  }
0x74: {  	_ =	shalt  }
0x75: {  	_ =	shalt  }
0x76: {  	_ =	shalt  }
0x77: {  	_ =	shalt  }
0x78: {  	_ =	shalt  }
0x79: {  	_ =	shalt  }
0x7a: {  	_ =	shalt  }
0x7b: {  	_ =	shalt  }
0x7c: {  	_ =	shalt  }
0x7d: {  	_ =	shalt  }
0x7e: {  	_ =	shalt  }
0x7f: {  	_ =	shalt  }
0x80: {  	_ =	shalt  }
0x81: {  	_ =	shalt  }
0x82: {  	_ =	shalt  }
0x83: {  	_ =	shalt  }
0x84: {  	_ =	shalt  }
0x85: {  	_ =	shalt  }
0x86: {  	_ =	shalt  }
0x87: {  	_ =	shalt  }
.Lfunc_end0:
.L_simem_size_0:
called_computation.2_lowered:
.L_overlay_start_0:
0x88: {  	s2 =	sld [smem:$0x3FD9]  }
0x89: {  	s3 =	sld [smem:$0x3FFE];
	_ =	sdelay $0x1  }
0x8a: {  	s1 =	srdreg.scid  }
0x8b: {  	s0 =	sand.u32 $0x1, s1  }
0x8c: {  	s17 =	sshll.u32 s0, $0xA;
	s2 =	sadd.s32 s3, s2  }
0x8d: {  	s2 =	sadd.s32 s2, s17  }
0x8e: {  	[smem:$0x3FAF] =	sst s2  }
0x8f: {  	_ = 	snop  }
0x90: {  	s2 =	sld [smem:$0x3FD0];
	(tm) =	ssettm $0x1  }
0x91: {  	s18 =	sld [smem:$0x3FFB];
	_ =	sdelay $0x3  }
0x92: {  	_ =	strace s18  }
0x93: {  	s3 =	sld [smem:$0x3FFC];
	_ =	sdelay $0x3  }
0x94: {  	_ =	strace s3  }
0x95: {  	s3 =	sld [smem:$0x3FFD];
	_ =	sdelay $0x3  }
0x96: {  	_ =	strace s3  }
0x97: {  	_ =	strace $0x8FFFFFFF  }
0x98: {  	s19 =	sld [smem:$0x3FDB];
	_ =	sdelay $0x1  }
0x99: {  	s4 =	simm.s32 $_scs_section_size  }
0x9a: {  	s5 =	simm.s32 $_size__tile_overlayer_lowered;
	s6 =	simm.s32 $_tile_overlayer_lowered  }
0x9b: {  	s22 =	simm.s32 $0x1BFF;
	s21 =	sshll.u32 s6, $0x1;
	s3 =	sadd.s32 s4, s19  }
0x9c: {  	s7 =	simm.s32 $0x0;
	s20 =	sshll.u32 s5, $0x1;
	s5 =	sadd.s32 s21, s3  }
0x9d: {  	[timem:s7], [sflag:s22] =	dma.local [hbm:s5], s20  }
0x9e: {  	_ =	swait.ge [sflag:s22], s20  }
0x9f: {  	s4 =	ssub.s32 $0x0, s20;
	[sflag:s22] =	ssyncset.done $0x0  }
0xa0: {  	[sflag:s22] =	ssyncadd.s32 s4;
	_ =	sdelay $0x1  }
0xa1: {  	s23 =	simm.s32 $0x1B8B  }
0xa2: {  	_ =	swait.ge [sflag:s23], $0x1  }
0xa3: {  	[sflag:s23] =	ssyncset.done $0x0  }
0xa4: {  	s25 =	simm.s32 $0x1B8E;
	s24 =	sld [smem:$0x3FFE];
	[sflag:s23] =	ssyncadd.s32 $0xFFFFFFFF  }
0xa5: {  	s26 =	simm.s32 $execute0_lowered;
	[smem:$0x3FD2] =	sst s25  }
0xa6: {  	s5 =	sshll.u32 s26, $0x1;
	_ =	strace $0x8000004C;
	[dreg:$0x1] =	wrdreg $0xFFFFFFFF  }
0xa7: {  	s28 =	simm.s32 $_size_execute0_lowered;
	s3 =	sadd.s32 s3, s5;
	[dreg:$0x0] =	wrdreg $0x0  }
0xa8: {  	s5 =	sshll.u32 s28, $0x1;
	[dreg:$0x2] =	wrdreg s3  }
0xa9: {  	[dreg:$0x3] =	wrdreg s5  }
0xaa: {  	[dreg:$0x4] =	wrdreg $0xC0  }
0xab: {  	_ =	task [dreg:s7], $0x5FFFF  }
0xac: {  	[dreg:$0x1] =	wrdreg $0xFFFFFFFF  }
0xad: {  	[dreg:$0x0] =	wrdreg $0x60  }
0xae: {  	[dreg:$0x2] =	wrdreg s2  }
0xaf: {  	[dreg:$0x3] =	wrdreg s24  }
0xb0: {  	[dreg:$0x4] =	wrdreg $0x9  }
0xb1: {  	_ =	task.clear_ibuf [dreg:s7], $0x5FFFF;
	_ =	strace $0x9000004C  }
0xb2: {  	s29 =	simm.s32 $0x9;
	_ =	strace $0x8000004E  }
0xb3: {  	_ =	swait.ge [sflag:s29], $0x1  }
0xb4: {  	[sflag:s29] =	ssyncadd.s32 $0xFFFFFFFF  }
0xb5: {  	_ =	strace $0x9000004E  }
0xb6: {  	_ =	sfence  }
0xb7: {  	s30 =	sld [smem:$0x0];
	_ =	sdelay $0x2  }
0xb8: {  	s31 =	sshll.u32 s1, $0xD;
	s1 =	sshrl.u32 s1, $0x2  }
0xb9: {  	s3 =	sand.u32 $0x4000, s31;
	s1 =	sadd.s32 s1, s30  }
0xba: {  	s0 =	sor.u32 s3, s0;
	s1 =	sshll.u32 s1, $0x11  }
0xbb: {  	s0 =	sor.u32 s1, s0  }
0xbc: {  	s0 =	sadd.s32 $0x8F2B, s0  }
0xbd: {  	[sflag:s0] =	ssyncadd.remote.s32 $0x1  }
0xbe: {  	_ =	sfence.sel $0xFFFF  }
0xbf: {  	[dreg:$0x0] =	wrdreg $0xFFFFFFFF;
	(pc) =	sbr.abs _section_cstart, $3  }
0xc0: {  	[dreg:$0x1] =	wrdreg $0xFFFFFFFF  }
0xc1: {  	_ =	task.clear_ibuf [dreg:s7], $0x2FFFF;
	_ =	strace $0x9FFFFFFF  }
0xc2: {  	(tm) =	ssettm $0x7FFFFFFF  }
0xc3: {  	_ =	shalt  }
tec
execute0_lowered:
.L_overlay_start_1:
0x0: {  	(tag) =	ssettag $0x1  }
0x1: {  	s0 =	srdreg.scid;
	s2 =	rddreg [dreg:$0x0]  }
0x2: {  	s16 =	stileid.u32;
	s5 =	rddreg [dreg:$0x1]  }
0x3: {  	s3 =	simm.s32 $0x0;
	s17 =	simm.s32 $0x2800;
	s18 =	simm.s32 $0x80  }
0x4: {  	s19 =	simm.s32 $0x5000;
	s20 =	simm.s32 $0xD000;
	s21 =	simm.s32 $0x9000  }
0x5: {  	s28 =	simm.s32 $0x4;
	s29 =	simm.s32 $0x0;
	s9 =	smul.u32 $0xA0, s16  }
0x6: {  	s0 =	sand.u32 $0x1, s0;
	s1 =	sshll.u32 s16, $0x1;
	s16 =	smul.u32 $0x50000, s16  }
0x7: {  	[smem:$0x7FF] =	sst s3;
	s4 =	sadd.s32 $0xF4E600, s5;
	s10 =	smul.u32 $0x50, s0  }
0x8: {  	s1 =	sor.u32 s0, s1;
	s7 =	ssub.s32 $0x2, s0;
	s0 =	smul.u32 $0x28000, s0  }
0x9: {  	s14 =	sadd.s32 $0x27400, s5;
	s15 =	sadd.s32 $0x527400, s5;
	s6 =	smul.u32 $0x500, s1  }
0xa: {  	_ =	strace $0x8000004D;
	s1 =	smul.u32 $0x28000, s1;
	s23 =	sshrl.u32 s7, $0x1  }
0xb: {  	s30 =	sadd.s32 s16, s15;
	s31 =	sadd.s32 s16, s14;
	s16 =	simm.s32 $0x5  }
0xc: {  	s7 =	ssub.s32 s7, s23;
	s12 =	sadd.s32 s10, s9;
	s23 =	simm.s32 $0x11000  }
0xd: {  	s6 =	sadd.s32 s6, s5;
	s7 =	smax.u32 s7, $0x1;
	s11 =	sadd.s32 $0x27000, s1  }
0xe: {  	s1 =	sadd.s32 $0x27800, s1;
	s13 =	sshll.u32 s12, $0xB;
	s24 =	sadd.s32 $0x1D400, s6  }
0xf: {  	s6 =	sadd.s32 $0x13400, s6;
	s8 =	sadd.s32 s14, s11;
	s9 =	sadd.s32 s15, s11  }
0x10: {  	s10 =	sadd.s32 s14, s1;
	s11 =	sadd.s32 s15, s1;
	s25 =	sadd.s32 s13, s14  }
0x11: {  	s26 =	sadd.s32 s13, s15;
	s14 =	sadd.s32 s0, s30;
	s15 =	sadd.s32 s0, s31  }
0x12: {  	[dreg:$0x3] =	wrdreg s24;
	s12 =	sadd.s32 $0x800, s25;
	s13 =	sadd.s32 $0x800, s26  }
0x13: {  	s24 =	simm.s32 $0x1;
	s25 =	simm.s32 $0x3;
	s26 =	simm.s32 $0x2  }
.LBB2_1:
0x14: {  	s0 =	rddreg [dreg:$0x3]  }
0x15: {  	[tilespmem:s3], [sflag:$0x5] =	stream.linear.gather [hbm4b:s0+s3], $0x2800, $0x38;
	[tilespmem:$0x15000] =	vst v63  }
0x16: {  	_ =	swait.ge [sflag:s16], $0x2800  }
0x17: {  	[sflag:s16] =	ssyncset.done $0x0  }
0x18: {  	[sflag:s16] =	ssyncadd.s32 $0xFFFFD800  }
0x19: {  	[tilespmem:s17], [sflag:$0x5] =	stream.linear.gather [hbm4b:s6+s3], $0x2800, $0x38;
	[tilespmem:$0x15000] =	vst v63  }
0x1a: {  	_ =	swait.ge [sflag:s16], $0x2800  }
0x1b: {  	[sflag:s16] =	ssyncset.done $0x0  }
0x1c: {  	[sflag:s16] =	ssyncadd.s32 $0xFFFFD800  }
0x1d: {  	[tilespmem:s19], [sflag:$0x1] =	stream.indirect.gather [hbm4b:s2+s18], $0x80, s3, s18, $0xb8;
	[tilespmem:$0x15000] =	vst v63  }
0x1e: {  	_ = 	snop  }
0x1f: {  	[tilespmem:s20], [sflag:$0x3] =	stream.indirect.gather [hbm4b:s4+s18], $0x80, s17, s18, $0xb8;
	[tilespmem:$0x15000] =	vst v63  }
0x20: {  	_ = 	snop  }
0x21: {  	[tilespmem:s21], [sflag:$0x2] =	stream.indirect.gather [hbm4b:s2+s18], $0x80, s18, s18, $0xb8;
	[tilespmem:$0x15000] =	vst v63  }
0x22: {  	s5 =	simm.s32 $0x2880  }
0x23: {  	[tilespmem:s23], [sflag:$0x4] =	stream.indirect.gather [hbm4b:s4+s18], $0x80, s5, s18, $0xb8;
	[tilespmem:$0x15000] =	vst v63  }
0x24: {  	_ =	swait.ge [sflag:s24], $0x4000  }
0x25: {  	[sflag:s24] =	ssyncset.done $0x0  }
0x26: {  	s22 =	sadd.s32 $0x0, s15;
	[sflag:s24] =	ssyncadd.s32 $0xFFFFC000  }
0x27: {  	[hbm4b:s22+s3] =	stream.linear.scatter [tilespmem:s19], [sflag:$0x5], $0x4000, $0x38;
	[tilespmem:$0x15000] =	vst v63  }
0x28: {  	_ =	swait.ge [sflag:s16], $0x4000  }
0x29: {  	[sflag:s16] =	ssyncset.done $0x0  }
0x2a: {  	[sflag:s16] =	ssyncadd.s32 $0xFFFFC000  }
0x2b: {  	_ =	swait.ge [sflag:s25], $0x4000  }
0x2c: {  	[sflag:s25] =	ssyncset.done $0x0  }
0x2d: {  	s1 =	sadd.s32 $0x0, s14;
	[sflag:s25] =	ssyncadd.s32 $0xFFFFC000  }
0x2e: {  	[hbm4b:s1+s3] =	stream.linear.scatter [tilespmem:s20], [sflag:$0x5], $0x4000, $0x38;
	[tilespmem:$0x15000] =	vst v63  }
0x2f: {  	_ =	swait.ge [sflag:s16], $0x4000  }
0x30: {  	[sflag:s16] =	ssyncset.done $0x0  }
0x31: {  	s5 =	simm.s32 $0x100;
	[sflag:s16] =	ssyncadd.s32 $0xFFFFC000  }
0x32: {  	[tilespmem:s19], [sflag:$0x1] =	stream.indirect.gather [hbm4b:s2+s18], $0x80, s5, s18, $0xb8;
	[tilespmem:$0x15000] =	vst v63  }
0x33: {  	s22 =	simm.s32 $0x2900  }
0x34: {  	[tilespmem:s20], [sflag:$0x3] =	stream.indirect.gather [hbm4b:s4+s18], $0x80, s22, s18, $0xb8;
	[tilespmem:$0x15000] =	vst v63  }
0x35: {  	_ =	swait.ge [sflag:s26], $0x4000  }
0x36: {  	[sflag:s26] =	ssyncset.done $0x0  }
0x37: {  	s1 =	sadd.s32 $0x0, s12;
	[sflag:s26] =	ssyncadd.s32 $0xFFFFC000  }
0x38: {  	[hbm4b:s1+s3] =	stream.linear.scatter [tilespmem:s21], [sflag:$0x5], $0x4000, $0x38;
	[tilespmem:$0x15000] =	vst v63  }
0x39: {  	_ =	swait.ge [sflag:s16], $0x4000  }
0x3a: {  	[sflag:s16] =	ssyncset.done $0x0  }
0x3b: {  	[sflag:s16] =	ssyncadd.s32 $0xFFFFC000  }
0x3c: {  	_ =	swait.ge [sflag:s28], $0x4000  }
0x3d: {  	[sflag:s28] =	ssyncset.done $0x0  }
0x3e: {  	s5 =	sadd.s32 $0x0, s13;
	[sflag:s28] =	ssyncadd.s32 $0xFFFFC000  }
0x3f: {  	[hbm4b:s5+s3] =	stream.linear.scatter [tilespmem:s23], [sflag:$0x5], $0x4000, $0x38;
	[tilespmem:$0x15000] =	vst v63  }
0x40: {  	s30 =	simm.s32 $0x2980;
	_ =	swait.ge [sflag:s16], $0x4000  }
0x41: {  	s31 =	simm.s32 $0x1000;
	s0 =	simm.s32 $0x280;
	[sflag:s16] =	ssyncset.done $0x0  }
0x42: {  	s22 =	simm.s32 $0x180;
	s1 =	simm.s32 $0x2A80;
	[sflag:s16] =	ssyncadd.s32 $0xFFFFC000  }
0x43: {  	[tilespmem:s21], [sflag:$0x2] =	stream.indirect.gather [hbm4b:s2+s18], $0x80, s22, s18, $0xb8;
	[tilespmem:$0x15000] =	vst v63  }
.LBB2_2:
0x44: {  	[tilespmem:s23], [sflag:$0x4] =	stream.indirect.gather [hbm4b:s4+s18], $0x80, s30, s18, $0xb8;
	[tilespmem:$0x15000] =	vst v63  }
0x45: {  	s22 =	smov.u32 s31;
	s30 =	smov.u32 s1  }
0x46: {  	p0 =	sne.s32 s31, $0x26000;
	s31 =	sadd.s32 $0x1000, s31;
	_ =	swait.ge [sflag:s24], $0x4000  }
0x47: {  	[sflag:s24] =	ssyncset.done $0x0  }
0x48: {  	s5 =	sadd.s32 s22, s15;
	[sflag:s24] =	ssyncadd.s32 $0xFFFFC000  }
0x49: {  	[hbm4b:s5+s3] =	stream.linear.scatter [tilespmem:s19], [sflag:$0x5], $0x4000, $0x38;
	[tilespmem:$0x15000] =	vst v63  }
0x4a: {  	_ =	swait.ge [sflag:s16], $0x4000  }
0x4b: {  	[sflag:s16] =	ssyncset.done $0x0  }
0x4c: {  	[sflag:s16] =	ssyncadd.s32 $0xFFFFC000  }
0x4d: {  	_ =	swait.ge [sflag:s25], $0x4000  }
0x4e: {  	[sflag:s25] =	ssyncset.done $0x0  }
0x4f: {  	s5 =	sadd.s32 s22, s14;
	[sflag:s25] =	ssyncadd.s32 $0xFFFFC000  }
0x50: {  	[hbm4b:s5+s3] =	stream.linear.scatter [tilespmem:s20], [sflag:$0x5], $0x4000, $0x38;
	[tilespmem:$0x15000] =	vst v63  }
0x51: {  	_ =	swait.ge [sflag:s16], $0x4000  }
0x52: {  	[sflag:s16] =	ssyncset.done $0x0  }
0x53: {  	s5 =	sadd.s32 $0xFFFFFF80, s0;
	[sflag:s16] =	ssyncadd.s32 $0xFFFFC000  }
0x54: {  	[tilespmem:s19], [sflag:$0x1] =	stream.indirect.gather [hbm4b:s2+s18], $0x80, s5, s18, $0xb8;
	[tilespmem:$0x15000] =	vst v63  }
0x55: {  	s5 =	sadd.s32 $0xFFFFFF80, s1  }
0x56: {  	[tilespmem:s20], [sflag:$0x3] =	stream.indirect.gather [hbm4b:s4+s18], $0x80, s5, s18, $0xb8;
	[tilespmem:$0x15000] =	vst v63  }
0x57: {  	_ =	swait.ge [sflag:s26], $0x4000  }
0x58: {  	[sflag:s26] =	ssyncset.done $0x0  }
0x59: {  	s5 =	sadd.s32 s22, s12;
	[sflag:s26] =	ssyncadd.s32 $0xFFFFC000  }
0x5a: {  	[hbm4b:s5+s3] =	stream.linear.scatter [tilespmem:s21], [sflag:$0x5], $0x4000, $0x38;
	[tilespmem:$0x15000] =	vst v63  }
0x5b: {  	_ =	swait.ge [sflag:s16], $0x4000  }
0x5c: {  	[sflag:s16] =	ssyncset.done $0x0  }
0x5d: {  	[sflag:s16] =	ssyncadd.s32 $0xFFFFC000  }
0x5e: {  	_ =	swait.ge [sflag:s28], $0x4000  }
0x5f: {  	[sflag:s28] =	ssyncset.done $0x0  }
0x60: {  	s5 =	sadd.s32 s22, s13;
	[sflag:s28] =	ssyncadd.s32 $0xFFFFC000  }
0x61: {  	[hbm4b:s5+s3] =	stream.linear.scatter [tilespmem:s23], [sflag:$0x5], $0x4000, $0x38;
	[tilespmem:$0x15000] =	vst v63  }
.Ltmp0:
0x62: {  	_ =	swait.ge [sflag:s16], $0x4000;
	(pc) =	sbr.rel @p0 .LBB2_2-.Ltmp0, $4  }
0x63: {  	[sflag:s16] =	ssyncset.done $0x0  }
0x64: {  	[sflag:s16] =	ssyncadd.s32 $0xFFFFC000  }
0x65: {  	[tilespmem:s21], [sflag:$0x2] =	stream.indirect.gather [hbm4b:s2+s18], $0x80, s0, s18, $0xb8;
	[tilespmem:$0x15000] =	vst v63  }
0x66: {  	s1 =	sadd.s32 $0x100, s1;
	s0 =	sadd.s32 $0x100, s0  }
0x67: {  	[tilespmem:s23], [sflag:$0x4] =	stream.indirect.gather [hbm4b:s4+s18], $0x80, s30, s18, $0xb8;
	[tilespmem:$0x15000] =	vst v63  }
0x68: {  	_ =	swait.ge [sflag:s24], $0x4000  }
0x69: {  	[sflag:s24] =	ssyncset.done $0x0  }
0x6a: {  	[sflag:s24] =	ssyncadd.s32 $0xFFFFC000  }
0x6b: {  	[hbm4b:s8+s3] =	stream.linear.scatter [tilespmem:s19], [sflag:$0x5], $0x4000, $0x38;
	[tilespmem:$0x15000] =	vst v63  }
0x6c: {  	_ =	swait.ge [sflag:s16], $0x4000  }
0x6d: {  	[sflag:s16] =	ssyncset.done $0x0  }
0x6e: {  	[sflag:s16] =	ssyncadd.s32 $0xFFFFC000  }
0x6f: {  	_ =	swait.ge [sflag:s25], $0x4000  }
0x70: {  	[sflag:s25] =	ssyncset.done $0x0  }
0x71: {  	[sflag:s25] =	ssyncadd.s32 $0xFFFFC000  }
0x72: {  	[hbm4b:s9+s3] =	stream.linear.scatter [tilespmem:s20], [sflag:$0x5], $0x4000, $0x38;
	[tilespmem:$0x15000] =	vst v63  }
0x73: {  	_ =	swait.ge [sflag:s16], $0x4000  }
0x74: {  	[sflag:s16] =	ssyncset.done $0x0  }
0x75: {  	[sflag:s16] =	ssyncadd.s32 $0xFFFFC000  }
0x76: {  	_ =	swait.ge [sflag:s26], $0x4000  }
0x77: {  	[sflag:s26] =	ssyncset.done $0x0  }
0x78: {  	[sflag:s26] =	ssyncadd.s32 $0xFFFFC000  }
0x79: {  	[hbm4b:s10+s3] =	stream.linear.scatter [tilespmem:s21], [sflag:$0x5], $0x4000, $0x38;
	[tilespmem:$0x15000] =	vst v63  }
0x7a: {  	_ =	swait.ge [sflag:s16], $0x4000  }
0x7b: {  	[sflag:s16] =	ssyncset.done $0x0  }
0x7c: {  	[sflag:s16] =	ssyncadd.s32 $0xFFFFC000  }
0x7d: {  	s29 =	sadd.s32 $0x1, s29;
	_ =	swait.ge [sflag:s28], $0x4000  }
0x7e: {  	p0 =	sne.s32 s29, s7;
	[sflag:s28] =	ssyncset.done $0x0  }
.Ltmp1:
0x7f: {  	[sflag:s28] =	ssyncadd.s32 $0xFFFFC000;
	(pc) =	sbr.rel @p0 .LBB2_1-.Ltmp1, $4  }
0x80: {  	[hbm4b:s11+s3] =	stream.linear.scatter [tilespmem:s23], [sflag:$0x5], $0x4000, $0x38;
	[tilespmem:$0x15000] =	vst v63  }
0x81: {  	_ =	swait.ge [sflag:s16], $0x4000  }
0x82: {  	[sflag:s16] =	ssyncset.done $0x0  }
0x83: {  	[sflag:s16] =	ssyncadd.s32 $0xFFFFC000  }
0x84: {  	_ =	sfence.sel $0x180000  }
0x85: {  	[bflag:$0x0] =	sbarrier.arrive $0xFFFF  }
0x86: {  	_ =	strace $0x9000004D  }
0x87: {  	s0 =	stileid.u32;
	[bflag:$0x2] =	sbarrier.arrive $0xFFFF  }
0x88: {  	p0 =	sne.s32 s0, $0x0;
	s0 =	rddreg [dreg:$0x2]  }
0x89: {  	s0 =	sadd.s32 @!p0 $0x100000, s0  }
0x8a: {  	[sflag:s0] =	ssyncadd.tile.s32 @!p0 $0x1;
	_ =	shalt  }
.Lfunc_end2:
_tile_overlayer_lowered:
.L_overlay_start_2:
0x8b: {  	(tag) =	ssettag $0x2  }
0x8c: {  	s0 =	rddreg [dreg:$0x0];
	s2 =	stileid.u32  }
0x8d: {  	s1 =	rddreg [dreg:$0x1];
	p0 =	sne.s32 s2, $0x0  }
0x8e: {  	s3 =	rddreg [dreg:$0x2];
	[bflag:$0x3] =	sbarrier.arrive $0xFFFF;
	s2 =	simm.s32 @!p0 $0x1C05  }
0x8f: {  	[timem:s3], [sflag:s2] =	dma.local @!p0 [hbm:s0], s1  }
0x90: {  	s0 =	simm.s32 @!p0 $0x5  }
0x91: {  	_ =	swait.ge @!p0 [sflag:s0], s1  }
0x92: {  	s1 =	ssub.s32 @!p0 $0x0, s1;
	[sflag:s0] =	ssyncset.done @!p0 $0x0  }
0x93: {  	[sflag:s0] =	ssyncadd.s32 @!p0 s1  }
0x94: {  	[bflag:$0x3] =	sbarrier.arrive $0xFFFF  }
0x95: {  	_ =	shalt  }

// kernel: kernel.20.cloned.1.call-start
scs
__scs_entry_jumppad:
0x0: {  	(pc) =	sbr.rel $0x88, $3  }
0x1: {  	(tag) =	ssettag $0x0;
	lr =	simm.s32 $0x1  }
0x2: {  	[smem:$0x3F88] =	sst lr;
	_ =	strace $0xD0000000  }
0x3: {  	_ = 	snop  }
0x4: {  	_ = 	snop  }
0x5: {  	_ = 	snop  }
0x6: {  	_ = 	snop  }
0x7: {  	_ = 	snop  }
__scs_overlays_trampoline_lowered:
0x8: {  	[smem:$0x3F97] =	sst s0  }
0x9: {  	[smem:$0x3F98] =	sst s1  }
0xa: {  	[smem:$0x3F99] =	sst s2  }
0xb: {  	[smem:$0x3F9A] =	sst s3  }
0xc: {  	[smem:$0x3F9B] =	sst s4  }
0xd: {  	[smem:$0x3F9C] =	sst s5  }
0xe: {  	[smem:$0x3F9D] =	sst s6  }
0xf: {  	[smem:$0x3F9E] =	sst s7  }
0x10: {  	[smem:$0x3F9F] =	sst s8  }
0x11: {  	[smem:$0x3FA0] =	sst s9;
	s0 =	simm.s32 @!p0 $0x0  }
0x12: {  	s1 =	sld [smem:$0x3F86];
	s0 =	simm.s32 @p0 $0x1  }
0x13: {  	[smem:$0x3FA1] =	sst s0;
	s0 =	simm.s32 @!p1 $0x0  }
0x14: {  	s2 =	sld [smem:$0x3F85];
	s0 =	simm.s32 @p1 $0x1  }
0x15: {  	[smem:$0x3FA2] =	sst s0;
	s0 =	simm.s32 @!p2 $0x0  }
0x16: {  	s3 =	sld [smem:$0x3FDB];
	s0 =	simm.s32 @p2 $0x1  }
0x17: {  	s4 =	simm.s32 $0x1BF5;
	[smem:$0x3FA4] =	sst s0  }
0x18: {  	s0 =	sld [smem:$0x3F87];
	_ =	swait.ge [sflag:s4], $0x0  }
0x19: {  	s7 =	sld [smem:$0x3F88]  }
0x1a: {  	s8 =	sadd.s32 $0xFFFFE003, lr  }
0x1b: {  	s9 =	sadd.s32 $0xFFFFFEF7, lr;
	s5 =	simm.s32 $0xFFFFFFFF;
	p2 =	slt.u32 s8, $0xFFFFF086  }
0x1c: {  	p1 =	slt.u32 s9, $0xF7A;
	s5 =	simm.s32 @!p2 $0x0  }
0x1d: {  	s5 =	simm.s32 @p1 $0x1;
	p0 =	seq.s32 s7, s2  }
0x1e: {  	s7 =	smul.u32 @!p0 $0xF7A, s2;
	p2 =	seq.s32 @!p0 s5, $0x0  }
0x1f: {  	s9 =	smul.u32 $0xF7A, s1;
	s8 =	simm.s32 @!p0 $0x1BF5;
	p2 =	por !p2, p0  }
0x20: {  	[sflag:s8] =	ssyncset.s32 @!p0 $0xFFFFF086;
	s6 =	sadd.s32 @!p0 s3, s7;
	s7 =	simm.s32 @!p0 $0x108  }
0x21: {  	s3 =	sadd.s32 s3, s9;
	s6 =	sadd.s32 @!p0 $0x88, s6;
	s7 =	simm.s32 @p2 $0x1082  }
0x22: {  	[simem:s7], [sflag:s8] =	dma.local @!p0 [hbm:s6], $0xF7A  }
0x23: {  	s9 =	sor.u32 $0xD0000000, s2;
	s6 =	simm.s32 $0x108;
	_ =	swait.ge @!p0 [sflag:s8], $0x0  }
0x24: {  	s3 =	sadd.s32 $0x88, s3;
	s6 =	simm.s32 @!p1 $0x1082;
	[sflag:s4] =	ssyncset.s32 $0xFFFFF086  }
0x25: {  	[simem:s6], [sflag:s4] =	dma.local [hbm:s3], $0xF7A  }
0x26: {  	[smem:$0x3F88] =	sst s1;
	(tag) =	ssettag s2;
	_ =	strace s9  }
0x27: {  	s1 =	sld [smem:$0x3F98]  }
0x28: {  	s2 =	sld [smem:$0x3F99]  }
0x29: {  	s4 =	sld [smem:$0x3F9B]  }
0x2a: {  	p0 =	seq.s32 s5, $0x0;
	s5 =	sld [smem:$0x3F9C]  }
0x2b: {  	s6 =	sld [smem:$0x3F9D]  }
0x2c: {  	s7 =	sld [smem:$0x3F9E]  }
0x2d: {  	s3 =	simm.s32 $0x108;
	s8 =	sld [smem:$0x3F9F]  }
0x2e: {  	s3 =	simm.s32 @!p0 $0x1082;
	s9 =	sld [smem:$0x3FA0]  }
0x2f: {  	lr =	sadd.s32 s0, s3;
	s0 =	sld [smem:$0x3F97]  }
0x30: {  	s3 =	sld [smem:$0x3F9A]  }
0x31: {  	[smem:$0x3FA3] =	sst s10  }
0x32: {  	s10 =	sld [smem:$0x3FA1];
	_ =	sdelay $0x3  }
0x33: {  	p0 =	seq.s32 s10, $0x1;
	s10 =	sld [smem:$0x3FA3];
	_ =	sdelay $0x3  }
0x34: {  	[smem:$0x3FA3] =	sst s10  }
0x35: {  	s10 =	sld [smem:$0x3FA2];
	_ =	sdelay $0x3  }
0x36: {  	p1 =	seq.s32 s10, $0x1;
	s10 =	sld [smem:$0x3FA3];
	_ =	sdelay $0x3  }
0x37: {  	[smem:$0x3FA3] =	sst s10  }
0x38: {  	s10 =	sld [smem:$0x3FA4]  }
0x39: {  	_ = 	snop;
	(pc) =	sbr.ind lr, $3  }
0x3a: {  	_ = 	snop  }
0x3b: {  	_ = 	snop  }
0x3c: {  	p2 =	seq.s32 s10, $0x1;
	s10 =	sld [smem:$0x3FA3]  }
0x3d: {  	_ =	shalt  }
0x3e: {  	_ =	shalt  }
0x3f: {  	_ =	shalt  }
0x40: {  	_ =	shalt  }
0x41: {  	_ =	shalt  }
0x42: {  	_ =	shalt  }
0x43: {  	_ =	shalt  }
0x44: {  	_ =	shalt  }
0x45: {  	_ =	shalt  }
0x46: {  	_ =	shalt  }
0x47: {  	_ =	shalt  }
0x48: {  	_ =	shalt  }
0x49: {  	_ =	shalt  }
0x4a: {  	_ =	shalt  }
0x4b: {  	_ =	shalt  }
0x4c: {  	_ =	shalt  }
0x4d: {  	_ =	shalt  }
0x4e: {  	_ =	shalt  }
0x4f: {  	_ =	shalt  }
0x50: {  	_ =	shalt  }
0x51: {  	_ =	shalt  }
0x52: {  	_ =	shalt  }
0x53: {  	_ =	shalt  }
0x54: {  	_ =	shalt  }
0x55: {  	_ =	shalt  }
0x56: {  	_ =	shalt  }
0x57: {  	_ =	shalt  }
0x58: {  	_ =	shalt  }
0x59: {  	_ =	shalt  }
0x5a: {  	_ =	shalt  }
0x5b: {  	_ =	shalt  }
0x5c: {  	_ =	shalt  }
0x5d: {  	_ =	shalt  }
0x5e: {  	_ =	shalt  }
0x5f: {  	_ =	shalt  }
0x60: {  	_ =	shalt  }
0x61: {  	_ =	shalt  }
0x62: {  	_ =	shalt  }
0x63: {  	_ =	shalt  }
0x64: {  	_ =	shalt  }
0x65: {  	_ =	shalt  }
0x66: {  	_ =	shalt  }
0x67: {  	_ =	shalt  }
0x68: {  	_ =	shalt  }
0x69: {  	_ =	shalt  }
0x6a: {  	_ =	shalt  }
0x6b: {  	_ =	shalt  }
0x6c: {  	_ =	shalt  }
0x6d: {  	_ =	shalt  }
0x6e: {  	_ =	shalt  }
0x6f: {  	_ =	shalt  }
0x70: {  	_ =	shalt  }
0x71: {  	_ =	shalt  }
0x72: {  	_ =	shalt  }
0x73: {  	_ =	shalt  }
0x74: {  	_ =	shalt  }
0x75: {  	_ =	shalt  }
0x76: {  	_ =	shalt  }
0x77: {  	_ =	shalt  }
0x78: {  	_ =	shalt  }
0x79: {  	_ =	shalt  }
0x7a: {  	_ =	shalt  }
0x7b: {  	_ =	shalt  }
0x7c: {  	_ =	shalt  }
0x7d: {  	_ =	shalt  }
0x7e: {  	_ =	shalt  }
0x7f: {  	_ =	shalt  }
0x80: {  	_ =	shalt  }
0x81: {  	_ =	shalt  }
0x82: {  	_ =	shalt  }
0x83: {  	_ =	shalt  }
0x84: {  	_ =	shalt  }
0x85: {  	_ =	shalt  }
0x86: {  	_ =	shalt  }
0x87: {  	_ =	shalt  }
.Lfunc_end0:
.L_simem_size_0:
called_computation.3_lowered:
.L_overlay_start_0:
0x88: {  	s2 =	sld [smem:$0x3FD9]  }
0x89: {  	s3 =	sld [smem:$0x3FFE];
	_ =	sdelay $0x1  }
0x8a: {  	s1 =	srdreg.scid  }
0x8b: {  	s0 =	sand.u32 $0x1, s1  }
0x8c: {  	s17 =	sshll.u32 s0, $0xA;
	s2 =	sadd.s32 s3, s2  }
0x8d: {  	s2 =	sadd.s32 s2, s17  }
0x8e: {  	[smem:$0x3FAF] =	sst s2  }
0x8f: {  	_ = 	snop  }
0x90: {  	s2 =	sld [smem:$0x3FD0];
	(tm) =	ssettm $0x1  }
0x91: {  	s18 =	sld [smem:$0x3FFB];
	_ =	sdelay $0x3  }
0x92: {  	_ =	strace s18  }
0x93: {  	s3 =	sld [smem:$0x3FFC];
	_ =	sdelay $0x3  }
0x94: {  	_ =	strace s3  }
0x95: {  	s3 =	sld [smem:$0x3FFD];
	_ =	sdelay $0x3  }
0x96: {  	_ =	strace s3  }
0x97: {  	_ =	strace $0x8FFFFFFF  }
0x98: {  	s19 =	sld [smem:$0x3FDB];
	_ =	sdelay $0x1  }
0x99: {  	s4 =	simm.s32 $_scs_section_size  }
0x9a: {  	s5 =	simm.s32 $_size__tile_overlayer_lowered;
	s6 =	simm.s32 $_tile_overlayer_lowered  }
0x9b: {  	s22 =	simm.s32 $0x1BFF;
	s21 =	sshll.u32 s6, $0x1;
	s3 =	sadd.s32 s4, s19  }
0x9c: {  	s7 =	simm.s32 $0x0;
	s20 =	sshll.u32 s5, $0x1;
	s5 =	sadd.s32 s21, s3  }
0x9d: {  	[timem:s7], [sflag:s22] =	dma.local [hbm:s5], s20  }
0x9e: {  	_ =	swait.ge [sflag:s22], s20  }
0x9f: {  	s4 =	ssub.s32 $0x0, s20;
	[sflag:s22] =	ssyncset.done $0x0  }
0xa0: {  	[sflag:s22] =	ssyncadd.s32 s4;
	_ =	sdelay $0x1  }
0xa1: {  	s23 =	simm.s32 $0x1B8B  }
0xa2: {  	_ =	swait.ge [sflag:s23], $0x1  }
0xa3: {  	[sflag:s23] =	ssyncset.done $0x0  }
0xa4: {  	s25 =	simm.s32 $0x1B8E;
	s24 =	sld [smem:$0x3FFE];
	[sflag:s23] =	ssyncadd.s32 $0xFFFFFFFF  }
0xa5: {  	s26 =	simm.s32 $execute0_lowered;
	[smem:$0x3FD2] =	sst s25  }
0xa6: {  	s5 =	sshll.u32 s26, $0x1;
	_ =	strace $0x8000004F;
	[dreg:$0x1] =	wrdreg $0xFFFFFFFF  }
0xa7: {  	s28 =	simm.s32 $_size_execute0_lowered;
	s3 =	sadd.s32 s3, s5;
	[dreg:$0x0] =	wrdreg $0x0  }
0xa8: {  	s5 =	sshll.u32 s28, $0x1;
	[dreg:$0x2] =	wrdreg s3  }
0xa9: {  	[dreg:$0x3] =	wrdreg s5  }
0xaa: {  	[dreg:$0x4] =	wrdreg $0xC0  }
0xab: {  	_ =	task [dreg:s7], $0x5FFFF  }
0xac: {  	[dreg:$0x1] =	wrdreg $0xFFFFFFFF  }
0xad: {  	[dreg:$0x0] =	wrdreg $0x60  }
0xae: {  	[dreg:$0x2] =	wrdreg s24  }
0xaf: {  	[dreg:$0x3] =	wrdreg s2  }
0xb0: {  	[dreg:$0x4] =	wrdreg $0x90000  }
0xb1: {  	[dreg:$0x5] =	wrdreg $0x1D0000  }
0xb2: {  	[dreg:$0x6] =	wrdreg $0x9  }
0xb3: {  	_ =	task.clear_ibuf [dreg:s7], $0x7FFFF;
	_ =	strace $0x9000004F  }
0xb4: {  	s29 =	simm.s32 $0x9;
	_ =	strace $0x80000051  }
0xb5: {  	_ =	swait.ge [sflag:s29], $0x1  }
0xb6: {  	[sflag:s29] =	ssyncadd.s32 $0xFFFFFFFF  }
0xb7: {  	_ =	strace $0x90000051  }
0xb8: {  	_ =	sfence  }
0xb9: {  	s30 =	sld [smem:$0x0];
	_ =	sdelay $0x2  }
0xba: {  	s31 =	sshll.u32 s1, $0xD;
	s1 =	sshrl.u32 s1, $0x2  }
0xbb: {  	s3 =	sand.u32 $0x4000, s31;
	s1 =	sadd.s32 s1, s30  }
0xbc: {  	s0 =	sor.u32 s3, s0;
	s1 =	sshll.u32 s1, $0x11  }
0xbd: {  	s0 =	sor.u32 s1, s0  }
0xbe: {  	s0 =	sadd.s32 $0x8F2B, s0  }
0xbf: {  	[sflag:s0] =	ssyncadd.remote.s32 $0x1  }
0xc0: {  	_ =	sfence.sel $0xFFFF  }
0xc1: {  	[dreg:$0x0] =	wrdreg $0xFFFFFFFF;
	(pc) =	sbr.abs _section_cstart, $3  }
0xc2: {  	[dreg:$0x1] =	wrdreg $0xFFFFFFFF  }
0xc3: {  	_ =	task.clear_ibuf [dreg:s7], $0x2FFFF;
	_ =	strace $0x9FFFFFFF  }
0xc4: {  	(tm) =	ssettm $0x7FFFFFFF  }
0xc5: {  	_ =	shalt  }
tec
execute0_lowered:
.L_overlay_start_1:
0x0: {  	(tag) =	ssettag $0x1  }
0x1: {  	s5 =	rddreg [dreg:$0x0]  }
0x2: {  	s13 =	rddreg [dreg:$0x1]  }
0x3: {  	s2 =	rddreg [dreg:$0x2]  }
0x4: {  	s3 =	rddreg [dreg:$0x3]  }
0x5: {  	s0 =	rddreg [dreg:$0x4]  }
0x6: {  	s1 =	stileid.u32;
	s6 =	srdreg.scid  }
0x7: {  	s4 =	simm.s32 $0x0;
	s22 =	simm.s32 $0x1;
	s23 =	simm.s32 $0x2800  }
0x8: {  	s24 =	simm.s32 $0x5000;
	s25 =	simm.s32 $0x80;
	s28 =	smul.u32 $0x280, s1  }
0x9: {  	s26 =	simm.s32 $0x0;
	s14 =	sand.u32 $0x1, s6;
	s9 =	smul.u32 $0x50000, s1  }
0xa: {  	[smem:$0x7FF] =	sst s4;
	s7 =	sshll.u32 s1, $0x1;
	s8 =	smul.u32 $0x2800, s14  }
0xb: {  	s12 =	sshll.u32 s1, $0xC;
	p0 =	sgt.u32 s1, $0x9;
	s31 =	smul.u32 $0xA000, s14  }
0xc: {  	_ =	strace $0x80000050;
	s7 =	sor.u32 s14, s7;
	s21 =	smul.u32 $0x28000, s14  }
0xd: {  	s29 =	ssub.s32 $0x2, s14;
	s7 =	smul.u32 $0x500, s7;
	s19 =	sadd.s32 s9, s5  }
0xe: {  	s10 =	sshrl.u32 s29, $0x1;
	s30 =	sshrl.u32 s9, $0x2;
	s6 =	sadd.s32 s8, s28  }
0xf: {  	s20 =	ssub.s32 s29, s10;
	s15 =	sadd.s32 s31, s12;
	s12 =	sadd.s32 s12, s3  }
0x10: {  	s21 =	sadd.s32 s21, s19;
	s6 =	sshll.u32 s6, $0x4;
	s7 =	sadd.s32 s7, s5  }
0x11: {  	s15 =	sshrl.u32 s15, $0x3;
	s19 =	smax.u32 s20, $0x1;
	s20 =	sadd.s32 $0x1E30600, s21  }
0x12: {  	s21 =	sadd.s32 $0x1930600, s21;
	s18 =	sadd.s32 s6, s5;
	s5 =	sadd.s32 $0x13400, s7  }
0x13: {  	s6 =	sadd.s32 $0x9400, s7;
	s7 =	sadd.s32 s30, s2;
	s13 =	sadd.s32 s13, s15  }
0x14: {  	s8 =	sadd.s32 $0x4000, s7;
	s9 =	sadd.s32 $0x8000, s7;
	s10 =	sadd.s32 $0xC000, s7  }
0x15: {  	s11 =	sadd.s32 $0x10000, s7;
	s14 =	sadd.s32 $0x1D400, s18;
	s15 =	sadd.s32 $0x1DC00, s18  }
0x16: {  	v0 =	vimm.f32 $0.0e+00;
	s16 =	sadd.s32 $0x1E400, s18;
	s17 =	sadd.s32 $0x1EC00, s18;
	s18 =	sadd.s32 $0x1F400, s18  }
.LBB2_1:
0x17: {  	[tilespmem:s4], [sflag:$0x1] =	stream.linear.gather [hbm4b:s5+s4], $0x2800, $0x38;
	[tilespmem:$0x1DA00] =	vst v63  }
0x18: {  	_ =	swait.ge [sflag:s22], $0x2800  }
0x19: {  	[sflag:s22] =	ssyncset.done $0x0  }
0x1a: {  	[sflag:s22] =	ssyncadd.s32 $0xFFFFD800  }
0x1b: {  	[tilespmem:s23], [sflag:$0x1] =	stream.linear.gather [hbm4b:s6+s4], $0x2800, $0x38;
	[tilespmem:$0x1DA00] =	vst v63  }
0x1c: {  	_ =	swait.ge [sflag:s22], $0x2800  }
0x1d: {  	[sflag:s22] =	ssyncset.done $0x0  }
0x1e: {  	s28 =	simm.s32 $0x0;
	s29 =	simm.s32 $0x200;
	[sflag:s22] =	ssyncadd.s32 $0xFFFFD800  }
.LBB2_2:
0x1f: {  	p1 =	sne.s32 s29, $0xFE00;
	[tilespmem:s28+$0x5070] =	vst v0  }
0x20: {  	[tilespmem:s28+$0x5000] =	vst v0  }
0x21: {  	[tilespmem:s28+$0x5010] =	vst v0  }
.Ltmp0:
0x22: {  	[tilespmem:s28+$0x5020] =	vst v0;
	(pc) =	sbr.rel @p1 .LBB2_2-.Ltmp0, $4  }
0x23: {  	[tilespmem:s28+$0x5030] =	vst v0  }
0x24: {  	[tilespmem:s28+$0x5040] =	vst v0  }
0x25: {  	[tilespmem:s28+$0x5050] =	vst v0  }
0x26: {  	[tilespmem:s28+$0x5060] =	vst v0;
	s28 =	sshra.s32 s29, $0x2;
	s29 =	sadd.s32 $0x200, s29  }
0x27: {  	[tilespmem:s28+$0x5070] =	vst v0  }
0x28: {  	[tilespmem:s28+$0x5000] =	vst v0  }
0x29: {  	[tilespmem:s28+$0x5010] =	vst v0  }
0x2a: {  	[tilespmem:s28+$0x5020] =	vst v0  }
0x2b: {  	[tilespmem:s28+$0x5030] =	vst v0  }
0x2c: {  	[tilespmem:s28+$0x5040] =	vst v0  }
0x2d: {  	[tilespmem:s28+$0x5050] =	vst v0  }
0x2e: {  	[tilespmem:s28+$0x5060] =	vst v0  }
0x2f: {  	[spmem:s7] =	stream.linear.scatter [tilespmem:s24], [sflag:$0x1], $0x4000, $0x38;
	[tilespmem:$0x1DA00] =	vst v63  }
0x30: {  	_ =	swait.ge [sflag:s22], $0x4000  }
0x31: {  	[sflag:s22] =	ssyncset.done $0x0  }
0x32: {  	[sflag:s22] =	ssyncadd.s32 $0xFFFFC000  }
0x33: {  	[spmem:s8] =	stream.linear.scatter [tilespmem:s24], [sflag:$0x1], $0x4000, $0x38;
	[tilespmem:$0x1DA00] =	vst v63  }
0x34: {  	_ =	swait.ge [sflag:s22], $0x4000  }
0x35: {  	[sflag:s22] =	ssyncset.done $0x0  }
0x36: {  	[sflag:s22] =	ssyncadd.s32 $0xFFFFC000  }
0x37: {  	[spmem:s9] =	stream.linear.scatter [tilespmem:s24], [sflag:$0x1], $0x4000, $0x38;
	[tilespmem:$0x1DA00] =	vst v63  }
0x38: {  	_ =	swait.ge [sflag:s22], $0x4000  }
0x39: {  	[sflag:s22] =	ssyncset.done $0x0  }
0x3a: {  	[sflag:s22] =	ssyncadd.s32 $0xFFFFC000  }
0x3b: {  	[spmem:s10] =	stream.linear.scatter [tilespmem:s24], [sflag:$0x1], $0x4000, $0x38;
	[tilespmem:$0x1DA00] =	vst v63  }
0x3c: {  	_ =	swait.ge [sflag:s22], $0x4000  }
0x3d: {  	[sflag:s22] =	ssyncset.done $0x0  }
0x3e: {  	[sflag:s22] =	ssyncadd.s32 $0xFFFFC000  }
0x3f: {  	[spmem:s11] =	stream.linear.scatter [tilespmem:s24], [sflag:$0x1], $0x4000, $0x38;
	[tilespmem:$0x1DA00] =	vst v63  }
0x40: {  	_ =	swait.ge [sflag:s22], $0x4000  }
0x41: {  	[sflag:s22] =	ssyncset.done $0x0  }
0x42: {  	s28 =	simm.s32 @!p0 $0x5000;
	[sflag:s22] =	ssyncadd.s32 $0xFFFFC000  }
0x43: {  	[spmem:s12] =	stream.linear.scatter @!p0 [tilespmem:s28], [sflag:$0x1], $0x1000, $0x38;
	[tilespmem:$0x1DA00] =	vst v63  }
0x44: {  	s28 =	simm.s32 @!p0 $0x1  }
0x45: {  	_ =	swait.ge @!p0 [sflag:s28], $0x1000  }
0x46: {  	[sflag:s28] =	ssyncset.done @!p0 $0x0  }
0x47: {  	[sflag:s28] =	ssyncadd.s32 @!p0 $0xFFFFF000  }
0x48: {  	[bflag:$0x0] =	sbarrier.arrive $0xFFFF  }
0x49: {  	[tilespmem:s24], [sflag:$0x1] =	stream.linear.gather [hbm4b:s21+s4], $0x4000, $0x38;
	[tilespmem:$0x1DA00] =	vst v63  }
0x4a: {  	_ =	swait.ge [sflag:s22], $0x4000  }
0x4b: {  	[sflag:s22] =	ssyncset.done $0x0  }
0x4c: {  	s28 =	simm.s32 $0x0;
	[sflag:s22] =	ssyncadd.s32 $0xFFFFC000  }
0x4d: {  	[spmem:s2] =	stream.indirect.scatter.add.f32 [tilespmem:s24], [sflag:$0x1], $0x80, s28, s25, $0xb8;
	[tilespmem:$0x1DA00] =	vst v63  }
0x4e: {  	_ =	swait.ge [sflag:s22], $0x4000  }
0x4f: {  	[sflag:s22] =	ssyncset.done $0x0  }
0x50: {  	[sflag:s22] =	ssyncadd.s32 $0xFFFFC000  }
0x51: {  	[tilespmem:s24], [sflag:$0x1] =	stream.linear.gather [hbm4b:s20+s4], $0x4000, $0x38;
	[tilespmem:$0x1DA00] =	vst v63  }
0x52: {  	_ =	swait.ge [sflag:s22], $0x4000  }
0x53: {  	[sflag:s22] =	ssyncset.done $0x0  }
0x54: {  	s28 =	simm.s32 $0x2800;
	[sflag:s22] =	ssyncadd.s32 $0xFFFFC000  }
0x55: {  	[spmem:s3] =	stream.indirect.scatter.add.f32 [tilespmem:s24], [sflag:$0x1], $0x80, s28, s25, $0xb8;
	[tilespmem:$0x1DA00] =	vst v63  }
0x56: {  	s29 =	smov.u32 s20;
	_ =	swait.ge [sflag:s22], $0x4000  }
0x57: {  	s30 =	smov.u32 s21;
	s28 =	simm.s32 $0x200;
	[sflag:s22] =	ssyncset.done $0x0  }
.LBB2_4:
0x58: {  	[sflag:s22] =	ssyncadd.s32 $0xFFFFC000  }
0x59: {  	s29 =	sadd.s32 $0x800, s29;
	s30 =	sadd.s32 $0x800, s30;
	s31 =	smov.u32 s28  }
0x5a: {  	[tilespmem:s24], [sflag:$0x1] =	stream.linear.gather [hbm4b:s30+s4], $0x4000, $0x38;
	[tilespmem:$0x1DA00] =	vst v63  }
0x5b: {  	p1 =	sne.s32 s28, $0x9E00;
	s28 =	sadd.s32 $0x200, s28;
	_ =	swait.ge [sflag:s22], $0x4000  }
0x5c: {  	[sflag:s22] =	ssyncset.done $0x0  }
0x5d: {  	s31 =	sshra.s32 s31, $0x2;
	[sflag:s22] =	ssyncadd.s32 $0xFFFFC000  }
0x5e: {  	[spmem:s2] =	stream.indirect.scatter.add.f32 [tilespmem:s24], [sflag:$0x1], $0x80, s31, s25, $0xb8;
	[tilespmem:$0x1DA00] =	vst v63  }
0x5f: {  	_ =	swait.ge [sflag:s22], $0x4000  }
0x60: {  	[sflag:s22] =	ssyncset.done $0x0  }
0x61: {  	[sflag:s22] =	ssyncadd.s32 $0xFFFFC000  }
0x62: {  	[tilespmem:s24], [sflag:$0x1] =	stream.linear.gather [hbm4b:s29+s4], $0x4000, $0x38;
	[tilespmem:$0x1DA00] =	vst v63  }
0x63: {  	_ =	swait.ge [sflag:s22], $0x4000  }
.Ltmp1:
0x64: {  	[sflag:s22] =	ssyncset.done $0x0;
	(pc) =	sbr.rel @p1 .LBB2_4-.Ltmp1, $4  }
0x65: {  	s31 =	sadd.s32 $0x2800, s31;
	[sflag:s22] =	ssyncadd.s32 $0xFFFFC000  }
0x66: {  	[spmem:s3] =	stream.indirect.scatter.add.f32 [tilespmem:s24], [sflag:$0x1], $0x80, s31, s25, $0xb8;
	[tilespmem:$0x1DA00] =	vst v63  }
0x67: {  	_ =	swait.ge [sflag:s22], $0x4000  }
0x68: {  	[sflag:s22] =	ssyncset.done $0x0  }
0x69: {  	[sflag:s22] =	ssyncadd.s32 $0xFFFFC000  }
0x6a: {  	[bflag:$0x0] =	sbarrier.arrive $0xFFFF  }
0x6b: {  	[tilespmem:s24], [sflag:$0x1] =	stream.linear.gather [spmem:s7], $0x4000, $0x38;
	[tilespmem:$0x1DA00] =	vst v63  }
0x6c: {  	_ =	swait.ge [sflag:s22], $0x4000  }
0x6d: {  	[sflag:s22] =	ssyncset.done $0x0  }
0x6e: {  	[sflag:s22] =	ssyncadd.s32 $0xFFFFC000  }
0x6f: {  	[hbm4b:s14+s4] =	stream.linear.scatter [tilespmem:s24], [sflag:$0x1], $0x4000, $0x38;
	[tilespmem:$0x1DA00] =	vst v63  }
0x70: {  	_ =	swait.ge [sflag:s22], $0x4000  }
0x71: {  	[sflag:s22] =	ssyncset.done $0x0  }
0x72: {  	[sflag:s22] =	ssyncadd.s32 $0xFFFFC000  }
0x73: {  	[tilespmem:s24], [sflag:$0x1] =	stream.linear.gather [spmem:s8], $0x4000, $0x38;
	[tilespmem:$0x1DA00] =	vst v63  }
0x74: {  	_ =	swait.ge [sflag:s22], $0x4000  }
0x75: {  	[sflag:s22] =	ssyncset.done $0x0  }
0x76: {  	[sflag:s22] =	ssyncadd.s32 $0xFFFFC000  }
0x77: {  	[hbm4b:s15+s4] =	stream.linear.scatter [tilespmem:s24], [sflag:$0x1], $0x4000, $0x38;
	[tilespmem:$0x1DA00] =	vst v63  }
0x78: {  	_ =	swait.ge [sflag:s22], $0x4000  }
0x79: {  	[sflag:s22] =	ssyncset.done $0x0  }
0x7a: {  	[sflag:s22] =	ssyncadd.s32 $0xFFFFC000  }
0x7b: {  	[tilespmem:s24], [sflag:$0x1] =	stream.linear.gather [spmem:s9], $0x4000, $0x38;
	[tilespmem:$0x1DA00] =	vst v63  }
0x7c: {  	_ =	swait.ge [sflag:s22], $0x4000  }
0x7d: {  	[sflag:s22] =	ssyncset.done $0x0  }
0x7e: {  	[sflag:s22] =	ssyncadd.s32 $0xFFFFC000  }
0x7f: {  	[hbm4b:s16+s4] =	stream.linear.scatter [tilespmem:s24], [sflag:$0x1], $0x4000, $0x38;
	[tilespmem:$0x1DA00] =	vst v63  }
0x80: {  	_ =	swait.ge [sflag:s22], $0x4000  }
0x81: {  	[sflag:s22] =	ssyncset.done $0x0  }
0x82: {  	[sflag:s22] =	ssyncadd.s32 $0xFFFFC000  }
0x83: {  	[tilespmem:s24], [sflag:$0x1] =	stream.linear.gather [spmem:s10], $0x4000, $0x38;
	[tilespmem:$0x1DA00] =	vst v63  }
0x84: {  	_ =	swait.ge [sflag:s22], $0x4000  }
0x85: {  	[sflag:s22] =	ssyncset.done $0x0  }
0x86: {  	[sflag:s22] =	ssyncadd.s32 $0xFFFFC000  }
0x87: {  	[hbm4b:s17+s4] =	stream.linear.scatter [tilespmem:s24], [sflag:$0x1], $0x4000, $0x38;
	[tilespmem:$0x1DA00] =	vst v63  }
0x88: {  	_ =	swait.ge [sflag:s22], $0x4000  }
0x89: {  	[sflag:s22] =	ssyncset.done $0x0  }
0x8a: {  	[sflag:s22] =	ssyncadd.s32 $0xFFFFC000  }
0x8b: {  	[tilespmem:s24], [sflag:$0x1] =	stream.linear.gather [spmem:s11], $0x4000, $0x38;
	[tilespmem:$0x1DA00] =	vst v63  }
0x8c: {  	_ =	swait.ge [sflag:s22], $0x4000  }
0x8d: {  	[sflag:s22] =	ssyncset.done $0x0  }
0x8e: {  	[sflag:s22] =	ssyncadd.s32 $0xFFFFC000  }
0x8f: {  	[hbm4b:s18+s4] =	stream.linear.scatter [tilespmem:s24], [sflag:$0x1], $0x4000, $0x38;
	[tilespmem:$0x1DA00] =	vst v63  }
0x90: {  	_ =	swait.ge [sflag:s22], $0x4000  }
0x91: {  	[sflag:s22] =	ssyncset.done $0x0  }
0x92: {  	s28 =	simm.s32 @!p0 $0x5000;
	s29 =	simm.s32 @!p0 $0x1;
	[sflag:s22] =	ssyncadd.s32 $0xFFFFC000  }
0x93: {  	[tilespmem:s28], [sflag:$0x1] =	stream.linear.gather @!p0 [spmem:s12], $0x1000, $0x38;
	[tilespmem:$0x1DA00] =	vst v63  }
0x94: {  	s26 =	sadd.s32 $0x1, s26;
	_ =	swait.ge @!p0 [sflag:s29], $0x1000  }
0x95: {  	p1 =	sne.s32 s26, s19;
	[sflag:s29] =	ssyncset.done @!p0 $0x0  }
.Ltmp2:
0x96: {  	s30 =	simm.s32 @!p0 $0x0;
	[sflag:s29] =	ssyncadd.s32 @!p0 $0xFFFFF000;
	(pc) =	sbr.rel @p1 .LBB2_1-.Ltmp2, $4  }
0x97: {  	[hbm4b:s13+s30] =	stream.linear.scatter @!p0 [tilespmem:s28], [sflag:$0x1], $0x1000, $0x38;
	[tilespmem:$0x1DA00] =	vst v63  }
0x98: {  	_ =	swait.ge @!p0 [sflag:s29], $0x1000  }
0x99: {  	[sflag:s29] =	ssyncset.done @!p0 $0x0  }
0x9a: {  	[sflag:s29] =	ssyncadd.s32 @!p0 $0xFFFFF000  }
0x9b: {  	_ =	sfence.sel $0x180000  }
0x9c: {  	[bflag:$0x0] =	sbarrier.arrive $0xFFFF  }
0x9d: {  	p0 =	sne.s32 s1, $0x0;
	_ =	strace $0x90000050  }
0x9e: {  	s0 =	sadd.s32 @!p0 $0x100000, s0;
	[bflag:$0x2] =	sbarrier.arrive $0xFFFF  }
0x9f: {  	[sflag:s0] =	ssyncadd.tile.s32 @!p0 $0x1;
	_ =	shalt  }
.Lfunc_end2:
_tile_overlayer_lowered:
.L_overlay_start_2:
0xa0: {  	(tag) =	ssettag $0x2  }
0xa1: {  	s0 =	rddreg [dreg:$0x0];
	s2 =	stileid.u32  }
0xa2: {  	s1 =	rddreg [dreg:$0x1];
	p0 =	sne.s32 s2, $0x0  }
0xa3: {  	s3 =	rddreg [dreg:$0x2];
	[bflag:$0x3] =	sbarrier.arrive $0xFFFF;
	s2 =	simm.s32 @!p0 $0x1C01  }
0xa4: {  	[timem:s3], [sflag:s2] =	dma.local @!p0 [hbm:s0], s1  }
0xa5: {  	s0 =	simm.s32 @!p0 $0x1  }
0xa6: {  	_ =	swait.ge @!p0 [sflag:s0], s1  }
0xa7: {  	s1 =	ssub.s32 @!p0 $0x0, s1;
	[sflag:s0] =	ssyncset.done @!p0 $0x0  }
0xa8: {  	[sflag:s0] =	ssyncadd.s32 @!p0 s1  }
0xa9: {  	[bflag:$0x3] =	sbarrier.arrive $0xFFFF  }
0xaa: {  	_ =	shalt  }

</sc_bundles>
